<compile_context>
chip_gen: v7x
topology: tpu7x:2x2x1
jax: 0.10.2.dev20260603
libtpu: 0.0.44.dev20260713+nightly
codegen_flags: <defaults>
</compile_context>

<pallas_src>
import functools

import jax
import jax.numpy as jnp
from jax import lax
from jax.experimental import pallas as pl
from jax.experimental.pallas import tpu as pltpu
from jax.experimental.pallas import tpu_sc as plsc

_D = 128
_NW = 32
_DPT = _D // _NW
_L = 16
_C = 2560
_UNROLL = 8


def _tc_pre(feat, W_pool, bp, WsT, bs):
    M, D = feat.shape
    def body(x_ref, wp_ref, bp_ref, ws_ref, bs_ref, ht_ref, s_ref):
        x = x_ref[...]
        hp = lax.dot_general(wp_ref[...], x, (((1,), (1,)), ((), ())),
                             preferred_element_type=jnp.float32)
        ht_ref[...] = jnp.maximum(hp + bp_ref[...], 0.0)
        sp = jnp.dot(x, ws_ref[...], preferred_element_type=jnp.float32)
        s_ref[...] = sp + bs_ref[...]
    return pl.pallas_call(
        body,
        out_shape=[
            jax.ShapeDtypeStruct((D, M), jnp.float32),
            jax.ShapeDtypeStruct((M, D), jnp.float32),
        ],
    )(feat, W_pool, bp.reshape(D, 1), WsT, bs.reshape(1, D))


def _tc_post(selfpart, neigh_t, W_neigh, bn):
    M, D = selfpart.shape
    def body(s_ref, n_ref, w_ref, b_ref, o_ref):
        nm = lax.dot_general(n_ref[...], w_ref[...], (((0,), (1,)), ((), ())),
                             preferred_element_type=jnp.float32)
        o_ref[...] = s_ref[...] + nm + b_ref[...]
    return pl.pallas_call(
        body,
        out_shape=jax.ShapeDtypeStruct((M, D), jnp.float32),
    )(selfpart, neigh_t, W_neigh, bn.reshape(1, D))


def _sc_agg(h_t, src, dst, w):
    D, N = h_t.shape
    E = src.shape[0]
    nchunk = E // _C
    assert nchunk * _C == E, "edge count must divide the scan chunk"
    assert N % _L == 0 and D == _D

    mesh = plsc.VectorSubcoreMesh(core_axis_name="c", subcore_axis_name="s")

    ngroups = _C // (_L * _UNROLL)

    @functools.partial(
        pl.kernel,
        out_type=jax.ShapeDtypeStruct((D, N), jnp.float32),
        mesh=mesh,
        scratch_types=(
            [pltpu.VMEM((N,), jnp.float32)] * _DPT +
            [pltpu.VMEM((N,), jnp.float32)] * _DPT +
            [
                pltpu.VMEM((_C,), jnp.int32),
                pltpu.VMEM((_C,), jnp.int32),
                pltpu.VMEM((_C,), jnp.float32),
                pltpu.VMEM((ngroups * _L,), jnp.int32),
                pltpu.VMEM_SHARED((E,), jnp.int32),
                pltpu.VMEM_SHARED((E,), jnp.int32),
                pltpu.SemaphoreType.DMA,
            ]
        ),
        compiler_params=pltpu.CompilerParams(needs_layout_passes=False),
    )
    def sc_kernel(ht_hbm, src_hbm, dst_hbm, w_hbm, out_hbm,
                  hb0, hb1, hb2, hb3, ac0, ac1, ac2, ac3,
                  sbuf, dbuf, wbuf, fbuf, s_sh, d_sh, sem):
        hbs = [hb0, hb1, hb2, hb3]
        acs = [ac0, ac1, ac2, ac3]
        wid = lax.axis_index("s") * 2 + lax.axis_index("c")
        d0 = wid * _DPT
        neg = jnp.float32(-jnp.inf)
        iota = lax.iota(jnp.int32, _L)

        @pl.when(lax.axis_index("s") == 0)
        def _():
            pltpu.sync_copy(src_hbm, s_sh)
            pltpu.sync_copy(dst_hbm, d_sh)

        for d4 in range(_DPT):
            pltpu.sync_copy(ht_hbm.at[d0 + d4], hbs[d4])
        plsc.subcore_barrier()

        def init_body(j, _):
            for d4 in range(_DPT):
                acs[d4][pl.ds(j * _L, _L)] = jnp.full((_L,), neg, jnp.float32)
            return 0
        lax.fori_loop(0, N // _L, init_body, 0)

        start = (wid * nchunk) // _NW

        def chunk_body(j, _):
            off = lax.rem(start + j, nchunk) * _C
            pltpu.sync_copy(s_sh.at[pl.ds(off, _C)], sbuf)
            pltpu.sync_copy(d_sh.at[pl.ds(off, _C)], dbuf)
            pltpu.sync_copy(w_hbm.at[pl.ds(off, _C)], wbuf)

            def group_body(g, _):
                conf = None
                for u in range(_UNROLL):
                    b = (g * _UNROLL + u) * _L
                    srcv = sbuf[pl.ds(b, _L)]
                    dstv = dbuf[pl.ds(b, _L)]
                    wv = wbuf[pl.ds(b, _L)]
                    msgs = []
                    for d4 in range(_DPT):
                        msg = plsc.load_gather(hbs[d4], [srcv]) * wv
                        a = plsc.load_gather(acs[d4], [dstv])
                        plsc.store_scatter(acs[d4], [dstv],
                                           jnp.maximum(a, msg))
                        msgs.append(msg)
                    bad = None
                    for d4 in range(_DPT):
                        a2 = plsc.load_gather(acs[d4], [dstv])
                        f = (a2 < msgs[d4]).astype(jnp.int32)
                        bad = f if bad is None else (bad | f)
                    conf = bad if conf is None else (conf | bad)
                fbuf[pl.ds(g * _L, _L)] = conf
                return 0
            lax.fori_loop(0, ngroups, group_body, 0)

            def repair_vreg(v, _):
                b = v * _L
                srcv = sbuf[pl.ds(b, _L)]
                dstv = dbuf[pl.ds(b, _L)]
                wv = wbuf[pl.ds(b, _L)]
                for l in range(_L):
                    ssp = jnp.full((_L,), srcv[l], jnp.int32)
                    dsp = jnp.full((_L,), dstv[l], jnp.int32)
                    wsp = wv[l]
                    for d4 in range(_DPT):
                        msg = plsc.load_gather(hbs[d4], [ssp]) * wsp
                        a = plsc.load_gather(acs[d4], [dsp])
                        plsc.store_scatter(acs[d4], [dsp],
                                           jnp.maximum(a, msg))
                return 0

            def scan_body(g, _):
                conf = fbuf[pl.ds(g * _L, _L)]

                @pl.when(jnp.any(conf != 0))
                def _():
                    lax.fori_loop(g * _UNROLL, (g + 1) * _UNROLL,
                                  repair_vreg, 0)
                return 0
            lax.fori_loop(0, ngroups, scan_body, 0)
            return 0
        lax.fori_loop(0, nchunk, chunk_body, 0)

        def fix_body(j, _):
            for d4 in range(_DPT):
                a = acs[d4][pl.ds(j * _L, _L)]
                acs[d4][pl.ds(j * _L, _L)] = jnp.where(a == neg, 0.0, a)
            return 0
        lax.fori_loop(0, N // _L, fix_body, 0)
        for d4 in range(_DPT):
            pltpu.sync_copy(acs[d4], out_hbm.at[d0 + d4])

    return sc_kernel(h_t, src, dst, w)


def kernel(feat, edge_index, weight, W_pool, b_pool, W_self, b_self,
           W_neigh, b_neigh):
    h_t, selfpart = _tc_pre(feat, W_pool, b_pool, W_self.T, b_self)
    neigh_t = _sc_agg(h_t, edge_index[0], edge_index[1], weight[:, 0])
    return _tc_post(selfpart, neigh_t, W_neigh, b_neigh)

# --- scband reference (transcript-rebuilt; emitter-appended) ---
"""Pipeline reference for scband-model-layer-39694087750056 (READ-ONLY COPY).

The authoritative reference and input builder live on the scoring server;
editing this copy changes nothing except your own understanding.
"""

import jax, jax.numpy as jnp
import numpy as np

N = 10000
E = 320000
D = 128


def setup_inputs(seed: int = 0) -> dict:
    key = jax.random.key(seed)
    ks = jax.random.split(key, 10)
    feat = jax.random.normal(ks[0], (N, D), dtype=jnp.float32)
    edge_index = jax.random.randint(ks[1], (2, E), 0, N, dtype=jnp.int32)
    weight = jax.random.uniform(ks[2], (E, 1), dtype=jnp.float32)
    # learned parameters (xavier-ish scale)
    s = 1.0 / np.sqrt(D)
    W_pool = jax.random.normal(ks[3], (D, D), dtype=jnp.float32) * s
    b_pool = jnp.zeros((D,), dtype=jnp.float32)
    W_self = jax.random.normal(ks[4], (D, D), dtype=jnp.float32) * s
    b_self = jnp.zeros((D,), dtype=jnp.float32)
    W_neigh = jax.random.normal(ks[5], (D, D), dtype=jnp.float32) * s
    b_neigh = jnp.zeros((D,), dtype=jnp.float32)
    return {
        "feat": feat,
        "edge_index": edge_index,
        "weight": weight,
        "W_pool": W_pool,
        "b_pool": b_pool,
        "W_self": W_self,
        "b_self": b_self,
        "W_neigh": W_neigh,
        "b_neigh": b_neigh,
    }


def reference(feat, edge_index, weight, W_pool, b_pool, W_self, b_self, W_neigh, b_neigh):
    # feat_drop is identity (p=0.0); no tuple input, so feat_src = feat_dst = feat
    h_self = feat
    # graph.srcdata['h'] = relu(fc_pool(feat_src))
    h = jax.nn.relu(feat @ W_pool.T + b_pool)
    src = edge_index[0]
    dst = edge_index[1]
    # fn.u_mul_e('h', 'w', 'm'): message = h[src] * w  (w broadcasts over feature dim)
    m = jnp.take(h, src, axis=0) * weight
    # fn.max('m', 'neigh'): per-dst-node max over incoming messages
    neigh = jax.ops.segment_max(m, dst, num_segments=N)
    # DGL fills nodes with no in-edges with 0; segment_max identity is -inf
    neigh = jnp.where(jnp.isneginf(neigh), 0.0, neigh)
    rst = (h_self @ W_self.T + b_self) + (neigh @ W_neigh.T + b_neigh)
    # activation=None, norm=None
    return rst

if __name__ == "__main__":
    import jax
    _d = setup_inputs()
    print(jax.jit(kernel)(*tuple(_d.values())))

</pallas_src>

<mosaic_0001>
#map = affine_map<(d0, d1) -> (0, 0)>
#map1 = affine_map<(d0, d1) -> (0)>
module attributes {stable_mosaic.version = 14 : i64} {
  func.func @sc_kernel(%arg0: i32, %arg1: i32, %arg2: memref<128x10000xf32, #tpu.memory_space<hbm>>, %arg3: memref<320000xi32, #tpu.memory_space<hbm>>, %arg4: memref<320000xi32, #tpu.memory_space<hbm>>, %arg5: memref<320000xf32, #tpu.memory_space<hbm>>, %arg6: memref<128x10000xf32, #tpu.memory_space<hbm>>, %arg7: memref<10000xf32, #tpu.memory_space<vmem>>, %arg8: memref<10000xf32, #tpu.memory_space<vmem>>, %arg9: memref<10000xf32, #tpu.memory_space<vmem>>, %arg10: memref<10000xf32, #tpu.memory_space<vmem>>, %arg11: memref<10000xf32, #tpu.memory_space<vmem>>, %arg12: memref<10000xf32, #tpu.memory_space<vmem>>, %arg13: memref<10000xf32, #tpu.memory_space<vmem>>, %arg14: memref<10000xf32, #tpu.memory_space<vmem>>, %arg15: memref<2560xi32, #tpu.memory_space<vmem>>, %arg16: memref<2560xi32, #tpu.memory_space<vmem>>, %arg17: memref<2560xf32, #tpu.memory_space<vmem>>, %arg18: memref<320xi32, #tpu.memory_space<vmem>>, %arg19: memref<320000xi32, #tpu.memory_space<vmem_shared>>, %arg20: memref<320000xi32, #tpu.memory_space<vmem_shared>>, %arg21: memref<!tpu.dma_semaphore, #tpu.memory_space<semaphore_mem>>) attributes {dimension_semantics = [#tpu.dimension_semantics<core_parallel>, #tpu.dimension_semantics<subcore_parallel>], iteration_bounds = array<i64: 2, 16>, scalar_prefetch = 0 : i64, scratch_operands = 15 : i64, tpu.core_type = #tpu.core_type<sc_vector_subcore>, window_params = [{transform_indices = #map}, {transform_indices = #map1}, {transform_indices = #map1}, {transform_indices = #map1}, {transform_indices = #map}]} {
    %mul3A = arith.constant 2 : i32
    %mul3A_0 = arith.muli %arg1, %mul3A : i32
    %add3A = arith.addi %mul3A_0, %arg0 : i32
    %mul3A_1 = arith.constant 4 : i32
    %mul3A_2 = arith.muli %add3A, %mul3A_1 : i32
    %iota3A = tpu.iota {dimensions = array<i32: 0>} : vector<16xi32>
    %eq3A = arith.constant 0 : i32
    %eq3A_3 = arith.cmpi eq, %arg1, %eq3A : i32
    %convert_element_type3A = arith.extui %eq3A_3 : i1 to i32
    %cond3A = arith.constant 0 : i32
    %cond3A_4 = arith.cmpi ne, %convert_element_type3A, %cond3A : i32
    scf.if %cond3A_4 {
      "tpu.region"() ({
        %run_scoped3A = tpu.sem_alloc : memref<!tpu.dma_semaphore, #tpu.memory_space<semaphore_mem>>
        tpu.enqueue_dma source(%arg3 : memref<320000xi32, #tpu.memory_space<hbm>>) target(%arg19 : memref<320000xi32, #tpu.memory_space<vmem_shared>>) target_semaphore(%run_scoped3A : memref<!tpu.dma_semaphore, #tpu.memory_space<semaphore_mem>>)
        tpu.wait_dma2 semaphore(%run_scoped3A : memref<!tpu.dma_semaphore, #tpu.memory_space<semaphore_mem>>) src(%arg3 : memref<320000xi32, #tpu.memory_space<hbm>>) dst(%arg19 : memref<320000xi32, #tpu.memory_space<vmem_shared>>)
        tpu.yield
      }) : () -> ()
      "tpu.region"() ({
        %run_scoped3A = tpu.sem_alloc : memref<!tpu.dma_semaphore, #tpu.memory_space<semaphore_mem>>
        tpu.enqueue_dma source(%arg4 : memref<320000xi32, #tpu.memory_space<hbm>>) target(%arg20 : memref<320000xi32, #tpu.memory_space<vmem_shared>>) target_semaphore(%run_scoped3A : memref<!tpu.dma_semaphore, #tpu.memory_space<semaphore_mem>>)
        tpu.wait_dma2 semaphore(%run_scoped3A : memref<!tpu.dma_semaphore, #tpu.memory_space<semaphore_mem>>) src(%arg4 : memref<320000xi32, #tpu.memory_space<hbm>>) dst(%arg20 : memref<320000xi32, #tpu.memory_space<vmem_shared>>)
        tpu.yield
      }) : () -> ()
    } else {
    }
    %add3A_5 = arith.constant 0 : i32
    %add3A_6 = arith.addi %mul3A_2, %add3A_5 : i32
    "tpu.region"() ({
      %run_scoped3A = tpu.sem_alloc : memref<!tpu.dma_semaphore, #tpu.memory_space<semaphore_mem>>
      %dma_start3A = arith.constant 0 : i32
      %dma_start3A_61 = tpu.memref_slice %arg2[%add3A_6, %dma_start3A] : memref<128x10000xf32, #tpu.memory_space<hbm>> -> memref<1x10000xf32, #tpu.memory_space<hbm>>
      %dma_start3A_62 = tpu.memref_squeeze %dma_start3A_61 : memref<1x10000xf32, #tpu.memory_space<hbm>> -> memref<10000xf32, #tpu.memory_space<hbm>>
      %dma_start3A_63 = arith.constant 0 : i32
      %dma_start3A_64 = tpu.memref_slice %arg2[%add3A_6, %dma_start3A_63] : memref<128x10000xf32, #tpu.memory_space<hbm>> -> memref<1x10000xf32, #tpu.memory_space<hbm>>
      %dma_start3A_65 = tpu.memref_squeeze %dma_start3A_64 : memref<1x10000xf32, #tpu.memory_space<hbm>> -> memref<10000xf32, #tpu.memory_space<hbm>>
      tpu.enqueue_dma source(%dma_start3A_65 : memref<10000xf32, #tpu.memory_space<hbm>>) target(%arg7 : memref<10000xf32, #tpu.memory_space<vmem>>) target_semaphore(%run_scoped3A : memref<!tpu.dma_semaphore, #tpu.memory_space<semaphore_mem>>)
      %dma_wait3A = arith.constant 0 : i32
      %dma_wait3A_66 = tpu.memref_slice %arg2[%add3A_6, %dma_wait3A] : memref<128x10000xf32, #tpu.memory_space<hbm>> -> memref<1x10000xf32, #tpu.memory_space<hbm>>
      %dma_wait3A_67 = tpu.memref_squeeze %dma_wait3A_66 : memref<1x10000xf32, #tpu.memory_space<hbm>> -> memref<10000xf32, #tpu.memory_space<hbm>>
      %dma_wait3A_68 = arith.constant 0 : i32
      %dma_wait3A_69 = tpu.memref_slice %arg2[%add3A_6, %dma_wait3A_68] : memref<128x10000xf32, #tpu.memory_space<hbm>> -> memref<1x10000xf32, #tpu.memory_space<hbm>>
      %dma_wait3A_70 = tpu.memref_squeeze %dma_wait3A_69 : memref<1x10000xf32, #tpu.memory_space<hbm>> -> memref<10000xf32, #tpu.memory_space<hbm>>
      tpu.wait_dma2 semaphore(%run_scoped3A : memref<!tpu.dma_semaphore, #tpu.memory_space<semaphore_mem>>) src(%dma_wait3A_70 : memref<10000xf32, #tpu.memory_space<hbm>>) dst(%arg7 : memref<10000xf32, #tpu.memory_space<vmem>>)
      tpu.yield
    }) : () -> ()
    %add3A_7 = arith.constant 1 : i32
    %add3A_8 = arith.addi %mul3A_2, %add3A_7 : i32
    "tpu.region"() ({
      %run_scoped3A = tpu.sem_alloc : memref<!tpu.dma_semaphore, #tpu.memory_space<semaphore_mem>>
      %dma_start3A = arith.constant 0 : i32
      %dma_start3A_61 = tpu.memref_slice %arg2[%add3A_8, %dma_start3A] : memref<128x10000xf32, #tpu.memory_space<hbm>> -> memref<1x10000xf32, #tpu.memory_space<hbm>>
      %dma_start3A_62 = tpu.memref_squeeze %dma_start3A_61 : memref<1x10000xf32, #tpu.memory_space<hbm>> -> memref<10000xf32, #tpu.memory_space<hbm>>
      %dma_start3A_63 = arith.constant 0 : i32
      %dma_start3A_64 = tpu.memref_slice %arg2[%add3A_8, %dma_start3A_63] : memref<128x10000xf32, #tpu.memory_space<hbm>> -> memref<1x10000xf32, #tpu.memory_space<hbm>>
      %dma_start3A_65 = tpu.memref_squeeze %dma_start3A_64 : memref<1x10000xf32, #tpu.memory_space<hbm>> -> memref<10000xf32, #tpu.memory_space<hbm>>
      tpu.enqueue_dma source(%dma_start3A_65 : memref<10000xf32, #tpu.memory_space<hbm>>) target(%arg8 : memref<10000xf32, #tpu.memory_space<vmem>>) target_semaphore(%run_scoped3A : memref<!tpu.dma_semaphore, #tpu.memory_space<semaphore_mem>>)
      %dma_wait3A = arith.constant 0 : i32
      %dma_wait3A_66 = tpu.memref_slice %arg2[%add3A_8, %dma_wait3A] : memref<128x10000xf32, #tpu.memory_space<hbm>> -> memref<1x10000xf32, #tpu.memory_space<hbm>>
      %dma_wait3A_67 = tpu.memref_squeeze %dma_wait3A_66 : memref<1x10000xf32, #tpu.memory_space<hbm>> -> memref<10000xf32, #tpu.memory_space<hbm>>
      %dma_wait3A_68 = arith.constant 0 : i32
      %dma_wait3A_69 = tpu.memref_slice %arg2[%add3A_8, %dma_wait3A_68] : memref<128x10000xf32, #tpu.memory_space<hbm>> -> memref<1x10000xf32, #tpu.memory_space<hbm>>
      %dma_wait3A_70 = tpu.memref_squeeze %dma_wait3A_69 : memref<1x10000xf32, #tpu.memory_space<hbm>> -> memref<10000xf32, #tpu.memory_space<hbm>>
      tpu.wait_dma2 semaphore(%run_scoped3A : memref<!tpu.dma_semaphore, #tpu.memory_space<semaphore_mem>>) src(%dma_wait3A_70 : memref<10000xf32, #tpu.memory_space<hbm>>) dst(%arg8 : memref<10000xf32, #tpu.memory_space<vmem>>)
      tpu.yield
    }) : () -> ()
    %add3A_9 = arith.constant 2 : i32
    %add3A_10 = arith.addi %mul3A_2, %add3A_9 : i32
    "tpu.region"() ({
      %run_scoped3A = tpu.sem_alloc : memref<!tpu.dma_semaphore, #tpu.memory_space<semaphore_mem>>
      %dma_start3A = arith.constant 0 : i32
      %dma_start3A_61 = tpu.memref_slice %arg2[%add3A_10, %dma_start3A] : memref<128x10000xf32, #tpu.memory_space<hbm>> -> memref<1x10000xf32, #tpu.memory_space<hbm>>
      %dma_start3A_62 = tpu.memref_squeeze %dma_start3A_61 : memref<1x10000xf32, #tpu.memory_space<hbm>> -> memref<10000xf32, #tpu.memory_space<hbm>>
      %dma_start3A_63 = arith.constant 0 : i32
      %dma_start3A_64 = tpu.memref_slice %arg2[%add3A_10, %dma_start3A_63] : memref<128x10000xf32, #tpu.memory_space<hbm>> -> memref<1x10000xf32, #tpu.memory_space<hbm>>
      %dma_start3A_65 = tpu.memref_squeeze %dma_start3A_64 : memref<1x10000xf32, #tpu.memory_space<hbm>> -> memref<10000xf32, #tpu.memory_space<hbm>>
      tpu.enqueue_dma source(%dma_start3A_65 : memref<10000xf32, #tpu.memory_space<hbm>>) target(%arg9 : memref<10000xf32, #tpu.memory_space<vmem>>) target_semaphore(%run_scoped3A : memref<!tpu.dma_semaphore, #tpu.memory_space<semaphore_mem>>)
      %dma_wait3A = arith.constant 0 : i32
      %dma_wait3A_66 = tpu.memref_slice %arg2[%add3A_10, %dma_wait3A] : memref<128x10000xf32, #tpu.memory_space<hbm>> -> memref<1x10000xf32, #tpu.memory_space<hbm>>
      %dma_wait3A_67 = tpu.memref_squeeze %dma_wait3A_66 : memref<1x10000xf32, #tpu.memory_space<hbm>> -> memref<10000xf32, #tpu.memory_space<hbm>>
      %dma_wait3A_68 = arith.constant 0 : i32
      %dma_wait3A_69 = tpu.memref_slice %arg2[%add3A_10, %dma_wait3A_68] : memref<128x10000xf32, #tpu.memory_space<hbm>> -> memref<1x10000xf32, #tpu.memory_space<hbm>>
      %dma_wait3A_70 = tpu.memref_squeeze %dma_wait3A_69 : memref<1x10000xf32, #tpu.memory_space<hbm>> -> memref<10000xf32, #tpu.memory_space<hbm>>
      tpu.wait_dma2 semaphore(%run_scoped3A : memref<!tpu.dma_semaphore, #tpu.memory_space<semaphore_mem>>) src(%dma_wait3A_70 : memref<10000xf32, #tpu.memory_space<hbm>>) dst(%arg9 : memref<10000xf32, #tpu.memory_space<vmem>>)
      tpu.yield
    }) : () -> ()
    %add3A_11 = arith.constant 3 : i32
    %add3A_12 = arith.addi %mul3A_2, %add3A_11 : i32
    "tpu.region"() ({
      %run_scoped3A = tpu.sem_alloc : memref<!tpu.dma_semaphore, #tpu.memory_space<semaphore_mem>>
      %dma_start3A = arith.constant 0 : i32
      %dma_start3A_61 = tpu.memref_slice %arg2[%add3A_12, %dma_start3A] : memref<128x10000xf32, #tpu.memory_space<hbm>> -> memref<1x10000xf32, #tpu.memory_space<hbm>>
      %dma_start3A_62 = tpu.memref_squeeze %dma_start3A_61 : memref<1x10000xf32, #tpu.memory_space<hbm>> -> memref<10000xf32, #tpu.memory_space<hbm>>
      %dma_start3A_63 = arith.constant 0 : i32
      %dma_start3A_64 = tpu.memref_slice %arg2[%add3A_12, %dma_start3A_63] : memref<128x10000xf32, #tpu.memory_space<hbm>> -> memref<1x10000xf32, #tpu.memory_space<hbm>>
      %dma_start3A_65 = tpu.memref_squeeze %dma_start3A_64 : memref<1x10000xf32, #tpu.memory_space<hbm>> -> memref<10000xf32, #tpu.memory_space<hbm>>
      tpu.enqueue_dma source(%dma_start3A_65 : memref<10000xf32, #tpu.memory_space<hbm>>) target(%arg10 : memref<10000xf32, #tpu.memory_space<vmem>>) target_semaphore(%run_scoped3A : memref<!tpu.dma_semaphore, #tpu.memory_space<semaphore_mem>>)
      %dma_wait3A = arith.constant 0 : i32
      %dma_wait3A_66 = tpu.memref_slice %arg2[%add3A_12, %dma_wait3A] : memref<128x10000xf32, #tpu.memory_space<hbm>> -> memref<1x10000xf32, #tpu.memory_space<hbm>>
      %dma_wait3A_67 = tpu.memref_squeeze %dma_wait3A_66 : memref<1x10000xf32, #tpu.memory_space<hbm>> -> memref<10000xf32, #tpu.memory_space<hbm>>
      %dma_wait3A_68 = arith.constant 0 : i32
      %dma_wait3A_69 = tpu.memref_slice %arg2[%add3A_12, %dma_wait3A_68] : memref<128x10000xf32, #tpu.memory_space<hbm>> -> memref<1x10000xf32, #tpu.memory_space<hbm>>
      %dma_wait3A_70 = tpu.memref_squeeze %dma_wait3A_69 : memref<1x10000xf32, #tpu.memory_space<hbm>> -> memref<10000xf32, #tpu.memory_space<hbm>>
      tpu.wait_dma2 semaphore(%run_scoped3A : memref<!tpu.dma_semaphore, #tpu.memory_space<semaphore_mem>>) src(%dma_wait3A_70 : memref<10000xf32, #tpu.memory_space<hbm>>) dst(%arg10 : memref<10000xf32, #tpu.memory_space<vmem>>)
      tpu.yield
    }) : () -> ()
    %barrier3A = arith.constant 0 : index
    tpu.barrier barrier_id(%barrier3A)
    %scan3A = arith.constant 0xFF800000 : f32
    %scan3A_13 = arith.constant 0 : i32
    %scan3A_14 = arith.constant 0 : i32
    %scan3A_15 = arith.constant 625 : i32
    %scan3A_16 = arith.addi %scan3A_14, %scan3A_15 : i32
    %scan3A_17 = arith.constant 1 : i32
    %scan3A_18 = scf.for %scan3A_61 = %scan3A_14 to %scan3A_16 step %scan3A_17 iter_args(%scan3A_62 = %scan3A_13) -> (i32)  : i32 {
      %broadcast_in_dim3A = vector.broadcast %scan3A : f32 to vector<16xf32>
      %mul3A_63 = arith.constant 16 : i32
      %mul3A_64 = arith.muli %scan3A_61, %mul3A_63 : i32
      %swap3A = arith.index_cast %mul3A_64 : i32 to index
      %swap3A_65 = tpu.vector_load %arg11[%swap3A] {strides = array<i32>} : memref<10000xf32, #tpu.memory_space<vmem>>, vector<16xf32>,
      tpu.vector_store %arg11[%swap3A], %broadcast_in_dim3A {strides = array<i32>} : memref<10000xf32, #tpu.memory_space<vmem>>, vector<16xf32>,
      %broadcast_in_dim3A_66 = vector.broadcast %scan3A : f32 to vector<16xf32>
      %mul3A_67 = arith.constant 16 : i32
      %mul3A_68 = arith.muli %scan3A_61, %mul3A_67 : i32
      %swap3A_69 = arith.index_cast %mul3A_68 : i32 to index
      %swap3A_70 = tpu.vector_load %arg12[%swap3A_69] {strides = array<i32>} : memref<10000xf32, #tpu.memory_space<vmem>>, vector<16xf32>,
      tpu.vector_store %arg12[%swap3A_69], %broadcast_in_dim3A_66 {strides = array<i32>} : memref<10000xf32, #tpu.memory_space<vmem>>, vector<16xf32>,
      %broadcast_in_dim3A_71 = vector.broadcast %scan3A : f32 to vector<16xf32>
      %mul3A_72 = arith.constant 16 : i32
      %mul3A_73 = arith.muli %scan3A_61, %mul3A_72 : i32
      %swap3A_74 = arith.index_cast %mul3A_73 : i32 to index
      %swap3A_75 = tpu.vector_load %arg13[%swap3A_74] {strides = array<i32>} : memref<10000xf32, #tpu.memory_space<vmem>>, vector<16xf32>,
      tpu.vector_store %arg13[%swap3A_74], %broadcast_in_dim3A_71 {strides = array<i32>} : memref<10000xf32, #tpu.memory_space<vmem>>, vector<16xf32>,
      %broadcast_in_dim3A_76 = vector.broadcast %scan3A : f32 to vector<16xf32>
      %mul3A_77 = arith.constant 16 : i32
      %mul3A_78 = arith.muli %scan3A_61, %mul3A_77 : i32
      %swap3A_79 = arith.index_cast %mul3A_78 : i32 to index
      %swap3A_80 = tpu.vector_load %arg14[%swap3A_79] {strides = array<i32>} : memref<10000xf32, #tpu.memory_space<vmem>>, vector<16xf32>,
      tpu.vector_store %arg14[%swap3A_79], %broadcast_in_dim3A_76 {strides = array<i32>} : memref<10000xf32, #tpu.memory_space<vmem>>, vector<16xf32>,
      %scan3A_81 = arith.constant 0 : i32
      scf.yield %scan3A_81 : i32
    }
    %scan3A_19 = arith.constant 625 : i32
    %mul3A_20 = arith.constant 125 : i32
    %mul3A_21 = arith.muli %add3A, %mul3A_20 : i32
    %jit3A = arith.constant 32 : i32
    %div3A = arith.divsi %mul3A_21, %jit3A : i32
    %sign3A = arith.constant 0 : i32
    %sign3A_22 = arith.cmpi sgt, %mul3A_21, %sign3A : i32
    %sign3A_23 = arith.extui %sign3A_22 : i1 to i32
    %sign3A_24 = arith.constant 0 : i32
    %sign3A_25 = arith.cmpi slt, %mul3A_21, %sign3A_24 : i32
    %sign3A_26 = arith.extui %sign3A_25 : i1 to i32
    %sign3A_27 = arith.subi %sign3A_23, %sign3A_26 : i32
    %sign3A_28 = arith.constant 0 : i32
    %sign3A_29 = arith.cmpi sgt, %jit3A, %sign3A_28 : i32
    %sign3A_30 = arith.extui %sign3A_29 : i1 to i32
    %sign3A_31 = arith.constant 0 : i32
    %sign3A_32 = arith.cmpi slt, %jit3A, %sign3A_31 : i32
    %sign3A_33 = arith.extui %sign3A_32 : i1 to i32
    %sign3A_34 = arith.subi %sign3A_30, %sign3A_33 : i32
    %ne3A = arith.cmpi ne, %sign3A_27, %sign3A_34 : i32
    %rem3A = arith.remsi %mul3A_21, %jit3A : i32
    %ne3A_35 = arith.constant 0 : i32
    %ne3A_36 = arith.cmpi ne, %rem3A, %ne3A_35 : i32
    %and3A = arith.andi %ne3A, %ne3A_36 : i1
    %sub3A = arith.constant 1 : i32
    %sub3A_37 = arith.subi %div3A, %sub3A : i32
    %select_n3A = arith.select %and3A, %sub3A_37, %div3A : i32
    %scan3A_38 = arith.constant 0 : i32
    %scan3A_39 = arith.constant 0 : i32
    %scan3A_40 = arith.constant 125 : i32
    %scan3A_41 = arith.addi %scan3A_39, %scan3A_40 : i32
    %scan3A_42 = arith.constant 1 : i32
    %scan3A_43 = scf.for %scan3A_61 = %scan3A_39 to %scan3A_41 step %scan3A_42 iter_args(%scan3A_62 = %scan3A_38) -> (i32)  : i32 {
      %add3A_63 = arith.addi %select_n3A, %scan3A_61 : i32
      %rem3A_64 = arith.constant 125 : i32
      %rem3A_65 = arith.remsi %add3A_63, %rem3A_64 : i32
      %mul3A_66 = arith.constant 2560 : i32
      %mul3A_67 = arith.muli %rem3A_65, %mul3A_66 : i32
      "tpu.region"() ({
        %run_scoped3A = tpu.sem_alloc : memref<!tpu.dma_semaphore, #tpu.memory_space<semaphore_mem>>
        %dma_start3A = tpu.memref_slice %arg19[%mul3A_67] : memref<320000xi32, #tpu.memory_space<vmem_shared>> -> memref<2560xi32, #tpu.memory_space<vmem_shared>>
        %dma_start3A_83 = tpu.memref_slice %arg19[%mul3A_67] : memref<320000xi32, #tpu.memory_space<vmem_shared>> -> memref<2560xi32, #tpu.memory_space<vmem_shared>>
        tpu.enqueue_dma source(%dma_start3A_83 : memref<2560xi32, #tpu.memory_space<vmem_shared>>) target(%arg15 : memref<2560xi32, #tpu.memory_space<vmem>>) target_semaphore(%run_scoped3A : memref<!tpu.dma_semaphore, #tpu.memory_space<semaphore_mem>>)
        %dma_wait3A = tpu.memref_slice %arg19[%mul3A_67] : memref<320000xi32, #tpu.memory_space<vmem_shared>> -> memref<2560xi32, #tpu.memory_space<vmem_shared>>
        %dma_wait3A_84 = tpu.memref_slice %arg19[%mul3A_67] : memref<320000xi32, #tpu.memory_space<vmem_shared>> -> memref<2560xi32, #tpu.memory_space<vmem_shared>>
        tpu.wait_dma2 semaphore(%run_scoped3A : memref<!tpu.dma_semaphore, #tpu.memory_space<semaphore_mem>>) src(%dma_wait3A_84 : memref<2560xi32, #tpu.memory_space<vmem_shared>>) dst(%arg15 : memref<2560xi32, #tpu.memory_space<vmem>>)
        tpu.yield
      }) : () -> ()
      "tpu.region"() ({
        %run_scoped3A = tpu.sem_alloc : memref<!tpu.dma_semaphore, #tpu.memory_space<semaphore_mem>>
        %dma_start3A = tpu.memref_slice %arg20[%mul3A_67] : memref<320000xi32, #tpu.memory_space<vmem_shared>> -> memref<2560xi32, #tpu.memory_space<vmem_shared>>
        %dma_start3A_83 = tpu.memref_slice %arg20[%mul3A_67] : memref<320000xi32, #tpu.memory_space<vmem_shared>> -> memref<2560xi32, #tpu.memory_space<vmem_shared>>
        tpu.enqueue_dma source(%dma_start3A_83 : memref<2560xi32, #tpu.memory_space<vmem_shared>>) target(%arg16 : memref<2560xi32, #tpu.memory_space<vmem>>) target_semaphore(%run_scoped3A : memref<!tpu.dma_semaphore, #tpu.memory_space<semaphore_mem>>)
        %dma_wait3A = tpu.memref_slice %arg20[%mul3A_67] : memref<320000xi32, #tpu.memory_space<vmem_shared>> -> memref<2560xi32, #tpu.memory_space<vmem_shared>>
        %dma_wait3A_84 = tpu.memref_slice %arg20[%mul3A_67] : memref<320000xi32, #tpu.memory_space<vmem_shared>> -> memref<2560xi32, #tpu.memory_space<vmem_shared>>
        tpu.wait_dma2 semaphore(%run_scoped3A : memref<!tpu.dma_semaphore, #tpu.memory_space<semaphore_mem>>) src(%dma_wait3A_84 : memref<2560xi32, #tpu.memory_space<vmem_shared>>) dst(%arg16 : memref<2560xi32, #tpu.memory_space<vmem>>)
        tpu.yield
      }) : () -> ()
      "tpu.region"() ({
        %run_scoped3A = tpu.sem_alloc : memref<!tpu.dma_semaphore, #tpu.memory_space<semaphore_mem>>
        %dma_start3A = tpu.memref_slice %arg5[%mul3A_67] : memref<320000xf32, #tpu.memory_space<hbm>> -> memref<2560xf32, #tpu.memory_space<hbm>>
        %dma_start3A_83 = tpu.memref_slice %arg5[%mul3A_67] : memref<320000xf32, #tpu.memory_space<hbm>> -> memref<2560xf32, #tpu.memory_space<hbm>>
        tpu.enqueue_dma source(%dma_start3A_83 : memref<2560xf32, #tpu.memory_space<hbm>>) target(%arg17 : memref<2560xf32, #tpu.memory_space<vmem>>) target_semaphore(%run_scoped3A : memref<!tpu.dma_semaphore, #tpu.memory_space<semaphore_mem>>)
        %dma_wait3A = tpu.memref_slice %arg5[%mul3A_67] : memref<320000xf32, #tpu.memory_space<hbm>> -> memref<2560xf32, #tpu.memory_space<hbm>>
        %dma_wait3A_84 = tpu.memref_slice %arg5[%mul3A_67] : memref<320000xf32, #tpu.memory_space<hbm>> -> memref<2560xf32, #tpu.memory_space<hbm>>
        tpu.wait_dma2 semaphore(%run_scoped3A : memref<!tpu.dma_semaphore, #tpu.memory_space<semaphore_mem>>) src(%dma_wait3A_84 : memref<2560xf32, #tpu.memory_space<hbm>>) dst(%arg17 : memref<2560xf32, #tpu.memory_space<vmem>>)
        tpu.yield
      }) : () -> ()
      %scan3A_68 = arith.constant 0 : i32
      %scan3A_69 = arith.constant 0 : i32
      %scan3A_70 = arith.constant 20 : i32
      %scan3A_71 = arith.addi %scan3A_69, %scan3A_70 : i32
      %scan3A_72 = arith.constant 1 : i32
      %scan3A_73 = scf.for %scan3A_83 = %scan3A_69 to %scan3A_71 step %scan3A_72 iter_args(%scan3A_84 = %scan3A_68) -> (i32)  : i32 {
        %mul3A_85 = arith.constant 8 : i32
        %mul3A_86 = arith.muli %scan3A_83, %mul3A_85 : i32
        %add3A_87 = arith.constant 0 : i32
        %add3A_88 = arith.addi %mul3A_86, %add3A_87 : i32
        %mul3A_89 = arith.constant 16 : i32
        %mul3A_90 = arith.muli %add3A_88, %mul3A_89 : i32
        %get3A = arith.index_cast %mul3A_90 : i32 to index
        %get3A_91 = tpu.vector_load %arg15[%get3A] {strides = array<i32>} : memref<2560xi32, #tpu.memory_space<vmem>>, vector<16xi32>,
        %get3A_92 = arith.index_cast %mul3A_90 : i32 to index
        %get3A_93 = tpu.vector_load %arg16[%get3A_92] {strides = array<i32>} : memref<2560xi32, #tpu.memory_space<vmem>>, vector<16xi32>,
        %get3A_94 = arith.index_cast %mul3A_90 : i32 to index
        %get3A_95 = tpu.vector_load %arg17[%get3A_94] {strides = array<i32>} : memref<2560xf32, #tpu.memory_space<vmem>>, vector<16xf32>,
        %gather3A = tpu.vector_load_idx %arg7[%get3A_91] : memref<10000xf32, #tpu.memory_space<vmem>>[vector<16xi32>], vector<16xf32>,
        %mul3A_96 = arith.mulf %gather3A, %get3A_95 : vector<16xf32>
        %gather3A_97 = tpu.vector_load_idx %arg11[%get3A_93] : memref<10000xf32, #tpu.memory_space<vmem>>[vector<16xi32>], vector<16xf32>,
        %max3A = arith.maximumf %gather3A_97, %mul3A_96 : vector<16xf32>
        tpu.vector_store_idx %arg11[%get3A_93], %max3A : memref<10000xf32, #tpu.memory_space<vmem>>[vector<16xi32>], vector<16xf32>,
        %gather3A_98 = tpu.vector_load_idx %arg8[%get3A_91] : memref<10000xf32, #tpu.memory_space<vmem>>[vector<16xi32>], vector<16xf32>,
        %mul3A_99 = arith.mulf %gather3A_98, %get3A_95 : vector<16xf32>
        %gather3A_100 = tpu.vector_load_idx %arg12[%get3A_93] : memref<10000xf32, #tpu.memory_space<vmem>>[vector<16xi32>], vector<16xf32>,
        %max3A_101 = arith.maximumf %gather3A_100, %mul3A_99 : vector<16xf32>
        tpu.vector_store_idx %arg12[%get3A_93], %max3A_101 : memref<10000xf32, #tpu.memory_space<vmem>>[vector<16xi32>], vector<16xf32>,
        %gather3A_102 = tpu.vector_load_idx %arg9[%get3A_91] : memref<10000xf32, #tpu.memory_space<vmem>>[vector<16xi32>], vector<16xf32>,
        %mul3A_103 = arith.mulf %gather3A_102, %get3A_95 : vector<16xf32>
        %gather3A_104 = tpu.vector_load_idx %arg13[%get3A_93] : memref<10000xf32, #tpu.memory_space<vmem>>[vector<16xi32>], vector<16xf32>,
        %max3A_105 = arith.maximumf %gather3A_104, %mul3A_103 : vector<16xf32>
        tpu.vector_store_idx %arg13[%get3A_93], %max3A_105 : memref<10000xf32, #tpu.memory_space<vmem>>[vector<16xi32>], vector<16xf32>,
        %gather3A_106 = tpu.vector_load_idx %arg10[%get3A_91] : memref<10000xf32, #tpu.memory_space<vmem>>[vector<16xi32>], vector<16xf32>,
        %mul3A_107 = arith.mulf %gather3A_106, %get3A_95 : vector<16xf32>
        %gather3A_108 = tpu.vector_load_idx %arg14[%get3A_93] : memref<10000xf32, #tpu.memory_space<vmem>>[vector<16xi32>], vector<16xf32>,
        %max3A_109 = arith.maximumf %gather3A_108, %mul3A_107 : vector<16xf32>
        tpu.vector_store_idx %arg14[%get3A_93], %max3A_109 : memref<10000xf32, #tpu.memory_space<vmem>>[vector<16xi32>], vector<16xf32>,
        %gather3A_110 = tpu.vector_load_idx %arg11[%get3A_93] : memref<10000xf32, #tpu.memory_space<vmem>>[vector<16xi32>], vector<16xf32>,
        %lt3A = arith.cmpf olt, %gather3A_110, %mul3A_96 : vector<16xf32>
        %convert_element_type3A_111 = arith.extui %lt3A : vector<16xi1> to vector<16xi32>
        %gather3A_112 = tpu.vector_load_idx %arg12[%get3A_93] : memref<10000xf32, #tpu.memory_space<vmem>>[vector<16xi32>], vector<16xf32>,
        %lt3A_113 = arith.cmpf olt, %gather3A_112, %mul3A_99 : vector<16xf32>
        %convert_element_type3A_114 = arith.extui %lt3A_113 : vector<16xi1> to vector<16xi32>
        %or3A = arith.ori %convert_element_type3A_111, %convert_element_type3A_114 : vector<16xi32>
        %gather3A_115 = tpu.vector_load_idx %arg13[%get3A_93] : memref<10000xf32, #tpu.memory_space<vmem>>[vector<16xi32>], vector<16xf32>,
        %lt3A_116 = arith.cmpf olt, %gather3A_115, %mul3A_103 : vector<16xf32>
        %convert_element_type3A_117 = arith.extui %lt3A_116 : vector<16xi1> to vector<16xi32>
        %or3A_118 = arith.ori %or3A, %convert_element_type3A_117 : vector<16xi32>
        %gather3A_119 = tpu.vector_load_idx %arg14[%get3A_93] : memref<10000xf32, #tpu.memory_space<vmem>>[vector<16xi32>], vector<16xf32>,
        %lt3A_120 = arith.cmpf olt, %gather3A_119, %mul3A_107 : vector<16xf32>
        %convert_element_type3A_121 = arith.extui %lt3A_120 : vector<16xi1> to vector<16xi32>
        %or3A_122 = arith.ori %or3A_118, %convert_element_type3A_121 : vector<16xi32>
        %mul3A_123 = arith.constant 8 : i32
        %mul3A_124 = arith.muli %scan3A_83, %mul3A_123 : i32
        %add3A_125 = arith.constant 1 : i32
        %add3A_126 = arith.addi %mul3A_124, %add3A_125 : i32
        %mul3A_127 = arith.constant 16 : i32
        %mul3A_128 = arith.muli %add3A_126, %mul3A_127 : i32
        %get3A_129 = arith.index_cast %mul3A_128 : i32 to index
        %get3A_130 = tpu.vector_load %arg15[%get3A_129] {strides = array<i32>} : memref<2560xi32, #tpu.memory_space<vmem>>, vector<16xi32>,
        %get3A_131 = arith.index_cast %mul3A_128 : i32 to index
        %get3A_132 = tpu.vector_load %arg16[%get3A_131] {strides = array<i32>} : memref<2560xi32, #tpu.memory_space<vmem>>, vector<16xi32>,
        %get3A_133 = arith.index_cast %mul3A_128 : i32 to index
        %get3A_134 = tpu.vector_load %arg17[%get3A_133] {strides = array<i32>} : memref<2560xf32, #tpu.memory_space<vmem>>, vector<16xf32>,
        %gather3A_135 = tpu.vector_load_idx %arg7[%get3A_130] : memref<10000xf32, #tpu.memory_space<vmem>>[vector<16xi32>], vector<16xf32>,
        %mul3A_136 = arith.mulf %gather3A_135, %get3A_134 : vector<16xf32>
        %gather3A_137 = tpu.vector_load_idx %arg11[%get3A_132] : memref<10000xf32, #tpu.memory_space<vmem>>[vector<16xi32>], vector<16xf32>,
        %max3A_138 = arith.maximumf %gather3A_137, %mul3A_136 : vector<16xf32>
        tpu.vector_store_idx %arg11[%get3A_132], %max3A_138 : memref<10000xf32, #tpu.memory_space<vmem>>[vector<16xi32>], vector<16xf32>,
        %gather3A_139 = tpu.vector_load_idx %arg8[%get3A_130] : memref<10000xf32, #tpu.memory_space<vmem>>[vector<16xi32>], vector<16xf32>,
        %mul3A_140 = arith.mulf %gather3A_139, %get3A_134 : vector<16xf32>
        %gather3A_141 = tpu.vector_load_idx %arg12[%get3A_132] : memref<10000xf32, #tpu.memory_space<vmem>>[vector<16xi32>], vector<16xf32>,
        %max3A_142 = arith.maximumf %gather3A_141, %mul3A_140 : vector<16xf32>
        tpu.vector_store_idx %arg12[%get3A_132], %max3A_142 : memref<10000xf32, #tpu.memory_space<vmem>>[vector<16xi32>], vector<16xf32>,
        %gather3A_143 = tpu.vector_load_idx %arg9[%get3A_130] : memref<10000xf32, #tpu.memory_space<vmem>>[vector<16xi32>], vector<16xf32>,
        %mul3A_144 = arith.mulf %gather3A_143, %get3A_134 : vector<16xf32>
        %gather3A_145 = tpu.vector_load_idx %arg13[%get3A_132] : memref<10000xf32, #tpu.memory_space<vmem>>[vector<16xi32>], vector<16xf32>,
        %max3A_146 = arith.maximumf %gather3A_145, %mul3A_144 : vector<16xf32>
        tpu.vector_store_idx %arg13[%get3A_132], %max3A_146 : memref<10000xf32, #tpu.memory_space<vmem>>[vector<16xi32>], vector<16xf32>,
        %gather3A_147 = tpu.vector_load_idx %arg10[%get3A_130] : memref<10000xf32, #tpu.memory_space<vmem>>[vector<16xi32>], vector<16xf32>,
        %mul3A_148 = arith.mulf %gather3A_147, %get3A_134 : vector<16xf32>
        %gather3A_149 = tpu.vector_load_idx %arg14[%get3A_132] : memref<10000xf32, #tpu.memory_space<vmem>>[vector<16xi32>], vector<16xf32>,
        %max3A_150 = arith.maximumf %gather3A_149, %mul3A_148 : vector<16xf32>
        tpu.vector_store_idx %arg14[%get3A_132], %max3A_150 : memref<10000xf32, #tpu.memory_space<vmem>>[vector<16xi32>], vector<16xf32>,
        %gather3A_151 = tpu.vector_load_idx %arg11[%get3A_132] : memref<10000xf32, #tpu.memory_space<vmem>>[vector<16xi32>], vector<16xf32>,
        %lt3A_152 = arith.cmpf olt, %gather3A_151, %mul3A_136 : vector<16xf32>
        %convert_element_type3A_153 = arith.extui %lt3A_152 : vector<16xi1> to vector<16xi32>
        %gather3A_154 = tpu.vector_load_idx %arg12[%get3A_132] : memref<10000xf32, #tpu.memory_space<vmem>>[vector<16xi32>], vector<16xf32>,
        %lt3A_155 = arith.cmpf olt, %gather3A_154, %mul3A_140 : vector<16xf32>
        %convert_element_type3A_156 = arith.extui %lt3A_155 : vector<16xi1> to vector<16xi32>
        %or3A_157 = arith.ori %convert_element_type3A_153, %convert_element_type3A_156 : vector<16xi32>
        %gather3A_158 = tpu.vector_load_idx %arg13[%get3A_132] : memref<10000xf32, #tpu.memory_space<vmem>>[vector<16xi32>], vector<16xf32>,
        %lt3A_159 = arith.cmpf olt, %gather3A_158, %mul3A_144 : vector<16xf32>
        %convert_element_type3A_160 = arith.extui %lt3A_159 : vector<16xi1> to vector<16xi32>
        %or3A_161 = arith.ori %or3A_157, %convert_element_type3A_160 : vector<16xi32>
        %gather3A_162 = tpu.vector_load_idx %arg14[%get3A_132] : memref<10000xf32, #tpu.memory_space<vmem>>[vector<16xi32>], vector<16xf32>,
        %lt3A_163 = arith.cmpf olt, %gather3A_162, %mul3A_148 : vector<16xf32>
        %convert_element_type3A_164 = arith.extui %lt3A_163 : vector<16xi1> to vector<16xi32>
        %or3A_165 = arith.ori %or3A_161, %convert_element_type3A_164 : vector<16xi32>
        %or3A_166 = arith.ori %or3A_122, %or3A_165 : vector<16xi32>
        %mul3A_167 = arith.constant 8 : i32
        %mul3A_168 = arith.muli %scan3A_83, %mul3A_167 : i32
        %add3A_169 = arith.constant 2 : i32
        %add3A_170 = arith.addi %mul3A_168, %add3A_169 : i32
        %mul3A_171 = arith.constant 16 : i32
        %mul3A_172 = arith.muli %add3A_170, %mul3A_171 : i32
        %get3A_173 = arith.index_cast %mul3A_172 : i32 to index
        %get3A_174 = tpu.vector_load %arg15[%get3A_173] {strides = array<i32>} : memref<2560xi32, #tpu.memory_space<vmem>>, vector<16xi32>,
        %get3A_175 = arith.index_cast %mul3A_172 : i32 to index
        %get3A_176 = tpu.vector_load %arg16[%get3A_175] {strides = array<i32>} : memref<2560xi32, #tpu.memory_space<vmem>>, vector<16xi32>,
        %get3A_177 = arith.index_cast %mul3A_172 : i32 to index
        %get3A_178 = tpu.vector_load %arg17[%get3A_177] {strides = array<i32>} : memref<2560xf32, #tpu.memory_space<vmem>>, vector<16xf32>,
        %gather3A_179 = tpu.vector_load_idx %arg7[%get3A_174] : memref<10000xf32, #tpu.memory_space<vmem>>[vector<16xi32>], vector<16xf32>,
        %mul3A_180 = arith.mulf %gather3A_179, %get3A_178 : vector<16xf32>
        %gather3A_181 = tpu.vector_load_idx %arg11[%get3A_176] : memref<10000xf32, #tpu.memory_space<vmem>>[vector<16xi32>], vector<16xf32>,
        %max3A_182 = arith.maximumf %gather3A_181, %mul3A_180 : vector<16xf32>
        tpu.vector_store_idx %arg11[%get3A_176], %max3A_182 : memref<10000xf32, #tpu.memory_space<vmem>>[vector<16xi32>], vector<16xf32>,
        %gather3A_183 = tpu.vector_load_idx %arg8[%get3A_174] : memref<10000xf32, #tpu.memory_space<vmem>>[vector<16xi32>], vector<16xf32>,
        %mul3A_184 = arith.mulf %gather3A_183, %get3A_178 : vector<16xf32>
        %gather3A_185 = tpu.vector_load_idx %arg12[%get3A_176] : memref<10000xf32, #tpu.memory_space<vmem>>[vector<16xi32>], vector<16xf32>,
        %max3A_186 = arith.maximumf %gather3A_185, %mul3A_184 : vector<16xf32>
        tpu.vector_store_idx %arg12[%get3A_176], %max3A_186 : memref<10000xf32, #tpu.memory_space<vmem>>[vector<16xi32>], vector<16xf32>,
        %gather3A_187 = tpu.vector_load_idx %arg9[%get3A_174] : memref<10000xf32, #tpu.memory_space<vmem>>[vector<16xi32>], vector<16xf32>,
        %mul3A_188 = arith.mulf %gather3A_187, %get3A_178 : vector<16xf32>
        %gather3A_189 = tpu.vector_load_idx %arg13[%get3A_176] : memref<10000xf32, #tpu.memory_space<vmem>>[vector<16xi32>], vector<16xf32>,
        %max3A_190 = arith.maximumf %gather3A_189, %mul3A_188 : vector<16xf32>
        tpu.vector_store_idx %arg13[%get3A_176], %max3A_190 : memref<10000xf32, #tpu.memory_space<vmem>>[vector<16xi32>], vector<16xf32>,
        %gather3A_191 = tpu.vector_load_idx %arg10[%get3A_174] : memref<10000xf32, #tpu.memory_space<vmem>>[vector<16xi32>], vector<16xf32>,
        %mul3A_192 = arith.mulf %gather3A_191, %get3A_178 : vector<16xf32>
        %gather3A_193 = tpu.vector_load_idx %arg14[%get3A_176] : memref<10000xf32, #tpu.memory_space<vmem>>[vector<16xi32>], vector<16xf32>,
        %max3A_194 = arith.maximumf %gather3A_193, %mul3A_192 : vector<16xf32>
        tpu.vector_store_idx %arg14[%get3A_176], %max3A_194 : memref<10000xf32, #tpu.memory_space<vmem>>[vector<16xi32>], vector<16xf32>,
        %gather3A_195 = tpu.vector_load_idx %arg11[%get3A_176] : memref<10000xf32, #tpu.memory_space<vmem>>[vector<16xi32>], vector<16xf32>,
        %lt3A_196 = arith.cmpf olt, %gather3A_195, %mul3A_180 : vector<16xf32>
        %convert_element_type3A_197 = arith.extui %lt3A_196 : vector<16xi1> to vector<16xi32>
        %gather3A_198 = tpu.vector_load_idx %arg12[%get3A_176] : memref<10000xf32, #tpu.memory_space<vmem>>[vector<16xi32>], vector<16xf32>,
        %lt3A_199 = arith.cmpf olt, %gather3A_198, %mul3A_184 : vector<16xf32>
        %convert_element_type3A_200 = arith.extui %lt3A_199 : vector<16xi1> to vector<16xi32>
        %or3A_201 = arith.ori %convert_element_type3A_197, %convert_element_type3A_200 : vector<16xi32>
        %gather3A_202 = tpu.vector_load_idx %arg13[%get3A_176] : memref<10000xf32, #tpu.memory_space<vmem>>[vector<16xi32>], vector<16xf32>,
        %lt3A_203 = arith.cmpf olt, %gather3A_202, %mul3A_188 : vector<16xf32>
        %convert_element_type3A_204 = arith.extui %lt3A_203 : vector<16xi1> to vector<16xi32>
        %or3A_205 = arith.ori %or3A_201, %convert_element_type3A_204 : vector<16xi32>
        %gather3A_206 = tpu.vector_load_idx %arg14[%get3A_176] : memref<10000xf32, #tpu.memory_space<vmem>>[vector<16xi32>], vector<16xf32>,
        %lt3A_207 = arith.cmpf olt, %gather3A_206, %mul3A_192 : vector<16xf32>
        %convert_element_type3A_208 = arith.extui %lt3A_207 : vector<16xi1> to vector<16xi32>
        %or3A_209 = arith.ori %or3A_205, %convert_element_type3A_208 : vector<16xi32>
        %or3A_210 = arith.ori %or3A_166, %or3A_209 : vector<16xi32>
        %mul3A_211 = arith.constant 8 : i32
        %mul3A_212 = arith.muli %scan3A_83, %mul3A_211 : i32
        %add3A_213 = arith.constant 3 : i32
        %add3A_214 = arith.addi %mul3A_212, %add3A_213 : i32
        %mul3A_215 = arith.constant 16 : i32
        %mul3A_216 = arith.muli %add3A_214, %mul3A_215 : i32
        %get3A_217 = arith.index_cast %mul3A_216 : i32 to index
        %get3A_218 = tpu.vector_load %arg15[%get3A_217] {strides = array<i32>} : memref<2560xi32, #tpu.memory_space<vmem>>, vector<16xi32>,
        %get3A_219 = arith.index_cast %mul3A_216 : i32 to index
        %get3A_220 = tpu.vector_load %arg16[%get3A_219] {strides = array<i32>} : memref<2560xi32, #tpu.memory_space<vmem>>, vector<16xi32>,
        %get3A_221 = arith.index_cast %mul3A_216 : i32 to index
        %get3A_222 = tpu.vector_load %arg17[%get3A_221] {strides = array<i32>} : memref<2560xf32, #tpu.memory_space<vmem>>, vector<16xf32>,
        %gather3A_223 = tpu.vector_load_idx %arg7[%get3A_218] : memref<10000xf32, #tpu.memory_space<vmem>>[vector<16xi32>], vector<16xf32>,
        %mul3A_224 = arith.mulf %gather3A_223, %get3A_222 : vector<16xf32>
        %gather3A_225 = tpu.vector_load_idx %arg11[%get3A_220] : memref<10000xf32, #tpu.memory_space<vmem>>[vector<16xi32>], vector<16xf32>,
        %max3A_226 = arith.maximumf %gather3A_225, %mul3A_224 : vector<16xf32>
        tpu.vector_store_idx %arg11[%get3A_220], %max3A_226 : memref<10000xf32, #tpu.memory_space<vmem>>[vector<16xi32>], vector<16xf32>,
        %gather3A_227 = tpu.vector_load_idx %arg8[%get3A_218] : memref<10000xf32, #tpu.memory_space<vmem>>[vector<16xi32>], vector<16xf32>,
        %mul3A_228 = arith.mulf %gather3A_227, %get3A_222 : vector<16xf32>
        %gather3A_229 = tpu.vector_load_idx %arg12[%get3A_220] : memref<10000xf32, #tpu.memory_space<vmem>>[vector<16xi32>], vector<16xf32>,
        %max3A_230 = arith.maximumf %gather3A_229, %mul3A_228 : vector<16xf32>
        tpu.vector_store_idx %arg12[%get3A_220], %max3A_230 : memref<10000xf32, #tpu.memory_space<vmem>>[vector<16xi32>], vector<16xf32>,
        %gather3A_231 = tpu.vector_load_idx %arg9[%get3A_218] : memref<10000xf32, #tpu.memory_space<vmem>>[vector<16xi32>], vector<16xf32>,
        %mul3A_232 = arith.mulf %gather3A_231, %get3A_222 : vector<16xf32>
        %gather3A_233 = tpu.vector_load_idx %arg13[%get3A_220] : memref<10000xf32, #tpu.memory_space<vmem>>[vector<16xi32>], vector<16xf32>,
        %max3A_234 = arith.maximumf %gather3A_233, %mul3A_232 : vector<16xf32>
        tpu.vector_store_idx %arg13[%get3A_220], %max3A_234 : memref<10000xf32, #tpu.memory_space<vmem>>[vector<16xi32>], vector<16xf32>,
        %gather3A_235 = tpu.vector_load_idx %arg10[%get3A_218] : memref<10000xf32, #tpu.memory_space<vmem>>[vector<16xi32>], vector<16xf32>,
        %mul3A_236 = arith.mulf %gather3A_235, %get3A_222 : vector<16xf32>
        %gather3A_237 = tpu.vector_load_idx %arg14[%get3A_220] : memref<10000xf32, #tpu.memory_space<vmem>>[vector<16xi32>], vector<16xf32>,
        %max3A_238 = arith.maximumf %gather3A_237, %mul3A_236 : vector<16xf32>
        tpu.vector_store_idx %arg14[%get3A_220], %max3A_238 : memref<10000xf32, #tpu.memory_space<vmem>>[vector<16xi32>], vector<16xf32>,
        %gather3A_239 = tpu.vector_load_idx %arg11[%get3A_220] : memref<10000xf32, #tpu.memory_space<vmem>>[vector<16xi32>], vector<16xf32>,
        %lt3A_240 = arith.cmpf olt, %gather3A_239, %mul3A_224 : vector<16xf32>
        %convert_element_type3A_241 = arith.extui %lt3A_240 : vector<16xi1> to vector<16xi32>
        %gather3A_242 = tpu.vector_load_idx %arg12[%get3A_220] : memref<10000xf32, #tpu.memory_space<vmem>>[vector<16xi32>], vector<16xf32>,
        %lt3A_243 = arith.cmpf olt, %gather3A_242, %mul3A_228 : vector<16xf32>
        %convert_element_type3A_244 = arith.extui %lt3A_243 : vector<16xi1> to vector<16xi32>
        %or3A_245 = arith.ori %convert_element_type3A_241, %convert_element_type3A_244 : vector<16xi32>
        %gather3A_246 = tpu.vector_load_idx %arg13[%get3A_220] : memref<10000xf32, #tpu.memory_space<vmem>>[vector<16xi32>], vector<16xf32>,
        %lt3A_247 = arith.cmpf olt, %gather3A_246, %mul3A_232 : vector<16xf32>
        %convert_element_type3A_248 = arith.extui %lt3A_247 : vector<16xi1> to vector<16xi32>
        %or3A_249 = arith.ori %or3A_245, %convert_element_type3A_248 : vector<16xi32>
        %gather3A_250 = tpu.vector_load_idx %arg14[%get3A_220] : memref<10000xf32, #tpu.memory_space<vmem>>[vector<16xi32>], vector<16xf32>,
        %lt3A_251 = arith.cmpf olt, %gather3A_250, %mul3A_236 : vector<16xf32>
        %convert_element_type3A_252 = arith.extui %lt3A_251 : vector<16xi1> to vector<16xi32>
        %or3A_253 = arith.ori %or3A_249, %convert_element_type3A_252 : vector<16xi32>
        %or3A_254 = arith.ori %or3A_210, %or3A_253 : vector<16xi32>
        %mul3A_255 = arith.constant 8 : i32
        %mul3A_256 = arith.muli %scan3A_83, %mul3A_255 : i32
        %add3A_257 = arith.constant 4 : i32
        %add3A_258 = arith.addi %mul3A_256, %add3A_257 : i32
        %mul3A_259 = arith.constant 16 : i32
        %mul3A_260 = arith.muli %add3A_258, %mul3A_259 : i32
        %get3A_261 = arith.index_cast %mul3A_260 : i32 to index
        %get3A_262 = tpu.vector_load %arg15[%get3A_261] {strides = array<i32>} : memref<2560xi32, #tpu.memory_space<vmem>>, vector<16xi32>,
        %get3A_263 = arith.index_cast %mul3A_260 : i32 to index
        %get3A_264 = tpu.vector_load %arg16[%get3A_263] {strides = array<i32>} : memref<2560xi32, #tpu.memory_space<vmem>>, vector<16xi32>,
        %get3A_265 = arith.index_cast %mul3A_260 : i32 to index
        %get3A_266 = tpu.vector_load %arg17[%get3A_265] {strides = array<i32>} : memref<2560xf32, #tpu.memory_space<vmem>>, vector<16xf32>,
        %gather3A_267 = tpu.vector_load_idx %arg7[%get3A_262] : memref<10000xf32, #tpu.memory_space<vmem>>[vector<16xi32>], vector<16xf32>,
        %mul3A_268 = arith.mulf %gather3A_267, %get3A_266 : vector<16xf32>
        %gather3A_269 = tpu.vector_load_idx %arg11[%get3A_264] : memref<10000xf32, #tpu.memory_space<vmem>>[vector<16xi32>], vector<16xf32>,
        %max3A_270 = arith.maximumf %gather3A_269, %mul3A_268 : vector<16xf32>
        tpu.vector_store_idx %arg11[%get3A_264], %max3A_270 : memref<10000xf32, #tpu.memory_space<vmem>>[vector<16xi32>], vector<16xf32>,
        %gather3A_271 = tpu.vector_load_idx %arg8[%get3A_262] : memref<10000xf32, #tpu.memory_space<vmem>>[vector<16xi32>], vector<16xf32>,
        %mul3A_272 = arith.mulf %gather3A_271, %get3A_266 : vector<16xf32>
        %gather3A_273 = tpu.vector_load_idx %arg12[%get3A_264] : memref<10000xf32, #tpu.memory_space<vmem>>[vector<16xi32>], vector<16xf32>,
        %max3A_274 = arith.maximumf %gather3A_273, %mul3A_272 : vector<16xf32>
        tpu.vector_store_idx %arg12[%get3A_264], %max3A_274 : memref<10000xf32, #tpu.memory_space<vmem>>[vector<16xi32>], vector<16xf32>,
        %gather3A_275 = tpu.vector_load_idx %arg9[%get3A_262] : memref<10000xf32, #tpu.memory_space<vmem>>[vector<16xi32>], vector<16xf32>,
        %mul3A_276 = arith.mulf %gather3A_275, %get3A_266 : vector<16xf32>
        %gather3A_277 = tpu.vector_load_idx %arg13[%get3A_264] : memref<10000xf32, #tpu.memory_space<vmem>>[vector<16xi32>], vector<16xf32>,
        %max3A_278 = arith.maximumf %gather3A_277, %mul3A_276 : vector<16xf32>
        tpu.vector_store_idx %arg13[%get3A_264], %max3A_278 : memref<10000xf32, #tpu.memory_space<vmem>>[vector<16xi32>], vector<16xf32>,
        %gather3A_279 = tpu.vector_load_idx %arg10[%get3A_262] : memref<10000xf32, #tpu.memory_space<vmem>>[vector<16xi32>], vector<16xf32>,
        %mul3A_280 = arith.mulf %gather3A_279, %get3A_266 : vector<16xf32>
        %gather3A_281 = tpu.vector_load_idx %arg14[%get3A_264] : memref<10000xf32, #tpu.memory_space<vmem>>[vector<16xi32>], vector<16xf32>,
        %max3A_282 = arith.maximumf %gather3A_281, %mul3A_280 : vector<16xf32>
        tpu.vector_store_idx %arg14[%get3A_264], %max3A_282 : memref<10000xf32, #tpu.memory_space<vmem>>[vector<16xi32>], vector<16xf32>,
        %gather3A_283 = tpu.vector_load_idx %arg11[%get3A_264] : memref<10000xf32, #tpu.memory_space<vmem>>[vector<16xi32>], vector<16xf32>,
        %lt3A_284 = arith.cmpf olt, %gather3A_283, %mul3A_268 : vector<16xf32>
        %convert_element_type3A_285 = arith.extui %lt3A_284 : vector<16xi1> to vector<16xi32>
        %gather3A_286 = tpu.vector_load_idx %arg12[%get3A_264] : memref<10000xf32, #tpu.memory_space<vmem>>[vector<16xi32>], vector<16xf32>,
        %lt3A_287 = arith.cmpf olt, %gather3A_286, %mul3A_272 : vector<16xf32>
        %convert_element_type3A_288 = arith.extui %lt3A_287 : vector<16xi1> to vector<16xi32>
        %or3A_289 = arith.ori %convert_element_type3A_285, %convert_element_type3A_288 : vector<16xi32>
        %gather3A_290 = tpu.vector_load_idx %arg13[%get3A_264] : memref<10000xf32, #tpu.memory_space<vmem>>[vector<16xi32>], vector<16xf32>,
        %lt3A_291 = arith.cmpf olt, %gather3A_290, %mul3A_276 : vector<16xf32>
        %convert_element_type3A_292 = arith.extui %lt3A_291 : vector<16xi1> to vector<16xi32>
        %or3A_293 = arith.ori %or3A_289, %convert_element_type3A_292 : vector<16xi32>
        %gather3A_294 = tpu.vector_load_idx %arg14[%get3A_264] : memref<10000xf32, #tpu.memory_space<vmem>>[vector<16xi32>], vector<16xf32>,
        %lt3A_295 = arith.cmpf olt, %gather3A_294, %mul3A_280 : vector<16xf32>
        %convert_element_type3A_296 = arith.extui %lt3A_295 : vector<16xi1> to vector<16xi32>
        %or3A_297 = arith.ori %or3A_293, %convert_element_type3A_296 : vector<16xi32>
        %or3A_298 = arith.ori %or3A_254, %or3A_297 : vector<16xi32>
        %mul3A_299 = arith.constant 8 : i32
        %mul3A_300 = arith.muli %scan3A_83, %mul3A_299 : i32
        %add3A_301 = arith.constant 5 : i32
        %add3A_302 = arith.addi %mul3A_300, %add3A_301 : i32
        %mul3A_303 = arith.constant 16 : i32
        %mul3A_304 = arith.muli %add3A_302, %mul3A_303 : i32
        %get3A_305 = arith.index_cast %mul3A_304 : i32 to index
        %get3A_306 = tpu.vector_load %arg15[%get3A_305] {strides = array<i32>} : memref<2560xi32, #tpu.memory_space<vmem>>, vector<16xi32>,
        %get3A_307 = arith.index_cast %mul3A_304 : i32 to index
        %get3A_308 = tpu.vector_load %arg16[%get3A_307] {strides = array<i32>} : memref<2560xi32, #tpu.memory_space<vmem>>, vector<16xi32>,
        %get3A_309 = arith.index_cast %mul3A_304 : i32 to index
        %get3A_310 = tpu.vector_load %arg17[%get3A_309] {strides = array<i32>} : memref<2560xf32, #tpu.memory_space<vmem>>, vector<16xf32>,
        %gather3A_311 = tpu.vector_load_idx %arg7[%get3A_306] : memref<10000xf32, #tpu.memory_space<vmem>>[vector<16xi32>], vector<16xf32>,
        %mul3A_312 = arith.mulf %gather3A_311, %get3A_310 : vector<16xf32>
        %gather3A_313 = tpu.vector_load_idx %arg11[%get3A_308] : memref<10000xf32, #tpu.memory_space<vmem>>[vector<16xi32>], vector<16xf32>,
        %max3A_314 = arith.maximumf %gather3A_313, %mul3A_312 : vector<16xf32>
        tpu.vector_store_idx %arg11[%get3A_308], %max3A_314 : memref<10000xf32, #tpu.memory_space<vmem>>[vector<16xi32>], vector<16xf32>,
        %gather3A_315 = tpu.vector_load_idx %arg8[%get3A_306] : memref<10000xf32, #tpu.memory_space<vmem>>[vector<16xi32>], vector<16xf32>,
        %mul3A_316 = arith.mulf %gather3A_315, %get3A_310 : vector<16xf32>
        %gather3A_317 = tpu.vector_load_idx %arg12[%get3A_308] : memref<10000xf32, #tpu.memory_space<vmem>>[vector<16xi32>], vector<16xf32>,
        %max3A_318 = arith.maximumf %gather3A_317, %mul3A_316 : vector<16xf32>
        tpu.vector_store_idx %arg12[%get3A_308], %max3A_318 : memref<10000xf32, #tpu.memory_space<vmem>>[vector<16xi32>], vector<16xf32>,
        %gather3A_319 = tpu.vector_load_idx %arg9[%get3A_306] : memref<10000xf32, #tpu.memory_space<vmem>>[vector<16xi32>], vector<16xf32>,
        %mul3A_320 = arith.mulf %gather3A_319, %get3A_310 : vector<16xf32>
        %gather3A_321 = tpu.vector_load_idx %arg13[%get3A_308] : memref<10000xf32, #tpu.memory_space<vmem>>[vector<16xi32>], vector<16xf32>,
        %max3A_322 = arith.maximumf %gather3A_321, %mul3A_320 : vector<16xf32>
        tpu.vector_store_idx %arg13[%get3A_308], %max3A_322 : memref<10000xf32, #tpu.memory_space<vmem>>[vector<16xi32>], vector<16xf32>,
        %gather3A_323 = tpu.vector_load_idx %arg10[%get3A_306] : memref<10000xf32, #tpu.memory_space<vmem>>[vector<16xi32>], vector<16xf32>,
        %mul3A_324 = arith.mulf %gather3A_323, %get3A_310 : vector<16xf32>
        %gather3A_325 = tpu.vector_load_idx %arg14[%get3A_308] : memref<10000xf32, #tpu.memory_space<vmem>>[vector<16xi32>], vector<16xf32>,
        %max3A_326 = arith.maximumf %gather3A_325, %mul3A_324 : vector<16xf32>
        tpu.vector_store_idx %arg14[%get3A_308], %max3A_326 : memref<10000xf32, #tpu.memory_space<vmem>>[vector<16xi32>], vector<16xf32>,
        %gather3A_327 = tpu.vector_load_idx %arg11[%get3A_308] : memref<10000xf32, #tpu.memory_space<vmem>>[vector<16xi32>], vector<16xf32>,
        %lt3A_328 = arith.cmpf olt, %gather3A_327, %mul3A_312 : vector<16xf32>
        %convert_element_type3A_329 = arith.extui %lt3A_328 : vector<16xi1> to vector<16xi32>
        %gather3A_330 = tpu.vector_load_idx %arg12[%get3A_308] : memref<10000xf32, #tpu.memory_space<vmem>>[vector<16xi32>], vector<16xf32>,
        %lt3A_331 = arith.cmpf olt, %gather3A_330, %mul3A_316 : vector<16xf32>
        %convert_element_type3A_332 = arith.extui %lt3A_331 : vector<16xi1> to vector<16xi32>
        %or3A_333 = arith.ori %convert_element_type3A_329, %convert_element_type3A_332 : vector<16xi32>
        %gather3A_334 = tpu.vector_load_idx %arg13[%get3A_308] : memref<10000xf32, #tpu.memory_space<vmem>>[vector<16xi32>], vector<16xf32>,
        %lt3A_335 = arith.cmpf olt, %gather3A_334, %mul3A_320 : vector<16xf32>
        %convert_element_type3A_336 = arith.extui %lt3A_335 : vector<16xi1> to vector<16xi32>
        %or3A_337 = arith.ori %or3A_333, %convert_element_type3A_336 : vector<16xi32>
        %gather3A_338 = tpu.vector_load_idx %arg14[%get3A_308] : memref<10000xf32, #tpu.memory_space<vmem>>[vector<16xi32>], vector<16xf32>,
        %lt3A_339 = arith.cmpf olt, %gather3A_338, %mul3A_324 : vector<16xf32>
        %convert_element_type3A_340 = arith.extui %lt3A_339 : vector<16xi1> to vector<16xi32>
        %or3A_341 = arith.ori %or3A_337, %convert_element_type3A_340 : vector<16xi32>
        %or3A_342 = arith.ori %or3A_298, %or3A_341 : vector<16xi32>
        %mul3A_343 = arith.constant 8 : i32
        %mul3A_344 = arith.muli %scan3A_83, %mul3A_343 : i32
        %add3A_345 = arith.constant 6 : i32
        %add3A_346 = arith.addi %mul3A_344, %add3A_345 : i32
        %mul3A_347 = arith.constant 16 : i32
        %mul3A_348 = arith.muli %add3A_346, %mul3A_347 : i32
        %get3A_349 = arith.index_cast %mul3A_348 : i32 to index
        %get3A_350 = tpu.vector_load %arg15[%get3A_349] {strides = array<i32>} : memref<2560xi32, #tpu.memory_space<vmem>>, vector<16xi32>,
        %get3A_351 = arith.index_cast %mul3A_348 : i32 to index
        %get3A_352 = tpu.vector_load %arg16[%get3A_351] {strides = array<i32>} : memref<2560xi32, #tpu.memory_space<vmem>>, vector<16xi32>,
        %get3A_353 = arith.index_cast %mul3A_348 : i32 to index
        %get3A_354 = tpu.vector_load %arg17[%get3A_353] {strides = array<i32>} : memref<2560xf32, #tpu.memory_space<vmem>>, vector<16xf32>,
        %gather3A_355 = tpu.vector_load_idx %arg7[%get3A_350] : memref<10000xf32, #tpu.memory_space<vmem>>[vector<16xi32>], vector<16xf32>,
        %mul3A_356 = arith.mulf %gather3A_355, %get3A_354 : vector<16xf32>
        %gather3A_357 = tpu.vector_load_idx %arg11[%get3A_352] : memref<10000xf32, #tpu.memory_space<vmem>>[vector<16xi32>], vector<16xf32>,
        %max3A_358 = arith.maximumf %gather3A_357, %mul3A_356 : vector<16xf32>
        tpu.vector_store_idx %arg11[%get3A_352], %max3A_358 : memref<10000xf32, #tpu.memory_space<vmem>>[vector<16xi32>], vector<16xf32>,
        %gather3A_359 = tpu.vector_load_idx %arg8[%get3A_350] : memref<10000xf32, #tpu.memory_space<vmem>>[vector<16xi32>], vector<16xf32>,
        %mul3A_360 = arith.mulf %gather3A_359, %get3A_354 : vector<16xf32>
        %gather3A_361 = tpu.vector_load_idx %arg12[%get3A_352] : memref<10000xf32, #tpu.memory_space<vmem>>[vector<16xi32>], vector<16xf32>,
        %max3A_362 = arith.maximumf %gather3A_361, %mul3A_360 : vector<16xf32>
        tpu.vector_store_idx %arg12[%get3A_352], %max3A_362 : memref<10000xf32, #tpu.memory_space<vmem>>[vector<16xi32>], vector<16xf32>,
        %gather3A_363 = tpu.vector_load_idx %arg9[%get3A_350] : memref<10000xf32, #tpu.memory_space<vmem>>[vector<16xi32>], vector<16xf32>,
        %mul3A_364 = arith.mulf %gather3A_363, %get3A_354 : vector<16xf32>
        %gather3A_365 = tpu.vector_load_idx %arg13[%get3A_352] : memref<10000xf32, #tpu.memory_space<vmem>>[vector<16xi32>], vector<16xf32>,
        %max3A_366 = arith.maximumf %gather3A_365, %mul3A_364 : vector<16xf32>
        tpu.vector_store_idx %arg13[%get3A_352], %max3A_366 : memref<10000xf32, #tpu.memory_space<vmem>>[vector<16xi32>], vector<16xf32>,
        %gather3A_367 = tpu.vector_load_idx %arg10[%get3A_350] : memref<10000xf32, #tpu.memory_space<vmem>>[vector<16xi32>], vector<16xf32>,
        %mul3A_368 = arith.mulf %gather3A_367, %get3A_354 : vector<16xf32>
        %gather3A_369 = tpu.vector_load_idx %arg14[%get3A_352] : memref<10000xf32, #tpu.memory_space<vmem>>[vector<16xi32>], vector<16xf32>,
        %max3A_370 = arith.maximumf %gather3A_369, %mul3A_368 : vector<16xf32>
        tpu.vector_store_idx %arg14[%get3A_352], %max3A_370 : memref<10000xf32, #tpu.memory_space<vmem>>[vector<16xi32>], vector<16xf32>,
        %gather3A_371 = tpu.vector_load_idx %arg11[%get3A_352] : memref<10000xf32, #tpu.memory_space<vmem>>[vector<16xi32>], vector<16xf32>,
        %lt3A_372 = arith.cmpf olt, %gather3A_371, %mul3A_356 : vector<16xf32>
        %convert_element_type3A_373 = arith.extui %lt3A_372 : vector<16xi1> to vector<16xi32>
        %gather3A_374 = tpu.vector_load_idx %arg12[%get3A_352] : memref<10000xf32, #tpu.memory_space<vmem>>[vector<16xi32>], vector<16xf32>,
        %lt3A_375 = arith.cmpf olt, %gather3A_374, %mul3A_360 : vector<16xf32>
        %convert_element_type3A_376 = arith.extui %lt3A_375 : vector<16xi1> to vector<16xi32>
        %or3A_377 = arith.ori %convert_element_type3A_373, %convert_element_type3A_376 : vector<16xi32>
        %gather3A_378 = tpu.vector_load_idx %arg13[%get3A_352] : memref<10000xf32, #tpu.memory_space<vmem>>[vector<16xi32>], vector<16xf32>,
        %lt3A_379 = arith.cmpf olt, %gather3A_378, %mul3A_364 : vector<16xf32>
        %convert_element_type3A_380 = arith.extui %lt3A_379 : vector<16xi1> to vector<16xi32>
        %or3A_381 = arith.ori %or3A_377, %convert_element_type3A_380 : vector<16xi32>
        %gather3A_382 = tpu.vector_load_idx %arg14[%get3A_352] : memref<10000xf32, #tpu.memory_space<vmem>>[vector<16xi32>], vector<16xf32>,
        %lt3A_383 = arith.cmpf olt, %gather3A_382, %mul3A_368 : vector<16xf32>
        %convert_element_type3A_384 = arith.extui %lt3A_383 : vector<16xi1> to vector<16xi32>
        %or3A_385 = arith.ori %or3A_381, %convert_element_type3A_384 : vector<16xi32>
        %or3A_386 = arith.ori %or3A_342, %or3A_385 : vector<16xi32>
        %mul3A_387 = arith.constant 8 : i32
        %mul3A_388 = arith.muli %scan3A_83, %mul3A_387 : i32
        %add3A_389 = arith.constant 7 : i32
        %add3A_390 = arith.addi %mul3A_388, %add3A_389 : i32
        %mul3A_391 = arith.constant 16 : i32
        %mul3A_392 = arith.muli %add3A_390, %mul3A_391 : i32
        %get3A_393 = arith.index_cast %mul3A_392 : i32 to index
        %get3A_394 = tpu.vector_load %arg15[%get3A_393] {strides = array<i32>} : memref<2560xi32, #tpu.memory_space<vmem>>, vector<16xi32>,
        %get3A_395 = arith.index_cast %mul3A_392 : i32 to index
        %get3A_396 = tpu.vector_load %arg16[%get3A_395] {strides = array<i32>} : memref<2560xi32, #tpu.memory_space<vmem>>, vector<16xi32>,
        %get3A_397 = arith.index_cast %mul3A_392 : i32 to index
        %get3A_398 = tpu.vector_load %arg17[%get3A_397] {strides = array<i32>} : memref<2560xf32, #tpu.memory_space<vmem>>, vector<16xf32>,
        %gather3A_399 = tpu.vector_load_idx %arg7[%get3A_394] : memref<10000xf32, #tpu.memory_space<vmem>>[vector<16xi32>], vector<16xf32>,
        %mul3A_400 = arith.mulf %gather3A_399, %get3A_398 : vector<16xf32>
        %gather3A_401 = tpu.vector_load_idx %arg11[%get3A_396] : memref<10000xf32, #tpu.memory_space<vmem>>[vector<16xi32>], vector<16xf32>,
        %max3A_402 = arith.maximumf %gather3A_401, %mul3A_400 : vector<16xf32>
        tpu.vector_store_idx %arg11[%get3A_396], %max3A_402 : memref<10000xf32, #tpu.memory_space<vmem>>[vector<16xi32>], vector<16xf32>,
        %gather3A_403 = tpu.vector_load_idx %arg8[%get3A_394] : memref<10000xf32, #tpu.memory_space<vmem>>[vector<16xi32>], vector<16xf32>,
        %mul3A_404 = arith.mulf %gather3A_403, %get3A_398 : vector<16xf32>
        %gather3A_405 = tpu.vector_load_idx %arg12[%get3A_396] : memref<10000xf32, #tpu.memory_space<vmem>>[vector<16xi32>], vector<16xf32>,
        %max3A_406 = arith.maximumf %gather3A_405, %mul3A_404 : vector<16xf32>
        tpu.vector_store_idx %arg12[%get3A_396], %max3A_406 : memref<10000xf32, #tpu.memory_space<vmem>>[vector<16xi32>], vector<16xf32>,
        %gather3A_407 = tpu.vector_load_idx %arg9[%get3A_394] : memref<10000xf32, #tpu.memory_space<vmem>>[vector<16xi32>], vector<16xf32>,
        %mul3A_408 = arith.mulf %gather3A_407, %get3A_398 : vector<16xf32>
        %gather3A_409 = tpu.vector_load_idx %arg13[%get3A_396] : memref<10000xf32, #tpu.memory_space<vmem>>[vector<16xi32>], vector<16xf32>,
        %max3A_410 = arith.maximumf %gather3A_409, %mul3A_408 : vector<16xf32>
        tpu.vector_store_idx %arg13[%get3A_396], %max3A_410 : memref<10000xf32, #tpu.memory_space<vmem>>[vector<16xi32>], vector<16xf32>,
        %gather3A_411 = tpu.vector_load_idx %arg10[%get3A_394] : memref<10000xf32, #tpu.memory_space<vmem>>[vector<16xi32>], vector<16xf32>,
        %mul3A_412 = arith.mulf %gather3A_411, %get3A_398 : vector<16xf32>
        %gather3A_413 = tpu.vector_load_idx %arg14[%get3A_396] : memref<10000xf32, #tpu.memory_space<vmem>>[vector<16xi32>], vector<16xf32>,
        %max3A_414 = arith.maximumf %gather3A_413, %mul3A_412 : vector<16xf32>
        tpu.vector_store_idx %arg14[%get3A_396], %max3A_414 : memref<10000xf32, #tpu.memory_space<vmem>>[vector<16xi32>], vector<16xf32>,
        %gather3A_415 = tpu.vector_load_idx %arg11[%get3A_396] : memref<10000xf32, #tpu.memory_space<vmem>>[vector<16xi32>], vector<16xf32>,
        %lt3A_416 = arith.cmpf olt, %gather3A_415, %mul3A_400 : vector<16xf32>
        %convert_element_type3A_417 = arith.extui %lt3A_416 : vector<16xi1> to vector<16xi32>
        %gather3A_418 = tpu.vector_load_idx %arg12[%get3A_396] : memref<10000xf32, #tpu.memory_space<vmem>>[vector<16xi32>], vector<16xf32>,
        %lt3A_419 = arith.cmpf olt, %gather3A_418, %mul3A_404 : vector<16xf32>
        %convert_element_type3A_420 = arith.extui %lt3A_419 : vector<16xi1> to vector<16xi32>
        %or3A_421 = arith.ori %convert_element_type3A_417, %convert_element_type3A_420 : vector<16xi32>
        %gather3A_422 = tpu.vector_load_idx %arg13[%get3A_396] : memref<10000xf32, #tpu.memory_space<vmem>>[vector<16xi32>], vector<16xf32>,
        %lt3A_423 = arith.cmpf olt, %gather3A_422, %mul3A_408 : vector<16xf32>
        %convert_element_type3A_424 = arith.extui %lt3A_423 : vector<16xi1> to vector<16xi32>
        %or3A_425 = arith.ori %or3A_421, %convert_element_type3A_424 : vector<16xi32>
        %gather3A_426 = tpu.vector_load_idx %arg14[%get3A_396] : memref<10000xf32, #tpu.memory_space<vmem>>[vector<16xi32>], vector<16xf32>,
        %lt3A_427 = arith.cmpf olt, %gather3A_426, %mul3A_412 : vector<16xf32>
        %convert_element_type3A_428 = arith.extui %lt3A_427 : vector<16xi1> to vector<16xi32>
        %or3A_429 = arith.ori %or3A_425, %convert_element_type3A_428 : vector<16xi32>
        %or3A_430 = arith.ori %or3A_386, %or3A_429 : vector<16xi32>
        %mul3A_431 = arith.constant 16 : i32
        %mul3A_432 = arith.muli %scan3A_83, %mul3A_431 : i32
        %swap3A = arith.index_cast %mul3A_432 : i32 to index
        %swap3A_433 = tpu.vector_load %arg18[%swap3A] {strides = array<i32>} : memref<320xi32, #tpu.memory_space<vmem>>, vector<16xi32>,
        tpu.vector_store %arg18[%swap3A], %or3A_430 {strides = array<i32>} : memref<320xi32, #tpu.memory_space<vmem>>, vector<16xi32>,
        %scan3A_434 = arith.constant 0 : i32
        scf.yield %scan3A_434 : i32
      }
      %scan3A_74 = arith.constant 20 : i32
      %scan3A_75 = arith.constant 0 : i32
      %scan3A_76 = arith.constant 0 : i32
      %scan3A_77 = arith.constant 20 : i32
      %scan3A_78 = arith.addi %scan3A_76, %scan3A_77 : i32
      %scan3A_79 = arith.constant 1 : i32
      %scan3A_80 = scf.for %scan3A_83 = %scan3A_76 to %scan3A_78 step %scan3A_79 iter_args(%scan3A_84 = %scan3A_75) -> (i32)  : i32 {
        %mul3A_85 = arith.constant 16 : i32
        %mul3A_86 = arith.muli %scan3A_83, %mul3A_85 : i32
        %get3A = arith.index_cast %mul3A_86 : i32 to index
        %get3A_87 = tpu.vector_load %arg18[%get3A] {strides = array<i32>} : memref<320xi32, #tpu.memory_space<vmem>>, vector<16xi32>,
        %ne3A_88 = arith.constant 0 : i32
        %ne3A_89 = vector.broadcast %ne3A_88 : i32 to vector<16xi32>
        %ne3A_90 = arith.cmpi ne, %get3A_87, %ne3A_89 : vector<16xi32>
        %reduce_or3A = arith.constant 1.000000e+00 : f32
        %reduce_or3A_91 = arith.constant 0.000000e+00 : f32
        %reduce_or3A_92 = vector.broadcast %reduce_or3A : f32 to vector<16xf32>
        %reduce_or3A_93 = vector.broadcast %reduce_or3A_91 : f32 to vector<16xf32>
        %reduce_or3A_94 = arith.select %ne3A_90, %reduce_or3A_92, %reduce_or3A_93 : vector<16xi1>, vector<16xf32>
        %reduce_or3A_95 = arith.constant true
        %reduce_or3A_96 = vector.broadcast %reduce_or3A_95 : i1 to vector<16xi1>
        %reduce_or3A_97 = tpu.scan <max>, %reduce_or3A_94 masked %reduce_or3A_96 : vector<16xf32>, vector<16xi1> -> vector<16xf32>
        %reduce_or3A_98 = vector.extract %reduce_or3A_97[15] : f32 from vector<16xf32>
        %reduce_or3A_99 = arith.constant 0.000000e+00 : f32
        %reduce_or3A_100 = arith.cmpf ogt, %reduce_or3A_98, %reduce_or3A_99 : f32
        %convert_element_type3A_101 = arith.extui %reduce_or3A_100 : i1 to i32
        %cond3A_102 = arith.constant 0 : i32
        %cond3A_103 = arith.cmpi ne, %convert_element_type3A_101, %cond3A_102 : i32
        scf.if %cond3A_103 {
          %mul3A_105 = arith.constant 8 : i32
          %mul3A_106 = arith.muli %scan3A_83, %mul3A_105 : i32
          %add3A_107 = arith.constant 1 : i32
          %add3A_108 = arith.addi %scan3A_83, %add3A_107 : i32
          %mul3A_109 = arith.constant 8 : i32
          %mul3A_110 = arith.muli %add3A_108, %mul3A_109 : i32
          %while3A = arith.constant 0 : i32
          %while3A_111 = arith.subi %mul3A_110, %mul3A_106 : i32
          %while3A_112 = arith.addi %mul3A_106, %while3A_111 : i32
          %while3A_113 = arith.constant 1 : i32
          %while3A_114 = arith.divsi %while3A_111, %while3A_113 : i32
          %while3A_115 = arith.muli %while3A_114, %while3A_113 : i32
          %while3A_116 = arith.addi %mul3A_106, %while3A_115 : i32
          %while3A_117 = arith.constant 1 : i32
          %while3A_118 = scf.for %while3A_121 = %mul3A_106 to %while3A_116 step %while3A_117 iter_args(%while3A_122 = %while3A) -> (i32)  : i32 {
            %mul3A_123 = arith.constant 16 : i32
            %mul3A_124 = arith.muli %while3A_121, %mul3A_123 : i32
            %get3A_125 = arith.index_cast %mul3A_124 : i32 to index
            %get3A_126 = tpu.vector_load %arg15[%get3A_125] {strides = array<i32>} : memref<2560xi32, #tpu.memory_space<vmem>>, vector<16xi32>,
            %get3A_127 = arith.index_cast %mul3A_124 : i32 to index
            %get3A_128 = tpu.vector_load %arg16[%get3A_127] {strides = array<i32>} : memref<2560xi32, #tpu.memory_space<vmem>>, vector<16xi32>,
            %get3A_129 = arith.index_cast %mul3A_124 : i32 to index
            %get3A_130 = tpu.vector_load %arg17[%get3A_129] {strides = array<i32>} : memref<2560xf32, #tpu.memory_space<vmem>>, vector<16xf32>,
            %slice3A = vector.extract_strided_slice %get3A_126 {offsets = [0], sizes = [1], strides = [1]} : vector<16xi32> to vector<1xi32>
            %squeeze3A = vector.extract %slice3A[0] : i32 from vector<1xi32>
            %broadcast_in_dim3A = vector.broadcast %squeeze3A : i32 to vector<16xi32>
            %slice3A_131 = vector.extract_strided_slice %get3A_128 {offsets = [0], sizes = [1], strides = [1]} : vector<16xi32> to vector<1xi32>
            %squeeze3A_132 = vector.extract %slice3A_131[0] : i32 from vector<1xi32>
            %broadcast_in_dim3A_133 = vector.broadcast %squeeze3A_132 : i32 to vector<16xi32>
            %slice3A_134 = vector.extract_strided_slice %get3A_130 {offsets = [0], sizes = [1], strides = [1]} : vector<16xf32> to vector<1xf32>
            %squeeze3A_135 = vector.extract %slice3A_134[0] : f32 from vector<1xf32>
            %gather3A = tpu.vector_load_idx %arg7[%broadcast_in_dim3A] : memref<10000xf32, #tpu.memory_space<vmem>>[vector<16xi32>], vector<16xf32>,
            %mul3A_136 = vector.broadcast %squeeze3A_135 : f32 to vector<16xf32>
            %mul3A_137 = arith.mulf %gather3A, %mul3A_136 : vector<16xf32>
            %gather3A_138 = tpu.vector_load_idx %arg11[%broadcast_in_dim3A_133] : memref<10000xf32, #tpu.memory_space<vmem>>[vector<16xi32>], vector<16xf32>,
            %max3A = arith.maximumf %gather3A_138, %mul3A_137 : vector<16xf32>
            tpu.vector_store_idx %arg11[%broadcast_in_dim3A_133], %max3A : memref<10000xf32, #tpu.memory_space<vmem>>[vector<16xi32>], vector<16xf32>,
            %gather3A_139 = tpu.vector_load_idx %arg8[%broadcast_in_dim3A] : memref<10000xf32, #tpu.memory_space<vmem>>[vector<16xi32>], vector<16xf32>,
            %mul3A_140 = vector.broadcast %squeeze3A_135 : f32 to vector<16xf32>
            %mul3A_141 = arith.mulf %gather3A_139, %mul3A_140 : vector<16xf32>
            %gather3A_142 = tpu.vector_load_idx %arg12[%broadcast_in_dim3A_133] : memref<10000xf32, #tpu.memory_space<vmem>>[vector<16xi32>], vector<16xf32>,
            %max3A_143 = arith.maximumf %gather3A_142, %mul3A_141 : vector<16xf32>
            tpu.vector_store_idx %arg12[%broadcast_in_dim3A_133], %max3A_143 : memref<10000xf32, #tpu.memory_space<vmem>>[vector<16xi32>], vector<16xf32>,
            %gather3A_144 = tpu.vector_load_idx %arg9[%broadcast_in_dim3A] : memref<10000xf32, #tpu.memory_space<vmem>>[vector<16xi32>], vector<16xf32>,
            %mul3A_145 = vector.broadcast %squeeze3A_135 : f32 to vector<16xf32>
            %mul3A_146 = arith.mulf %gather3A_144, %mul3A_145 : vector<16xf32>
            %gather3A_147 = tpu.vector_load_idx %arg13[%broadcast_in_dim3A_133] : memref<10000xf32, #tpu.memory_space<vmem>>[vector<16xi32>], vector<16xf32>,
            %max3A_148 = arith.maximumf %gather3A_147, %mul3A_146 : vector<16xf32>
            tpu.vector_store_idx %arg13[%broadcast_in_dim3A_133], %max3A_148 : memref<10000xf32, #tpu.memory_space<vmem>>[vector<16xi32>], vector<16xf32>,
            %gather3A_149 = tpu.vector_load_idx %arg10[%broadcast_in_dim3A] : memref<10000xf32, #tpu.memory_space<vmem>>[vector<16xi32>], vector<16xf32>,
            %mul3A_150 = vector.broadcast %squeeze3A_135 : f32 to vector<16xf32>
            %mul3A_151 = arith.mulf %gather3A_149, %mul3A_150 : vector<16xf32>
            %gather3A_152 = tpu.vector_load_idx %arg14[%broadcast_in_dim3A_133] : memref<10000xf32, #tpu.memory_space<vmem>>[vector<16xi32>], vector<16xf32>,
            %max3A_153 = arith.maximumf %gather3A_152, %mul3A_151 : vector<16xf32>
            tpu.vector_store_idx %arg14[%broadcast_in_dim3A_133], %max3A_153 : memref<10000xf32, #tpu.memory_space<vmem>>[vector<16xi32>], vector<16xf32>,
            %slice3A_154 = vector.extract_strided_slice %get3A_126 {offsets = [1], sizes = [1], strides = [1]} : vector<16xi32> to vector<1xi32>
            %squeeze3A_155 = vector.extract %slice3A_154[0] : i32 from vector<1xi32>
            %broadcast_in_dim3A_156 = vector.broadcast %squeeze3A_155 : i32 to vector<16xi32>
            %slice3A_157 = vector.extract_strided_slice %get3A_128 {offsets = [1], sizes = [1], strides = [1]} : vector<16xi32> to vector<1xi32>
            %squeeze3A_158 = vector.extract %slice3A_157[0] : i32 from vector<1xi32>
            %broadcast_in_dim3A_159 = vector.broadcast %squeeze3A_158 : i32 to vector<16xi32>
            %slice3A_160 = vector.extract_strided_slice %get3A_130 {offsets = [1], sizes = [1], strides = [1]} : vector<16xf32> to vector<1xf32>
            %squeeze3A_161 = vector.extract %slice3A_160[0] : f32 from vector<1xf32>
            %gather3A_162 = tpu.vector_load_idx %arg7[%broadcast_in_dim3A_156] : memref<10000xf32, #tpu.memory_space<vmem>>[vector<16xi32>], vector<16xf32>,
            %mul3A_163 = vector.broadcast %squeeze3A_161 : f32 to vector<16xf32>
            %mul3A_164 = arith.mulf %gather3A_162, %mul3A_163 : vector<16xf32>
            %gather3A_165 = tpu.vector_load_idx %arg11[%broadcast_in_dim3A_159] : memref<10000xf32, #tpu.memory_space<vmem>>[vector<16xi32>], vector<16xf32>,
            %max3A_166 = arith.maximumf %gather3A_165, %mul3A_164 : vector<16xf32>
            tpu.vector_store_idx %arg11[%broadcast_in_dim3A_159], %max3A_166 : memref<10000xf32, #tpu.memory_space<vmem>>[vector<16xi32>], vector<16xf32>,
            %gather3A_167 = tpu.vector_load_idx %arg8[%broadcast_in_dim3A_156] : memref<10000xf32, #tpu.memory_space<vmem>>[vector<16xi32>], vector<16xf32>,
            %mul3A_168 = vector.broadcast %squeeze3A_161 : f32 to vector<16xf32>
            %mul3A_169 = arith.mulf %gather3A_167, %mul3A_168 : vector<16xf32>
            %gather3A_170 = tpu.vector_load_idx %arg12[%broadcast_in_dim3A_159] : memref<10000xf32, #tpu.memory_space<vmem>>[vector<16xi32>], vector<16xf32>,
            %max3A_171 = arith.maximumf %gather3A_170, %mul3A_169 : vector<16xf32>
            tpu.vector_store_idx %arg12[%broadcast_in_dim3A_159], %max3A_171 : memref<10000xf32, #tpu.memory_space<vmem>>[vector<16xi32>], vector<16xf32>,
            %gather3A_172 = tpu.vector_load_idx %arg9[%broadcast_in_dim3A_156] : memref<10000xf32, #tpu.memory_space<vmem>>[vector<16xi32>], vector<16xf32>,
            %mul3A_173 = vector.broadcast %squeeze3A_161 : f32 to vector<16xf32>
            %mul3A_174 = arith.mulf %gather3A_172, %mul3A_173 : vector<16xf32>
            %gather3A_175 = tpu.vector_load_idx %arg13[%broadcast_in_dim3A_159] : memref<10000xf32, #tpu.memory_space<vmem>>[vector<16xi32>], vector<16xf32>,
            %max3A_176 = arith.maximumf %gather3A_175, %mul3A_174 : vector<16xf32>
            tpu.vector_store_idx %arg13[%broadcast_in_dim3A_159], %max3A_176 : memref<10000xf32, #tpu.memory_space<vmem>>[vector<16xi32>], vector<16xf32>,
            %gather3A_177 = tpu.vector_load_idx %arg10[%broadcast_in_dim3A_156] : memref<10000xf32, #tpu.memory_space<vmem>>[vector<16xi32>], vector<16xf32>,
            %mul3A_178 = vector.broadcast %squeeze3A_161 : f32 to vector<16xf32>
            %mul3A_179 = arith.mulf %gather3A_177, %mul3A_178 : vector<16xf32>
            %gather3A_180 = tpu.vector_load_idx %arg14[%broadcast_in_dim3A_159] : memref<10000xf32, #tpu.memory_space<vmem>>[vector<16xi32>], vector<16xf32>,
            %max3A_181 = arith.maximumf %gather3A_180, %mul3A_179 : vector<16xf32>
            tpu.vector_store_idx %arg14[%broadcast_in_dim3A_159], %max3A_181 : memref<10000xf32, #tpu.memory_space<vmem>>[vector<16xi32>], vector<16xf32>,
            %slice3A_182 = vector.extract_strided_slice %get3A_126 {offsets = [2], sizes = [1], strides = [1]} : vector<16xi32> to vector<1xi32>
            %squeeze3A_183 = vector.extract %slice3A_182[0] : i32 from vector<1xi32>
            %broadcast_in_dim3A_184 = vector.broadcast %squeeze3A_183 : i32 to vector<16xi32>
            %slice3A_185 = vector.extract_strided_slice %get3A_128 {offsets = [2], sizes = [1], strides = [1]} : vector<16xi32> to vector<1xi32>
            %squeeze3A_186 = vector.extract %slice3A_185[0] : i32 from vector<1xi32>
            %broadcast_in_dim3A_187 = vector.broadcast %squeeze3A_186 : i32 to vector<16xi32>
            %slice3A_188 = vector.extract_strided_slice %get3A_130 {offsets = [2], sizes = [1], strides = [1]} : vector<16xf32> to vector<1xf32>
            %squeeze3A_189 = vector.extract %slice3A_188[0] : f32 from vector<1xf32>
            %gather3A_190 = tpu.vector_load_idx %arg7[%broadcast_in_dim3A_184] : memref<10000xf32, #tpu.memory_space<vmem>>[vector<16xi32>], vector<16xf32>,
            %mul3A_191 = vector.broadcast %squeeze3A_189 : f32 to vector<16xf32>
            %mul3A_192 = arith.mulf %gather3A_190, %mul3A_191 : vector<16xf32>
            %gather3A_193 = tpu.vector_load_idx %arg11[%broadcast_in_dim3A_187] : memref<10000xf32, #tpu.memory_space<vmem>>[vector<16xi32>], vector<16xf32>,
            %max3A_194 = arith.maximumf %gather3A_193, %mul3A_192 : vector<16xf32>
            tpu.vector_store_idx %arg11[%broadcast_in_dim3A_187], %max3A_194 : memref<10000xf32, #tpu.memory_space<vmem>>[vector<16xi32>], vector<16xf32>,
            %gather3A_195 = tpu.vector_load_idx %arg8[%broadcast_in_dim3A_184] : memref<10000xf32, #tpu.memory_space<vmem>>[vector<16xi32>], vector<16xf32>,
            %mul3A_196 = vector.broadcast %squeeze3A_189 : f32 to vector<16xf32>
            %mul3A_197 = arith.mulf %gather3A_195, %mul3A_196 : vector<16xf32>
            %gather3A_198 = tpu.vector_load_idx %arg12[%broadcast_in_dim3A_187] : memref<10000xf32, #tpu.memory_space<vmem>>[vector<16xi32>], vector<16xf32>,
            %max3A_199 = arith.maximumf %gather3A_198, %mul3A_197 : vector<16xf32>
            tpu.vector_store_idx %arg12[%broadcast_in_dim3A_187], %max3A_199 : memref<10000xf32, #tpu.memory_space<vmem>>[vector<16xi32>], vector<16xf32>,
            %gather3A_200 = tpu.vector_load_idx %arg9[%broadcast_in_dim3A_184] : memref<10000xf32, #tpu.memory_space<vmem>>[vector<16xi32>], vector<16xf32>,
            %mul3A_201 = vector.broadcast %squeeze3A_189 : f32 to vector<16xf32>
            %mul3A_202 = arith.mulf %gather3A_200, %mul3A_201 : vector<16xf32>
            %gather3A_203 = tpu.vector_load_idx %arg13[%broadcast_in_dim3A_187] : memref<10000xf32, #tpu.memory_space<vmem>>[vector<16xi32>], vector<16xf32>,
            %max3A_204 = arith.maximumf %gather3A_203, %mul3A_202 : vector<16xf32>
            tpu.vector_store_idx %arg13[%broadcast_in_dim3A_187], %max3A_204 : memref<10000xf32, #tpu.memory_space<vmem>>[vector<16xi32>], vector<16xf32>,
            %gather3A_205 = tpu.vector_load_idx %arg10[%broadcast_in_dim3A_184] : memref<10000xf32, #tpu.memory_space<vmem>>[vector<16xi32>], vector<16xf32>,
            %mul3A_206 = vector.broadcast %squeeze3A_189 : f32 to vector<16xf32>
            %mul3A_207 = arith.mulf %gather3A_205, %mul3A_206 : vector<16xf32>
            %gather3A_208 = tpu.vector_load_idx %arg14[%broadcast_in_dim3A_187] : memref<10000xf32, #tpu.memory_space<vmem>>[vector<16xi32>], vector<16xf32>,
            %max3A_209 = arith.maximumf %gather3A_208, %mul3A_207 : vector<16xf32>
            tpu.vector_store_idx %arg14[%broadcast_in_dim3A_187], %max3A_209 : memref<10000xf32, #tpu.memory_space<vmem>>[vector<16xi32>], vector<16xf32>,
            %slice3A_210 = vector.extract_strided_slice %get3A_126 {offsets = [3], sizes = [1], strides = [1]} : vector<16xi32> to vector<1xi32>
            %squeeze3A_211 = vector.extract %slice3A_210[0] : i32 from vector<1xi32>
            %broadcast_in_dim3A_212 = vector.broadcast %squeeze3A_211 : i32 to vector<16xi32>
            %slice3A_213 = vector.extract_strided_slice %get3A_128 {offsets = [3], sizes = [1], strides = [1]} : vector<16xi32> to vector<1xi32>
            %squeeze3A_214 = vector.extract %slice3A_213[0] : i32 from vector<1xi32>
            %broadcast_in_dim3A_215 = vector.broadcast %squeeze3A_214 : i32 to vector<16xi32>
            %slice3A_216 = vector.extract_strided_slice %get3A_130 {offsets = [3], sizes = [1], strides = [1]} : vector<16xf32> to vector<1xf32>
            %squeeze3A_217 = vector.extract %slice3A_216[0] : f32 from vector<1xf32>
            %gather3A_218 = tpu.vector_load_idx %arg7[%broadcast_in_dim3A_212] : memref<10000xf32, #tpu.memory_space<vmem>>[vector<16xi32>], vector<16xf32>,
            %mul3A_219 = vector.broadcast %squeeze3A_217 : f32 to vector<16xf32>
            %mul3A_220 = arith.mulf %gather3A_218, %mul3A_219 : vector<16xf32>
            %gather3A_221 = tpu.vector_load_idx %arg11[%broadcast_in_dim3A_215] : memref<10000xf32, #tpu.memory_space<vmem>>[vector<16xi32>], vector<16xf32>,
            %max3A_222 = arith.maximumf %gather3A_221, %mul3A_220 : vector<16xf32>
            tpu.vector_store_idx %arg11[%broadcast_in_dim3A_215], %max3A_222 : memref<10000xf32, #tpu.memory_space<vmem>>[vector<16xi32>], vector<16xf32>,
            %gather3A_223 = tpu.vector_load_idx %arg8[%broadcast_in_dim3A_212] : memref<10000xf32, #tpu.memory_space<vmem>>[vector<16xi32>], vector<16xf32>,
            %mul3A_224 = vector.broadcast %squeeze3A_217 : f32 to vector<16xf32>
            %mul3A_225 = arith.mulf %gather3A_223, %mul3A_224 : vector<16xf32>
            %gather3A_226 = tpu.vector_load_idx %arg12[%broadcast_in_dim3A_215] : memref<10000xf32, #tpu.memory_space<vmem>>[vector<16xi32>], vector<16xf32>,
            %max3A_227 = arith.maximumf %gather3A_226, %mul3A_225 : vector<16xf32>
            tpu.vector_store_idx %arg12[%broadcast_in_dim3A_215], %max3A_227 : memref<10000xf32, #tpu.memory_space<vmem>>[vector<16xi32>], vector<16xf32>,
            %gather3A_228 = tpu.vector_load_idx %arg9[%broadcast_in_dim3A_212] : memref<10000xf32, #tpu.memory_space<vmem>>[vector<16xi32>], vector<16xf32>,
            %mul3A_229 = vector.broadcast %squeeze3A_217 : f32 to vector<16xf32>
            %mul3A_230 = arith.mulf %gather3A_228, %mul3A_229 : vector<16xf32>
            %gather3A_231 = tpu.vector_load_idx %arg13[%broadcast_in_dim3A_215] : memref<10000xf32, #tpu.memory_space<vmem>>[vector<16xi32>], vector<16xf32>,
            %max3A_232 = arith.maximumf %gather3A_231, %mul3A_230 : vector<16xf32>
            tpu.vector_store_idx %arg13[%broadcast_in_dim3A_215], %max3A_232 : memref<10000xf32, #tpu.memory_space<vmem>>[vector<16xi32>], vector<16xf32>,
            %gather3A_233 = tpu.vector_load_idx %arg10[%broadcast_in_dim3A_212] : memref<10000xf32, #tpu.memory_space<vmem>>[vector<16xi32>], vector<16xf32>,
            %mul3A_234 = vector.broadcast %squeeze3A_217 : f32 to vector<16xf32>
            %mul3A_235 = arith.mulf %gather3A_233, %mul3A_234 : vector<16xf32>
            %gather3A_236 = tpu.vector_load_idx %arg14[%broadcast_in_dim3A_215] : memref<10000xf32, #tpu.memory_space<vmem>>[vector<16xi32>], vector<16xf32>,
            %max3A_237 = arith.maximumf %gather3A_236, %mul3A_235 : vector<16xf32>
            tpu.vector_store_idx %arg14[%broadcast_in_dim3A_215], %max3A_237 : memref<10000xf32, #tpu.memory_space<vmem>>[vector<16xi32>], vector<16xf32>,
            %slice3A_238 = vector.extract_strided_slice %get3A_126 {offsets = [4], sizes = [1], strides = [1]} : vector<16xi32> to vector<1xi32>
            %squeeze3A_239 = vector.extract %slice3A_238[0] : i32 from vector<1xi32>
            %broadcast_in_dim3A_240 = vector.broadcast %squeeze3A_239 : i32 to vector<16xi32>
            %slice3A_241 = vector.extract_strided_slice %get3A_128 {offsets = [4], sizes = [1], strides = [1]} : vector<16xi32> to vector<1xi32>
            %squeeze3A_242 = vector.extract %slice3A_241[0] : i32 from vector<1xi32>
            %broadcast_in_dim3A_243 = vector.broadcast %squeeze3A_242 : i32 to vector<16xi32>
            %slice3A_244 = vector.extract_strided_slice %get3A_130 {offsets = [4], sizes = [1], strides = [1]} : vector<16xf32> to vector<1xf32>
            %squeeze3A_245 = vector.extract %slice3A_244[0] : f32 from vector<1xf32>
            %gather3A_246 = tpu.vector_load_idx %arg7[%broadcast_in_dim3A_240] : memref<10000xf32, #tpu.memory_space<vmem>>[vector<16xi32>], vector<16xf32>,
            %mul3A_247 = vector.broadcast %squeeze3A_245 : f32 to vector<16xf32>
            %mul3A_248 = arith.mulf %gather3A_246, %mul3A_247 : vector<16xf32>
            %gather3A_249 = tpu.vector_load_idx %arg11[%broadcast_in_dim3A_243] : memref<10000xf32, #tpu.memory_space<vmem>>[vector<16xi32>], vector<16xf32>,
            %max3A_250 = arith.maximumf %gather3A_249, %mul3A_248 : vector<16xf32>
            tpu.vector_store_idx %arg11[%broadcast_in_dim3A_243], %max3A_250 : memref<10000xf32, #tpu.memory_space<vmem>>[vector<16xi32>], vector<16xf32>,
            %gather3A_251 = tpu.vector_load_idx %arg8[%broadcast_in_dim3A_240] : memref<10000xf32, #tpu.memory_space<vmem>>[vector<16xi32>], vector<16xf32>,
            %mul3A_252 = vector.broadcast %squeeze3A_245 : f32 to vector<16xf32>
            %mul3A_253 = arith.mulf %gather3A_251, %mul3A_252 : vector<16xf32>
            %gather3A_254 = tpu.vector_load_idx %arg12[%broadcast_in_dim3A_243] : memref<10000xf32, #tpu.memory_space<vmem>>[vector<16xi32>], vector<16xf32>,
            %max3A_255 = arith.maximumf %gather3A_254, %mul3A_253 : vector<16xf32>
            tpu.vector_store_idx %arg12[%broadcast_in_dim3A_243], %max3A_255 : memref<10000xf32, #tpu.memory_space<vmem>>[vector<16xi32>], vector<16xf32>,
            %gather3A_256 = tpu.vector_load_idx %arg9[%broadcast_in_dim3A_240] : memref<10000xf32, #tpu.memory_space<vmem>>[vector<16xi32>], vector<16xf32>,
            %mul3A_257 = vector.broadcast %squeeze3A_245 : f32 to vector<16xf32>
            %mul3A_258 = arith.mulf %gather3A_256, %mul3A_257 : vector<16xf32>
            %gather3A_259 = tpu.vector_load_idx %arg13[%broadcast_in_dim3A_243] : memref<10000xf32, #tpu.memory_space<vmem>>[vector<16xi32>], vector<16xf32>,
            %max3A_260 = arith.maximumf %gather3A_259, %mul3A_258 : vector<16xf32>
            tpu.vector_store_idx %arg13[%broadcast_in_dim3A_243], %max3A_260 : memref<10000xf32, #tpu.memory_space<vmem>>[vector<16xi32>], vector<16xf32>,
            %gather3A_261 = tpu.vector_load_idx %arg10[%broadcast_in_dim3A_240] : memref<10000xf32, #tpu.memory_space<vmem>>[vector<16xi32>], vector<16xf32>,
            %mul3A_262 = vector.broadcast %squeeze3A_245 : f32 to vector<16xf32>
            %mul3A_263 = arith.mulf %gather3A_261, %mul3A_262 : vector<16xf32>
            %gather3A_264 = tpu.vector_load_idx %arg14[%broadcast_in_dim3A_243] : memref<10000xf32, #tpu.memory_space<vmem>>[vector<16xi32>], vector<16xf32>,
            %max3A_265 = arith.maximumf %gather3A_264, %mul3A_263 : vector<16xf32>
            tpu.vector_store_idx %arg14[%broadcast_in_dim3A_243], %max3A_265 : memref<10000xf32, #tpu.memory_space<vmem>>[vector<16xi32>], vector<16xf32>,
            %slice3A_266 = vector.extract_strided_slice %get3A_126 {offsets = [5], sizes = [1], strides = [1]} : vector<16xi32> to vector<1xi32>
            %squeeze3A_267 = vector.extract %slice3A_266[0] : i32 from vector<1xi32>
            %broadcast_in_dim3A_268 = vector.broadcast %squeeze3A_267 : i32 to vector<16xi32>
            %slice3A_269 = vector.extract_strided_slice %get3A_128 {offsets = [5], sizes = [1], strides = [1]} : vector<16xi32> to vector<1xi32>
            %squeeze3A_270 = vector.extract %slice3A_269[0] : i32 from vector<1xi32>
            %broadcast_in_dim3A_271 = vector.broadcast %squeeze3A_270 : i32 to vector<16xi32>
            %slice3A_272 = vector.extract_strided_slice %get3A_130 {offsets = [5], sizes = [1], strides = [1]} : vector<16xf32> to vector<1xf32>
            %squeeze3A_273 = vector.extract %slice3A_272[0] : f32 from vector<1xf32>
            %gather3A_274 = tpu.vector_load_idx %arg7[%broadcast_in_dim3A_268] : memref<10000xf32, #tpu.memory_space<vmem>>[vector<16xi32>], vector<16xf32>,
            %mul3A_275 = vector.broadcast %squeeze3A_273 : f32 to vector<16xf32>
            %mul3A_276 = arith.mulf %gather3A_274, %mul3A_275 : vector<16xf32>
            %gather3A_277 = tpu.vector_load_idx %arg11[%broadcast_in_dim3A_271] : memref<10000xf32, #tpu.memory_space<vmem>>[vector<16xi32>], vector<16xf32>,
            %max3A_278 = arith.maximumf %gather3A_277, %mul3A_276 : vector<16xf32>
            tpu.vector_store_idx %arg11[%broadcast_in_dim3A_271], %max3A_278 : memref<10000xf32, #tpu.memory_space<vmem>>[vector<16xi32>], vector<16xf32>,
            %gather3A_279 = tpu.vector_load_idx %arg8[%broadcast_in_dim3A_268] : memref<10000xf32, #tpu.memory_space<vmem>>[vector<16xi32>], vector<16xf32>,
            %mul3A_280 = vector.broadcast %squeeze3A_273 : f32 to vector<16xf32>
            %mul3A_281 = arith.mulf %gather3A_279, %mul3A_280 : vector<16xf32>
            %gather3A_282 = tpu.vector_load_idx %arg12[%broadcast_in_dim3A_271] : memref<10000xf32, #tpu.memory_space<vmem>>[vector<16xi32>], vector<16xf32>,
            %max3A_283 = arith.maximumf %gather3A_282, %mul3A_281 : vector<16xf32>
            tpu.vector_store_idx %arg12[%broadcast_in_dim3A_271], %max3A_283 : memref<10000xf32, #tpu.memory_space<vmem>>[vector<16xi32>], vector<16xf32>,
            %gather3A_284 = tpu.vector_load_idx %arg9[%broadcast_in_dim3A_268] : memref<10000xf32, #tpu.memory_space<vmem>>[vector<16xi32>], vector<16xf32>,
            %mul3A_285 = vector.broadcast %squeeze3A_273 : f32 to vector<16xf32>
            %mul3A_286 = arith.mulf %gather3A_284, %mul3A_285 : vector<16xf32>
            %gather3A_287 = tpu.vector_load_idx %arg13[%broadcast_in_dim3A_271] : memref<10000xf32, #tpu.memory_space<vmem>>[vector<16xi32>], vector<16xf32>,
            %max3A_288 = arith.maximumf %gather3A_287, %mul3A_286 : vector<16xf32>
            tpu.vector_store_idx %arg13[%broadcast_in_dim3A_271], %max3A_288 : memref<10000xf32, #tpu.memory_space<vmem>>[vector<16xi32>], vector<16xf32>,
            %gather3A_289 = tpu.vector_load_idx %arg10[%broadcast_in_dim3A_268] : memref<10000xf32, #tpu.memory_space<vmem>>[vector<16xi32>], vector<16xf32>,
            %mul3A_290 = vector.broadcast %squeeze3A_273 : f32 to vector<16xf32>
            %mul3A_291 = arith.mulf %gather3A_289, %mul3A_290 : vector<16xf32>
            %gather3A_292 = tpu.vector_load_idx %arg14[%broadcast_in_dim3A_271] : memref<10000xf32, #tpu.memory_space<vmem>>[vector<16xi32>], vector<16xf32>,
            %max3A_293 = arith.maximumf %gather3A_292, %mul3A_291 : vector<16xf32>
            tpu.vector_store_idx %arg14[%broadcast_in_dim3A_271], %max3A_293 : memref<10000xf32, #tpu.memory_space<vmem>>[vector<16xi32>], vector<16xf32>,
            %slice3A_294 = vector.extract_strided_slice %get3A_126 {offsets = [6], sizes = [1], strides = [1]} : vector<16xi32> to vector<1xi32>
            %squeeze3A_295 = vector.extract %slice3A_294[0] : i32 from vector<1xi32>
            %broadcast_in_dim3A_296 = vector.broadcast %squeeze3A_295 : i32 to vector<16xi32>
            %slice3A_297 = vector.extract_strided_slice %get3A_128 {offsets = [6], sizes = [1], strides = [1]} : vector<16xi32> to vector<1xi32>
            %squeeze3A_298 = vector.extract %slice3A_297[0] : i32 from vector<1xi32>
            %broadcast_in_dim3A_299 = vector.broadcast %squeeze3A_298 : i32 to vector<16xi32>
            %slice3A_300 = vector.extract_strided_slice %get3A_130 {offsets = [6], sizes = [1], strides = [1]} : vector<16xf32> to vector<1xf32>
            %squeeze3A_301 = vector.extract %slice3A_300[0] : f32 from vector<1xf32>
            %gather3A_302 = tpu.vector_load_idx %arg7[%broadcast_in_dim3A_296] : memref<10000xf32, #tpu.memory_space<vmem>>[vector<16xi32>], vector<16xf32>,
            %mul3A_303 = vector.broadcast %squeeze3A_301 : f32 to vector<16xf32>
            %mul3A_304 = arith.mulf %gather3A_302, %mul3A_303 : vector<16xf32>
            %gather3A_305 = tpu.vector_load_idx %arg11[%broadcast_in_dim3A_299] : memref<10000xf32, #tpu.memory_space<vmem>>[vector<16xi32>], vector<16xf32>,
            %max3A_306 = arith.maximumf %gather3A_305, %mul3A_304 : vector<16xf32>
            tpu.vector_store_idx %arg11[%broadcast_in_dim3A_299], %max3A_306 : memref<10000xf32, #tpu.memory_space<vmem>>[vector<16xi32>], vector<16xf32>,
            %gather3A_307 = tpu.vector_load_idx %arg8[%broadcast_in_dim3A_296] : memref<10000xf32, #tpu.memory_space<vmem>>[vector<16xi32>], vector<16xf32>,
            %mul3A_308 = vector.broadcast %squeeze3A_301 : f32 to vector<16xf32>
            %mul3A_309 = arith.mulf %gather3A_307, %mul3A_308 : vector<16xf32>
            %gather3A_310 = tpu.vector_load_idx %arg12[%broadcast_in_dim3A_299] : memref<10000xf32, #tpu.memory_space<vmem>>[vector<16xi32>], vector<16xf32>,
            %max3A_311 = arith.maximumf %gather3A_310, %mul3A_309 : vector<16xf32>
            tpu.vector_store_idx %arg12[%broadcast_in_dim3A_299], %max3A_311 : memref<10000xf32, #tpu.memory_space<vmem>>[vector<16xi32>], vector<16xf32>,
            %gather3A_312 = tpu.vector_load_idx %arg9[%broadcast_in_dim3A_296] : memref<10000xf32, #tpu.memory_space<vmem>>[vector<16xi32>], vector<16xf32>,
            %mul3A_313 = vector.broadcast %squeeze3A_301 : f32 to vector<16xf32>
            %mul3A_314 = arith.mulf %gather3A_312, %mul3A_313 : vector<16xf32>
            %gather3A_315 = tpu.vector_load_idx %arg13[%broadcast_in_dim3A_299] : memref<10000xf32, #tpu.memory_space<vmem>>[vector<16xi32>], vector<16xf32>,
            %max3A_316 = arith.maximumf %gather3A_315, %mul3A_314 : vector<16xf32>
            tpu.vector_store_idx %arg13[%broadcast_in_dim3A_299], %max3A_316 : memref<10000xf32, #tpu.memory_space<vmem>>[vector<16xi32>], vector<16xf32>,
            %gather3A_317 = tpu.vector_load_idx %arg10[%broadcast_in_dim3A_296] : memref<10000xf32, #tpu.memory_space<vmem>>[vector<16xi32>], vector<16xf32>,
            %mul3A_318 = vector.broadcast %squeeze3A_301 : f32 to vector<16xf32>
            %mul3A_319 = arith.mulf %gather3A_317, %mul3A_318 : vector<16xf32>
            %gather3A_320 = tpu.vector_load_idx %arg14[%broadcast_in_dim3A_299] : memref<10000xf32, #tpu.memory_space<vmem>>[vector<16xi32>], vector<16xf32>,
            %max3A_321 = arith.maximumf %gather3A_320, %mul3A_319 : vector<16xf32>
            tpu.vector_store_idx %arg14[%broadcast_in_dim3A_299], %max3A_321 : memref<10000xf32, #tpu.memory_space<vmem>>[vector<16xi32>], vector<16xf32>,
            %slice3A_322 = vector.extract_strided_slice %get3A_126 {offsets = [7], sizes = [1], strides = [1]} : vector<16xi32> to vector<1xi32>
            %squeeze3A_323 = vector.extract %slice3A_322[0] : i32 from vector<1xi32>
            %broadcast_in_dim3A_324 = vector.broadcast %squeeze3A_323 : i32 to vector<16xi32>
            %slice3A_325 = vector.extract_strided_slice %get3A_128 {offsets = [7], sizes = [1], strides = [1]} : vector<16xi32> to vector<1xi32>
            %squeeze3A_326 = vector.extract %slice3A_325[0] : i32 from vector<1xi32>
            %broadcast_in_dim3A_327 = vector.broadcast %squeeze3A_326 : i32 to vector<16xi32>
            %slice3A_328 = vector.extract_strided_slice %get3A_130 {offsets = [7], sizes = [1], strides = [1]} : vector<16xf32> to vector<1xf32>
            %squeeze3A_329 = vector.extract %slice3A_328[0] : f32 from vector<1xf32>
            %gather3A_330 = tpu.vector_load_idx %arg7[%broadcast_in_dim3A_324] : memref<10000xf32, #tpu.memory_space<vmem>>[vector<16xi32>], vector<16xf32>,
            %mul3A_331 = vector.broadcast %squeeze3A_329 : f32 to vector<16xf32>
            %mul3A_332 = arith.mulf %gather3A_330, %mul3A_331 : vector<16xf32>
            %gather3A_333 = tpu.vector_load_idx %arg11[%broadcast_in_dim3A_327] : memref<10000xf32, #tpu.memory_space<vmem>>[vector<16xi32>], vector<16xf32>,
            %max3A_334 = arith.maximumf %gather3A_333, %mul3A_332 : vector<16xf32>
            tpu.vector_store_idx %arg11[%broadcast_in_dim3A_327], %max3A_334 : memref<10000xf32, #tpu.memory_space<vmem>>[vector<16xi32>], vector<16xf32>,
            %gather3A_335 = tpu.vector_load_idx %arg8[%broadcast_in_dim3A_324] : memref<10000xf32, #tpu.memory_space<vmem>>[vector<16xi32>], vector<16xf32>,
            %mul3A_336 = vector.broadcast %squeeze3A_329 : f32 to vector<16xf32>
            %mul3A_337 = arith.mulf %gather3A_335, %mul3A_336 : vector<16xf32>
            %gather3A_338 = tpu.vector_load_idx %arg12[%broadcast_in_dim3A_327] : memref<10000xf32, #tpu.memory_space<vmem>>[vector<16xi32>], vector<16xf32>,
            %max3A_339 = arith.maximumf %gather3A_338, %mul3A_337 : vector<16xf32>
            tpu.vector_store_idx %arg12[%broadcast_in_dim3A_327], %max3A_339 : memref<10000xf32, #tpu.memory_space<vmem>>[vector<16xi32>], vector<16xf32>,
            %gather3A_340 = tpu.vector_load_idx %arg9[%broadcast_in_dim3A_324] : memref<10000xf32, #tpu.memory_space<vmem>>[vector<16xi32>], vector<16xf32>,
            %mul3A_341 = vector.broadcast %squeeze3A_329 : f32 to vector<16xf32>
            %mul3A_342 = arith.mulf %gather3A_340, %mul3A_341 : vector<16xf32>
            %gather3A_343 = tpu.vector_load_idx %arg13[%broadcast_in_dim3A_327] : memref<10000xf32, #tpu.memory_space<vmem>>[vector<16xi32>], vector<16xf32>,
            %max3A_344 = arith.maximumf %gather3A_343, %mul3A_342 : vector<16xf32>
            tpu.vector_store_idx %arg13[%broadcast_in_dim3A_327], %max3A_344 : memref<10000xf32, #tpu.memory_space<vmem>>[vector<16xi32>], vector<16xf32>,
            %gather3A_345 = tpu.vector_load_idx %arg10[%broadcast_in_dim3A_324] : memref<10000xf32, #tpu.memory_space<vmem>>[vector<16xi32>], vector<16xf32>,
            %mul3A_346 = vector.broadcast %squeeze3A_329 : f32 to vector<16xf32>
            %mul3A_347 = arith.mulf %gather3A_345, %mul3A_346 : vector<16xf32>
            %gather3A_348 = tpu.vector_load_idx %arg14[%broadcast_in_dim3A_327] : memref<10000xf32, #tpu.memory_space<vmem>>[vector<16xi32>], vector<16xf32>,
            %max3A_349 = arith.maximumf %gather3A_348, %mul3A_347 : vector<16xf32>
            tpu.vector_store_idx %arg14[%broadcast_in_dim3A_327], %max3A_349 : memref<10000xf32, #tpu.memory_space<vmem>>[vector<16xi32>], vector<16xf32>,
            %slice3A_350 = vector.extract_strided_slice %get3A_126 {offsets = [8], sizes = [1], strides = [1]} : vector<16xi32> to vector<1xi32>
            %squeeze3A_351 = vector.extract %slice3A_350[0] : i32 from vector<1xi32>
            %broadcast_in_dim3A_352 = vector.broadcast %squeeze3A_351 : i32 to vector<16xi32>
            %slice3A_353 = vector.extract_strided_slice %get3A_128 {offsets = [8], sizes = [1], strides = [1]} : vector<16xi32> to vector<1xi32>
            %squeeze3A_354 = vector.extract %slice3A_353[0] : i32 from vector<1xi32>
            %broadcast_in_dim3A_355 = vector.broadcast %squeeze3A_354 : i32 to vector<16xi32>
            %slice3A_356 = vector.extract_strided_slice %get3A_130 {offsets = [8], sizes = [1], strides = [1]} : vector<16xf32> to vector<1xf32>
            %squeeze3A_357 = vector.extract %slice3A_356[0] : f32 from vector<1xf32>
            %gather3A_358 = tpu.vector_load_idx %arg7[%broadcast_in_dim3A_352] : memref<10000xf32, #tpu.memory_space<vmem>>[vector<16xi32>], vector<16xf32>,
            %mul3A_359 = vector.broadcast %squeeze3A_357 : f32 to vector<16xf32>
            %mul3A_360 = arith.mulf %gather3A_358, %mul3A_359 : vector<16xf32>
            %gather3A_361 = tpu.vector_load_idx %arg11[%broadcast_in_dim3A_355] : memref<10000xf32, #tpu.memory_space<vmem>>[vector<16xi32>], vector<16xf32>,
            %max3A_362 = arith.maximumf %gather3A_361, %mul3A_360 : vector<16xf32>
            tpu.vector_store_idx %arg11[%broadcast_in_dim3A_355], %max3A_362 : memref<10000xf32, #tpu.memory_space<vmem>>[vector<16xi32>], vector<16xf32>,
            %gather3A_363 = tpu.vector_load_idx %arg8[%broadcast_in_dim3A_352] : memref<10000xf32, #tpu.memory_space<vmem>>[vector<16xi32>], vector<16xf32>,
            %mul3A_364 = vector.broadcast %squeeze3A_357 : f32 to vector<16xf32>
            %mul3A_365 = arith.mulf %gather3A_363, %mul3A_364 : vector<16xf32>
            %gather3A_366 = tpu.vector_load_idx %arg12[%broadcast_in_dim3A_355] : memref<10000xf32, #tpu.memory_space<vmem>>[vector<16xi32>], vector<16xf32>,
            %max3A_367 = arith.maximumf %gather3A_366, %mul3A_365 : vector<16xf32>
            tpu.vector_store_idx %arg12[%broadcast_in_dim3A_355], %max3A_367 : memref<10000xf32, #tpu.memory_space<vmem>>[vector<16xi32>], vector<16xf32>,
            %gather3A_368 = tpu.vector_load_idx %arg9[%broadcast_in_dim3A_352] : memref<10000xf32, #tpu.memory_space<vmem>>[vector<16xi32>], vector<16xf32>,
            %mul3A_369 = vector.broadcast %squeeze3A_357 : f32 to vector<16xf32>
            %mul3A_370 = arith.mulf %gather3A_368, %mul3A_369 : vector<16xf32>
            %gather3A_371 = tpu.vector_load_idx %arg13[%broadcast_in_dim3A_355] : memref<10000xf32, #tpu.memory_space<vmem>>[vector<16xi32>], vector<16xf32>,
            %max3A_372 = arith.maximumf %gather3A_371, %mul3A_370 : vector<16xf32>
            tpu.vector_store_idx %arg13[%broadcast_in_dim3A_355], %max3A_372 : memref<10000xf32, #tpu.memory_space<vmem>>[vector<16xi32>], vector<16xf32>,
            %gather3A_373 = tpu.vector_load_idx %arg10[%broadcast_in_dim3A_352] : memref<10000xf32, #tpu.memory_space<vmem>>[vector<16xi32>], vector<16xf32>,
            %mul3A_374 = vector.broadcast %squeeze3A_357 : f32 to vector<16xf32>
            %mul3A_375 = arith.mulf %gather3A_373, %mul3A_374 : vector<16xf32>
            %gather3A_376 = tpu.vector_load_idx %arg14[%broadcast_in_dim3A_355] : memref<10000xf32, #tpu.memory_space<vmem>>[vector<16xi32>], vector<16xf32>,
            %max3A_377 = arith.maximumf %gather3A_376, %mul3A_375 : vector<16xf32>
            tpu.vector_store_idx %arg14[%broadcast_in_dim3A_355], %max3A_377 : memref<10000xf32, #tpu.memory_space<vmem>>[vector<16xi32>], vector<16xf32>,
            %slice3A_378 = vector.extract_strided_slice %get3A_126 {offsets = [9], sizes = [1], strides = [1]} : vector<16xi32> to vector<1xi32>
            %squeeze3A_379 = vector.extract %slice3A_378[0] : i32 from vector<1xi32>
            %broadcast_in_dim3A_380 = vector.broadcast %squeeze3A_379 : i32 to vector<16xi32>
            %slice3A_381 = vector.extract_strided_slice %get3A_128 {offsets = [9], sizes = [1], strides = [1]} : vector<16xi32> to vector<1xi32>
            %squeeze3A_382 = vector.extract %slice3A_381[0] : i32 from vector<1xi32>
            %broadcast_in_dim3A_383 = vector.broadcast %squeeze3A_382 : i32 to vector<16xi32>
            %slice3A_384 = vector.extract_strided_slice %get3A_130 {offsets = [9], sizes = [1], strides = [1]} : vector<16xf32> to vector<1xf32>
            %squeeze3A_385 = vector.extract %slice3A_384[0] : f32 from vector<1xf32>
            %gather3A_386 = tpu.vector_load_idx %arg7[%broadcast_in_dim3A_380] : memref<10000xf32, #tpu.memory_space<vmem>>[vector<16xi32>], vector<16xf32>,
            %mul3A_387 = vector.broadcast %squeeze3A_385 : f32 to vector<16xf32>
            %mul3A_388 = arith.mulf %gather3A_386, %mul3A_387 : vector<16xf32>
            %gather3A_389 = tpu.vector_load_idx %arg11[%broadcast_in_dim3A_383] : memref<10000xf32, #tpu.memory_space<vmem>>[vector<16xi32>], vector<16xf32>,
            %max3A_390 = arith.maximumf %gather3A_389, %mul3A_388 : vector<16xf32>
            tpu.vector_store_idx %arg11[%broadcast_in_dim3A_383], %max3A_390 : memref<10000xf32, #tpu.memory_space<vmem>>[vector<16xi32>], vector<16xf32>,
            %gather3A_391 = tpu.vector_load_idx %arg8[%broadcast_in_dim3A_380] : memref<10000xf32, #tpu.memory_space<vmem>>[vector<16xi32>], vector<16xf32>,
            %mul3A_392 = vector.broadcast %squeeze3A_385 : f32 to vector<16xf32>
            %mul3A_393 = arith.mulf %gather3A_391, %mul3A_392 : vector<16xf32>
            %gather3A_394 = tpu.vector_load_idx %arg12[%broadcast_in_dim3A_383] : memref<10000xf32, #tpu.memory_space<vmem>>[vector<16xi32>], vector<16xf32>,
            %max3A_395 = arith.maximumf %gather3A_394, %mul3A_393 : vector<16xf32>
            tpu.vector_store_idx %arg12[%broadcast_in_dim3A_383], %max3A_395 : memref<10000xf32, #tpu.memory_space<vmem>>[vector<16xi32>], vector<16xf32>,
            %gather3A_396 = tpu.vector_load_idx %arg9[%broadcast_in_dim3A_380] : memref<10000xf32, #tpu.memory_space<vmem>>[vector<16xi32>], vector<16xf32>,
            %mul3A_397 = vector.broadcast %squeeze3A_385 : f32 to vector<16xf32>
            %mul3A_398 = arith.mulf %gather3A_396, %mul3A_397 : vector<16xf32>
            %gather3A_399 = tpu.vector_load_idx %arg13[%broadcast_in_dim3A_383] : memref<10000xf32, #tpu.memory_space<vmem>>[vector<16xi32>], vector<16xf32>,
            %max3A_400 = arith.maximumf %gather3A_399, %mul3A_398 : vector<16xf32>
            tpu.vector_store_idx %arg13[%broadcast_in_dim3A_383], %max3A_400 : memref<10000xf32, #tpu.memory_space<vmem>>[vector<16xi32>], vector<16xf32>,
            %gather3A_401 = tpu.vector_load_idx %arg10[%broadcast_in_dim3A_380] : memref<10000xf32, #tpu.memory_space<vmem>>[vector<16xi32>], vector<16xf32>,
            %mul3A_402 = vector.broadcast %squeeze3A_385 : f32 to vector<16xf32>
            %mul3A_403 = arith.mulf %gather3A_401, %mul3A_402 : vector<16xf32>
            %gather3A_404 = tpu.vector_load_idx %arg14[%broadcast_in_dim3A_383] : memref<10000xf32, #tpu.memory_space<vmem>>[vector<16xi32>], vector<16xf32>,
            %max3A_405 = arith.maximumf %gather3A_404, %mul3A_403 : vector<16xf32>
            tpu.vector_store_idx %arg14[%broadcast_in_dim3A_383], %max3A_405 : memref<10000xf32, #tpu.memory_space<vmem>>[vector<16xi32>], vector<16xf32>,
            %slice3A_406 = vector.extract_strided_slice %get3A_126 {offsets = [10], sizes = [1], strides = [1]} : vector<16xi32> to vector<1xi32>
            %squeeze3A_407 = vector.extract %slice3A_406[0] : i32 from vector<1xi32>
            %broadcast_in_dim3A_408 = vector.broadcast %squeeze3A_407 : i32 to vector<16xi32>
            %slice3A_409 = vector.extract_strided_slice %get3A_128 {offsets = [10], sizes = [1], strides = [1]} : vector<16xi32> to vector<1xi32>
            %squeeze3A_410 = vector.extract %slice3A_409[0] : i32 from vector<1xi32>
            %broadcast_in_dim3A_411 = vector.broadcast %squeeze3A_410 : i32 to vector<16xi32>
            %slice3A_412 = vector.extract_strided_slice %get3A_130 {offsets = [10], sizes = [1], strides = [1]} : vector<16xf32> to vector<1xf32>
            %squeeze3A_413 = vector.extract %slice3A_412[0] : f32 from vector<1xf32>
            %gather3A_414 = tpu.vector_load_idx %arg7[%broadcast_in_dim3A_408] : memref<10000xf32, #tpu.memory_space<vmem>>[vector<16xi32>], vector<16xf32>,
            %mul3A_415 = vector.broadcast %squeeze3A_413 : f32 to vector<16xf32>
            %mul3A_416 = arith.mulf %gather3A_414, %mul3A_415 : vector<16xf32>
            %gather3A_417 = tpu.vector_load_idx %arg11[%broadcast_in_dim3A_411] : memref<10000xf32, #tpu.memory_space<vmem>>[vector<16xi32>], vector<16xf32>,
            %max3A_418 = arith.maximumf %gather3A_417, %mul3A_416 : vector<16xf32>
            tpu.vector_store_idx %arg11[%broadcast_in_dim3A_411], %max3A_418 : memref<10000xf32, #tpu.memory_space<vmem>>[vector<16xi32>], vector<16xf32>,
            %gather3A_419 = tpu.vector_load_idx %arg8[%broadcast_in_dim3A_408] : memref<10000xf32, #tpu.memory_space<vmem>>[vector<16xi32>], vector<16xf32>,
            %mul3A_420 = vector.broadcast %squeeze3A_413 : f32 to vector<16xf32>
            %mul3A_421 = arith.mulf %gather3A_419, %mul3A_420 : vector<16xf32>
            %gather3A_422 = tpu.vector_load_idx %arg12[%broadcast_in_dim3A_411] : memref<10000xf32, #tpu.memory_space<vmem>>[vector<16xi32>], vector<16xf32>,
            %max3A_423 = arith.maximumf %gather3A_422, %mul3A_421 : vector<16xf32>
            tpu.vector_store_idx %arg12[%broadcast_in_dim3A_411], %max3A_423 : memref<10000xf32, #tpu.memory_space<vmem>>[vector<16xi32>], vector<16xf32>,
            %gather3A_424 = tpu.vector_load_idx %arg9[%broadcast_in_dim3A_408] : memref<10000xf32, #tpu.memory_space<vmem>>[vector<16xi32>], vector<16xf32>,
            %mul3A_425 = vector.broadcast %squeeze3A_413 : f32 to vector<16xf32>
            %mul3A_426 = arith.mulf %gather3A_424, %mul3A_425 : vector<16xf32>
            %gather3A_427 = tpu.vector_load_idx %arg13[%broadcast_in_dim3A_411] : memref<10000xf32, #tpu.memory_space<vmem>>[vector<16xi32>], vector<16xf32>,
            %max3A_428 = arith.maximumf %gather3A_427, %mul3A_426 : vector<16xf32>
            tpu.vector_store_idx %arg13[%broadcast_in_dim3A_411], %max3A_428 : memref<10000xf32, #tpu.memory_space<vmem>>[vector<16xi32>], vector<16xf32>,
            %gather3A_429 = tpu.vector_load_idx %arg10[%broadcast_in_dim3A_408] : memref<10000xf32, #tpu.memory_space<vmem>>[vector<16xi32>], vector<16xf32>,
            %mul3A_430 = vector.broadcast %squeeze3A_413 : f32 to vector<16xf32>
            %mul3A_431 = arith.mulf %gather3A_429, %mul3A_430 : vector<16xf32>
            %gather3A_432 = tpu.vector_load_idx %arg14[%broadcast_in_dim3A_411] : memref<10000xf32, #tpu.memory_space<vmem>>[vector<16xi32>], vector<16xf32>,
            %max3A_433 = arith.maximumf %gather3A_432, %mul3A_431 : vector<16xf32>
            tpu.vector_store_idx %arg14[%broadcast_in_dim3A_411], %max3A_433 : memref<10000xf32, #tpu.memory_space<vmem>>[vector<16xi32>], vector<16xf32>,
            %slice3A_434 = vector.extract_strided_slice %get3A_126 {offsets = [11], sizes = [1], strides = [1]} : vector<16xi32> to vector<1xi32>
            %squeeze3A_435 = vector.extract %slice3A_434[0] : i32 from vector<1xi32>
            %broadcast_in_dim3A_436 = vector.broadcast %squeeze3A_435 : i32 to vector<16xi32>
            %slice3A_437 = vector.extract_strided_slice %get3A_128 {offsets = [11], sizes = [1], strides = [1]} : vector<16xi32> to vector<1xi32>
            %squeeze3A_438 = vector.extract %slice3A_437[0] : i32 from vector<1xi32>
            %broadcast_in_dim3A_439 = vector.broadcast %squeeze3A_438 : i32 to vector<16xi32>
            %slice3A_440 = vector.extract_strided_slice %get3A_130 {offsets = [11], sizes = [1], strides = [1]} : vector<16xf32> to vector<1xf32>
            %squeeze3A_441 = vector.extract %slice3A_440[0] : f32 from vector<1xf32>
            %gather3A_442 = tpu.vector_load_idx %arg7[%broadcast_in_dim3A_436] : memref<10000xf32, #tpu.memory_space<vmem>>[vector<16xi32>], vector<16xf32>,
            %mul3A_443 = vector.broadcast %squeeze3A_441 : f32 to vector<16xf32>
            %mul3A_444 = arith.mulf %gather3A_442, %mul3A_443 : vector<16xf32>
            %gather3A_445 = tpu.vector_load_idx %arg11[%broadcast_in_dim3A_439] : memref<10000xf32, #tpu.memory_space<vmem>>[vector<16xi32>], vector<16xf32>,
            %max3A_446 = arith.maximumf %gather3A_445, %mul3A_444 : vector<16xf32>
            tpu.vector_store_idx %arg11[%broadcast_in_dim3A_439], %max3A_446 : memref<10000xf32, #tpu.memory_space<vmem>>[vector<16xi32>], vector<16xf32>,
            %gather3A_447 = tpu.vector_load_idx %arg8[%broadcast_in_dim3A_436] : memref<10000xf32, #tpu.memory_space<vmem>>[vector<16xi32>], vector<16xf32>,
            %mul3A_448 = vector.broadcast %squeeze3A_441 : f32 to vector<16xf32>
            %mul3A_449 = arith.mulf %gather3A_447, %mul3A_448 : vector<16xf32>
            %gather3A_450 = tpu.vector_load_idx %arg12[%broadcast_in_dim3A_439] : memref<10000xf32, #tpu.memory_space<vmem>>[vector<16xi32>], vector<16xf32>,
            %max3A_451 = arith.maximumf %gather3A_450, %mul3A_449 : vector<16xf32>
            tpu.vector_store_idx %arg12[%broadcast_in_dim3A_439], %max3A_451 : memref<10000xf32, #tpu.memory_space<vmem>>[vector<16xi32>], vector<16xf32>,
            %gather3A_452 = tpu.vector_load_idx %arg9[%broadcast_in_dim3A_436] : memref<10000xf32, #tpu.memory_space<vmem>>[vector<16xi32>], vector<16xf32>,
            %mul3A_453 = vector.broadcast %squeeze3A_441 : f32 to vector<16xf32>
            %mul3A_454 = arith.mulf %gather3A_452, %mul3A_453 : vector<16xf32>
            %gather3A_455 = tpu.vector_load_idx %arg13[%broadcast_in_dim3A_439] : memref<10000xf32, #tpu.memory_space<vmem>>[vector<16xi32>], vector<16xf32>,
            %max3A_456 = arith.maximumf %gather3A_455, %mul3A_454 : vector<16xf32>
            tpu.vector_store_idx %arg13[%broadcast_in_dim3A_439], %max3A_456 : memref<10000xf32, #tpu.memory_space<vmem>>[vector<16xi32>], vector<16xf32>,
            %gather3A_457 = tpu.vector_load_idx %arg10[%broadcast_in_dim3A_436] : memref<10000xf32, #tpu.memory_space<vmem>>[vector<16xi32>], vector<16xf32>,
            %mul3A_458 = vector.broadcast %squeeze3A_441 : f32 to vector<16xf32>
            %mul3A_459 = arith.mulf %gather3A_457, %mul3A_458 : vector<16xf32>
            %gather3A_460 = tpu.vector_load_idx %arg14[%broadcast_in_dim3A_439] : memref<10000xf32, #tpu.memory_space<vmem>>[vector<16xi32>], vector<16xf32>,
            %max3A_461 = arith.maximumf %gather3A_460, %mul3A_459 : vector<16xf32>
            tpu.vector_store_idx %arg14[%broadcast_in_dim3A_439], %max3A_461 : memref<10000xf32, #tpu.memory_space<vmem>>[vector<16xi32>], vector<16xf32>,
            %slice3A_462 = vector.extract_strided_slice %get3A_126 {offsets = [12], sizes = [1], strides = [1]} : vector<16xi32> to vector<1xi32>
            %squeeze3A_463 = vector.extract %slice3A_462[0] : i32 from vector<1xi32>
            %broadcast_in_dim3A_464 = vector.broadcast %squeeze3A_463 : i32 to vector<16xi32>
            %slice3A_465 = vector.extract_strided_slice %get3A_128 {offsets = [12], sizes = [1], strides = [1]} : vector<16xi32> to vector<1xi32>
            %squeeze3A_466 = vector.extract %slice3A_465[0] : i32 from vector<1xi32>
            %broadcast_in_dim3A_467 = vector.broadcast %squeeze3A_466 : i32 to vector<16xi32>
            %slice3A_468 = vector.extract_strided_slice %get3A_130 {offsets = [12], sizes = [1], strides = [1]} : vector<16xf32> to vector<1xf32>
            %squeeze3A_469 = vector.extract %slice3A_468[0] : f32 from vector<1xf32>
            %gather3A_470 = tpu.vector_load_idx %arg7[%broadcast_in_dim3A_464] : memref<10000xf32, #tpu.memory_space<vmem>>[vector<16xi32>], vector<16xf32>,
            %mul3A_471 = vector.broadcast %squeeze3A_469 : f32 to vector<16xf32>
            %mul3A_472 = arith.mulf %gather3A_470, %mul3A_471 : vector<16xf32>
            %gather3A_473 = tpu.vector_load_idx %arg11[%broadcast_in_dim3A_467] : memref<10000xf32, #tpu.memory_space<vmem>>[vector<16xi32>], vector<16xf32>,
            %max3A_474 = arith.maximumf %gather3A_473, %mul3A_472 : vector<16xf32>
            tpu.vector_store_idx %arg11[%broadcast_in_dim3A_467], %max3A_474 : memref<10000xf32, #tpu.memory_space<vmem>>[vector<16xi32>], vector<16xf32>,
            %gather3A_475 = tpu.vector_load_idx %arg8[%broadcast_in_dim3A_464] : memref<10000xf32, #tpu.memory_space<vmem>>[vector<16xi32>], vector<16xf32>,
            %mul3A_476 = vector.broadcast %squeeze3A_469 : f32 to vector<16xf32>
            %mul3A_477 = arith.mulf %gather3A_475, %mul3A_476 : vector<16xf32>
            %gather3A_478 = tpu.vector_load_idx %arg12[%broadcast_in_dim3A_467] : memref<10000xf32, #tpu.memory_space<vmem>>[vector<16xi32>], vector<16xf32>,
            %max3A_479 = arith.maximumf %gather3A_478, %mul3A_477 : vector<16xf32>
            tpu.vector_store_idx %arg12[%broadcast_in_dim3A_467], %max3A_479 : memref<10000xf32, #tpu.memory_space<vmem>>[vector<16xi32>], vector<16xf32>,
            %gather3A_480 = tpu.vector_load_idx %arg9[%broadcast_in_dim3A_464] : memref<10000xf32, #tpu.memory_space<vmem>>[vector<16xi32>], vector<16xf32>,
            %mul3A_481 = vector.broadcast %squeeze3A_469 : f32 to vector<16xf32>
            %mul3A_482 = arith.mulf %gather3A_480, %mul3A_481 : vector<16xf32>
            %gather3A_483 = tpu.vector_load_idx %arg13[%broadcast_in_dim3A_467] : memref<10000xf32, #tpu.memory_space<vmem>>[vector<16xi32>], vector<16xf32>,
            %max3A_484 = arith.maximumf %gather3A_483, %mul3A_482 : vector<16xf32>
            tpu.vector_store_idx %arg13[%broadcast_in_dim3A_467], %max3A_484 : memref<10000xf32, #tpu.memory_space<vmem>>[vector<16xi32>], vector<16xf32>,
            %gather3A_485 = tpu.vector_load_idx %arg10[%broadcast_in_dim3A_464] : memref<10000xf32, #tpu.memory_space<vmem>>[vector<16xi32>], vector<16xf32>,
            %mul3A_486 = vector.broadcast %squeeze3A_469 : f32 to vector<16xf32>
            %mul3A_487 = arith.mulf %gather3A_485, %mul3A_486 : vector<16xf32>
            %gather3A_488 = tpu.vector_load_idx %arg14[%broadcast_in_dim3A_467] : memref<10000xf32, #tpu.memory_space<vmem>>[vector<16xi32>], vector<16xf32>,
            %max3A_489 = arith.maximumf %gather3A_488, %mul3A_487 : vector<16xf32>
            tpu.vector_store_idx %arg14[%broadcast_in_dim3A_467], %max3A_489 : memref<10000xf32, #tpu.memory_space<vmem>>[vector<16xi32>], vector<16xf32>,
            %slice3A_490 = vector.extract_strided_slice %get3A_126 {offsets = [13], sizes = [1], strides = [1]} : vector<16xi32> to vector<1xi32>
            %squeeze3A_491 = vector.extract %slice3A_490[0] : i32 from vector<1xi32>
            %broadcast_in_dim3A_492 = vector.broadcast %squeeze3A_491 : i32 to vector<16xi32>
            %slice3A_493 = vector.extract_strided_slice %get3A_128 {offsets = [13], sizes = [1], strides = [1]} : vector<16xi32> to vector<1xi32>
            %squeeze3A_494 = vector.extract %slice3A_493[0] : i32 from vector<1xi32>
            %broadcast_in_dim3A_495 = vector.broadcast %squeeze3A_494 : i32 to vector<16xi32>
            %slice3A_496 = vector.extract_strided_slice %get3A_130 {offsets = [13], sizes = [1], strides = [1]} : vector<16xf32> to vector<1xf32>
            %squeeze3A_497 = vector.extract %slice3A_496[0] : f32 from vector<1xf32>
            %gather3A_498 = tpu.vector_load_idx %arg7[%broadcast_in_dim3A_492] : memref<10000xf32, #tpu.memory_space<vmem>>[vector<16xi32>], vector<16xf32>,
            %mul3A_499 = vector.broadcast %squeeze3A_497 : f32 to vector<16xf32>
            %mul3A_500 = arith.mulf %gather3A_498, %mul3A_499 : vector<16xf32>
            %gather3A_501 = tpu.vector_load_idx %arg11[%broadcast_in_dim3A_495] : memref<10000xf32, #tpu.memory_space<vmem>>[vector<16xi32>], vector<16xf32>,
            %max3A_502 = arith.maximumf %gather3A_501, %mul3A_500 : vector<16xf32>
            tpu.vector_store_idx %arg11[%broadcast_in_dim3A_495], %max3A_502 : memref<10000xf32, #tpu.memory_space<vmem>>[vector<16xi32>], vector<16xf32>,
            %gather3A_503 = tpu.vector_load_idx %arg8[%broadcast_in_dim3A_492] : memref<10000xf32, #tpu.memory_space<vmem>>[vector<16xi32>], vector<16xf32>,
            %mul3A_504 = vector.broadcast %squeeze3A_497 : f32 to vector<16xf32>
            %mul3A_505 = arith.mulf %gather3A_503, %mul3A_504 : vector<16xf32>
            %gather3A_506 = tpu.vector_load_idx %arg12[%broadcast_in_dim3A_495] : memref<10000xf32, #tpu.memory_space<vmem>>[vector<16xi32>], vector<16xf32>,
            %max3A_507 = arith.maximumf %gather3A_506, %mul3A_505 : vector<16xf32>
            tpu.vector_store_idx %arg12[%broadcast_in_dim3A_495], %max3A_507 : memref<10000xf32, #tpu.memory_space<vmem>>[vector<16xi32>], vector<16xf32>,
            %gather3A_508 = tpu.vector_load_idx %arg9[%broadcast_in_dim3A_492] : memref<10000xf32, #tpu.memory_space<vmem>>[vector<16xi32>], vector<16xf32>,
            %mul3A_509 = vector.broadcast %squeeze3A_497 : f32 to vector<16xf32>
            %mul3A_510 = arith.mulf %gather3A_508, %mul3A_509 : vector<16xf32>
            %gather3A_511 = tpu.vector_load_idx %arg13[%broadcast_in_dim3A_495] : memref<10000xf32, #tpu.memory_space<vmem>>[vector<16xi32>], vector<16xf32>,
            %max3A_512 = arith.maximumf %gather3A_511, %mul3A_510 : vector<16xf32>
            tpu.vector_store_idx %arg13[%broadcast_in_dim3A_495], %max3A_512 : memref<10000xf32, #tpu.memory_space<vmem>>[vector<16xi32>], vector<16xf32>,
            %gather3A_513 = tpu.vector_load_idx %arg10[%broadcast_in_dim3A_492] : memref<10000xf32, #tpu.memory_space<vmem>>[vector<16xi32>], vector<16xf32>,
            %mul3A_514 = vector.broadcast %squeeze3A_497 : f32 to vector<16xf32>
            %mul3A_515 = arith.mulf %gather3A_513, %mul3A_514 : vector<16xf32>
            %gather3A_516 = tpu.vector_load_idx %arg14[%broadcast_in_dim3A_495] : memref<10000xf32, #tpu.memory_space<vmem>>[vector<16xi32>], vector<16xf32>,
            %max3A_517 = arith.maximumf %gather3A_516, %mul3A_515 : vector<16xf32>
            tpu.vector_store_idx %arg14[%broadcast_in_dim3A_495], %max3A_517 : memref<10000xf32, #tpu.memory_space<vmem>>[vector<16xi32>], vector<16xf32>,
            %slice3A_518 = vector.extract_strided_slice %get3A_126 {offsets = [14], sizes = [1], strides = [1]} : vector<16xi32> to vector<1xi32>
            %squeeze3A_519 = vector.extract %slice3A_518[0] : i32 from vector<1xi32>
            %broadcast_in_dim3A_520 = vector.broadcast %squeeze3A_519 : i32 to vector<16xi32>
            %slice3A_521 = vector.extract_strided_slice %get3A_128 {offsets = [14], sizes = [1], strides = [1]} : vector<16xi32> to vector<1xi32>
            %squeeze3A_522 = vector.extract %slice3A_521[0] : i32 from vector<1xi32>
            %broadcast_in_dim3A_523 = vector.broadcast %squeeze3A_522 : i32 to vector<16xi32>
            %slice3A_524 = vector.extract_strided_slice %get3A_130 {offsets = [14], sizes = [1], strides = [1]} : vector<16xf32> to vector<1xf32>
            %squeeze3A_525 = vector.extract %slice3A_524[0] : f32 from vector<1xf32>
            %gather3A_526 = tpu.vector_load_idx %arg7[%broadcast_in_dim3A_520] : memref<10000xf32, #tpu.memory_space<vmem>>[vector<16xi32>], vector<16xf32>,
            %mul3A_527 = vector.broadcast %squeeze3A_525 : f32 to vector<16xf32>
            %mul3A_528 = arith.mulf %gather3A_526, %mul3A_527 : vector<16xf32>
            %gather3A_529 = tpu.vector_load_idx %arg11[%broadcast_in_dim3A_523] : memref<10000xf32, #tpu.memory_space<vmem>>[vector<16xi32>], vector<16xf32>,
            %max3A_530 = arith.maximumf %gather3A_529, %mul3A_528 : vector<16xf32>
            tpu.vector_store_idx %arg11[%broadcast_in_dim3A_523], %max3A_530 : memref<10000xf32, #tpu.memory_space<vmem>>[vector<16xi32>], vector<16xf32>,
            %gather3A_531 = tpu.vector_load_idx %arg8[%broadcast_in_dim3A_520] : memref<10000xf32, #tpu.memory_space<vmem>>[vector<16xi32>], vector<16xf32>,
            %mul3A_532 = vector.broadcast %squeeze3A_525 : f32 to vector<16xf32>
            %mul3A_533 = arith.mulf %gather3A_531, %mul3A_532 : vector<16xf32>
            %gather3A_534 = tpu.vector_load_idx %arg12[%broadcast_in_dim3A_523] : memref<10000xf32, #tpu.memory_space<vmem>>[vector<16xi32>], vector<16xf32>,
            %max3A_535 = arith.maximumf %gather3A_534, %mul3A_533 : vector<16xf32>
            tpu.vector_store_idx %arg12[%broadcast_in_dim3A_523], %max3A_535 : memref<10000xf32, #tpu.memory_space<vmem>>[vector<16xi32>], vector<16xf32>,
            %gather3A_536 = tpu.vector_load_idx %arg9[%broadcast_in_dim3A_520] : memref<10000xf32, #tpu.memory_space<vmem>>[vector<16xi32>], vector<16xf32>,
            %mul3A_537 = vector.broadcast %squeeze3A_525 : f32 to vector<16xf32>
            %mul3A_538 = arith.mulf %gather3A_536, %mul3A_537 : vector<16xf32>
            %gather3A_539 = tpu.vector_load_idx %arg13[%broadcast_in_dim3A_523] : memref<10000xf32, #tpu.memory_space<vmem>>[vector<16xi32>], vector<16xf32>,
            %max3A_540 = arith.maximumf %gather3A_539, %mul3A_538 : vector<16xf32>
            tpu.vector_store_idx %arg13[%broadcast_in_dim3A_523], %max3A_540 : memref<10000xf32, #tpu.memory_space<vmem>>[vector<16xi32>], vector<16xf32>,
            %gather3A_541 = tpu.vector_load_idx %arg10[%broadcast_in_dim3A_520] : memref<10000xf32, #tpu.memory_space<vmem>>[vector<16xi32>], vector<16xf32>,
            %mul3A_542 = vector.broadcast %squeeze3A_525 : f32 to vector<16xf32>
            %mul3A_543 = arith.mulf %gather3A_541, %mul3A_542 : vector<16xf32>
            %gather3A_544 = tpu.vector_load_idx %arg14[%broadcast_in_dim3A_523] : memref<10000xf32, #tpu.memory_space<vmem>>[vector<16xi32>], vector<16xf32>,
            %max3A_545 = arith.maximumf %gather3A_544, %mul3A_543 : vector<16xf32>
            tpu.vector_store_idx %arg14[%broadcast_in_dim3A_523], %max3A_545 : memref<10000xf32, #tpu.memory_space<vmem>>[vector<16xi32>], vector<16xf32>,
            %slice3A_546 = vector.extract_strided_slice %get3A_126 {offsets = [15], sizes = [1], strides = [1]} : vector<16xi32> to vector<1xi32>
            %squeeze3A_547 = vector.extract %slice3A_546[0] : i32 from vector<1xi32>
            %broadcast_in_dim3A_548 = vector.broadcast %squeeze3A_547 : i32 to vector<16xi32>
            %slice3A_549 = vector.extract_strided_slice %get3A_128 {offsets = [15], sizes = [1], strides = [1]} : vector<16xi32> to vector<1xi32>
            %squeeze3A_550 = vector.extract %slice3A_549[0] : i32 from vector<1xi32>
            %broadcast_in_dim3A_551 = vector.broadcast %squeeze3A_550 : i32 to vector<16xi32>
            %slice3A_552 = vector.extract_strided_slice %get3A_130 {offsets = [15], sizes = [1], strides = [1]} : vector<16xf32> to vector<1xf32>
            %squeeze3A_553 = vector.extract %slice3A_552[0] : f32 from vector<1xf32>
            %gather3A_554 = tpu.vector_load_idx %arg7[%broadcast_in_dim3A_548] : memref<10000xf32, #tpu.memory_space<vmem>>[vector<16xi32>], vector<16xf32>,
            %mul3A_555 = vector.broadcast %squeeze3A_553 : f32 to vector<16xf32>
            %mul3A_556 = arith.mulf %gather3A_554, %mul3A_555 : vector<16xf32>
            %gather3A_557 = tpu.vector_load_idx %arg11[%broadcast_in_dim3A_551] : memref<10000xf32, #tpu.memory_space<vmem>>[vector<16xi32>], vector<16xf32>,
            %max3A_558 = arith.maximumf %gather3A_557, %mul3A_556 : vector<16xf32>
            tpu.vector_store_idx %arg11[%broadcast_in_dim3A_551], %max3A_558 : memref<10000xf32, #tpu.memory_space<vmem>>[vector<16xi32>], vector<16xf32>,
            %gather3A_559 = tpu.vector_load_idx %arg8[%broadcast_in_dim3A_548] : memref<10000xf32, #tpu.memory_space<vmem>>[vector<16xi32>], vector<16xf32>,
            %mul3A_560 = vector.broadcast %squeeze3A_553 : f32 to vector<16xf32>
            %mul3A_561 = arith.mulf %gather3A_559, %mul3A_560 : vector<16xf32>
            %gather3A_562 = tpu.vector_load_idx %arg12[%broadcast_in_dim3A_551] : memref<10000xf32, #tpu.memory_space<vmem>>[vector<16xi32>], vector<16xf32>,
            %max3A_563 = arith.maximumf %gather3A_562, %mul3A_561 : vector<16xf32>
            tpu.vector_store_idx %arg12[%broadcast_in_dim3A_551], %max3A_563 : memref<10000xf32, #tpu.memory_space<vmem>>[vector<16xi32>], vector<16xf32>,
            %gather3A_564 = tpu.vector_load_idx %arg9[%broadcast_in_dim3A_548] : memref<10000xf32, #tpu.memory_space<vmem>>[vector<16xi32>], vector<16xf32>,
            %mul3A_565 = vector.broadcast %squeeze3A_553 : f32 to vector<16xf32>
            %mul3A_566 = arith.mulf %gather3A_564, %mul3A_565 : vector<16xf32>
            %gather3A_567 = tpu.vector_load_idx %arg13[%broadcast_in_dim3A_551] : memref<10000xf32, #tpu.memory_space<vmem>>[vector<16xi32>], vector<16xf32>,
            %max3A_568 = arith.maximumf %gather3A_567, %mul3A_566 : vector<16xf32>
            tpu.vector_store_idx %arg13[%broadcast_in_dim3A_551], %max3A_568 : memref<10000xf32, #tpu.memory_space<vmem>>[vector<16xi32>], vector<16xf32>,
            %gather3A_569 = tpu.vector_load_idx %arg10[%broadcast_in_dim3A_548] : memref<10000xf32, #tpu.memory_space<vmem>>[vector<16xi32>], vector<16xf32>,
            %mul3A_570 = vector.broadcast %squeeze3A_553 : f32 to vector<16xf32>
            %mul3A_571 = arith.mulf %gather3A_569, %mul3A_570 : vector<16xf32>
            %gather3A_572 = tpu.vector_load_idx %arg14[%broadcast_in_dim3A_551] : memref<10000xf32, #tpu.memory_space<vmem>>[vector<16xi32>], vector<16xf32>,
            %max3A_573 = arith.maximumf %gather3A_572, %mul3A_571 : vector<16xf32>
            tpu.vector_store_idx %arg14[%broadcast_in_dim3A_551], %max3A_573 : memref<10000xf32, #tpu.memory_space<vmem>>[vector<16xi32>], vector<16xf32>,
            %while3A_574 = arith.constant 0 : i32
            scf.yield %while3A_574 : i32
          }
          %while3A_119 = arith.constant 1 : i32
          %while3A_120 = scf.for %while3A_121 = %while3A_116 to %while3A_112 step %while3A_119 iter_args(%while3A_122 = %while3A_118) -> (i32)  : i32 {
            %mul3A_123 = arith.constant 16 : i32
            %mul3A_124 = arith.muli %while3A_121, %mul3A_123 : i32
            %get3A_125 = arith.index_cast %mul3A_124 : i32 to index
            %get3A_126 = tpu.vector_load %arg15[%get3A_125] {strides = array<i32>} : memref<2560xi32, #tpu.memory_space<vmem>>, vector<16xi32>,
            %get3A_127 = arith.index_cast %mul3A_124 : i32 to index
            %get3A_128 = tpu.vector_load %arg16[%get3A_127] {strides = array<i32>} : memref<2560xi32, #tpu.memory_space<vmem>>, vector<16xi32>,
            %get3A_129 = arith.index_cast %mul3A_124 : i32 to index
            %get3A_130 = tpu.vector_load %arg17[%get3A_129] {strides = array<i32>} : memref<2560xf32, #tpu.memory_space<vmem>>, vector<16xf32>,
            %slice3A = vector.extract_strided_slice %get3A_126 {offsets = [0], sizes = [1], strides = [1]} : vector<16xi32> to vector<1xi32>
            %squeeze3A = vector.extract %slice3A[0] : i32 from vector<1xi32>
            %broadcast_in_dim3A = vector.broadcast %squeeze3A : i32 to vector<16xi32>
            %slice3A_131 = vector.extract_strided_slice %get3A_128 {offsets = [0], sizes = [1], strides = [1]} : vector<16xi32> to vector<1xi32>
            %squeeze3A_132 = vector.extract %slice3A_131[0] : i32 from vector<1xi32>
            %broadcast_in_dim3A_133 = vector.broadcast %squeeze3A_132 : i32 to vector<16xi32>
            %slice3A_134 = vector.extract_strided_slice %get3A_130 {offsets = [0], sizes = [1], strides = [1]} : vector<16xf32> to vector<1xf32>
            %squeeze3A_135 = vector.extract %slice3A_134[0] : f32 from vector<1xf32>
            %gather3A = tpu.vector_load_idx %arg7[%broadcast_in_dim3A] : memref<10000xf32, #tpu.memory_space<vmem>>[vector<16xi32>], vector<16xf32>,
            %mul3A_136 = vector.broadcast %squeeze3A_135 : f32 to vector<16xf32>
            %mul3A_137 = arith.mulf %gather3A, %mul3A_136 : vector<16xf32>
            %gather3A_138 = tpu.vector_load_idx %arg11[%broadcast_in_dim3A_133] : memref<10000xf32, #tpu.memory_space<vmem>>[vector<16xi32>], vector<16xf32>,
            %max3A = arith.maximumf %gather3A_138, %mul3A_137 : vector<16xf32>
            tpu.vector_store_idx %arg11[%broadcast_in_dim3A_133], %max3A : memref<10000xf32, #tpu.memory_space<vmem>>[vector<16xi32>], vector<16xf32>,
            %gather3A_139 = tpu.vector_load_idx %arg8[%broadcast_in_dim3A] : memref<10000xf32, #tpu.memory_space<vmem>>[vector<16xi32>], vector<16xf32>,
            %mul3A_140 = vector.broadcast %squeeze3A_135 : f32 to vector<16xf32>
            %mul3A_141 = arith.mulf %gather3A_139, %mul3A_140 : vector<16xf32>
            %gather3A_142 = tpu.vector_load_idx %arg12[%broadcast_in_dim3A_133] : memref<10000xf32, #tpu.memory_space<vmem>>[vector<16xi32>], vector<16xf32>,
            %max3A_143 = arith.maximumf %gather3A_142, %mul3A_141 : vector<16xf32>
            tpu.vector_store_idx %arg12[%broadcast_in_dim3A_133], %max3A_143 : memref<10000xf32, #tpu.memory_space<vmem>>[vector<16xi32>], vector<16xf32>,
            %gather3A_144 = tpu.vector_load_idx %arg9[%broadcast_in_dim3A] : memref<10000xf32, #tpu.memory_space<vmem>>[vector<16xi32>], vector<16xf32>,
            %mul3A_145 = vector.broadcast %squeeze3A_135 : f32 to vector<16xf32>
            %mul3A_146 = arith.mulf %gather3A_144, %mul3A_145 : vector<16xf32>
            %gather3A_147 = tpu.vector_load_idx %arg13[%broadcast_in_dim3A_133] : memref<10000xf32, #tpu.memory_space<vmem>>[vector<16xi32>], vector<16xf32>,
            %max3A_148 = arith.maximumf %gather3A_147, %mul3A_146 : vector<16xf32>
            tpu.vector_store_idx %arg13[%broadcast_in_dim3A_133], %max3A_148 : memref<10000xf32, #tpu.memory_space<vmem>>[vector<16xi32>], vector<16xf32>,
            %gather3A_149 = tpu.vector_load_idx %arg10[%broadcast_in_dim3A] : memref<10000xf32, #tpu.memory_space<vmem>>[vector<16xi32>], vector<16xf32>,
            %mul3A_150 = vector.broadcast %squeeze3A_135 : f32 to vector<16xf32>
            %mul3A_151 = arith.mulf %gather3A_149, %mul3A_150 : vector<16xf32>
            %gather3A_152 = tpu.vector_load_idx %arg14[%broadcast_in_dim3A_133] : memref<10000xf32, #tpu.memory_space<vmem>>[vector<16xi32>], vector<16xf32>,
            %max3A_153 = arith.maximumf %gather3A_152, %mul3A_151 : vector<16xf32>
            tpu.vector_store_idx %arg14[%broadcast_in_dim3A_133], %max3A_153 : memref<10000xf32, #tpu.memory_space<vmem>>[vector<16xi32>], vector<16xf32>,
            %slice3A_154 = vector.extract_strided_slice %get3A_126 {offsets = [1], sizes = [1], strides = [1]} : vector<16xi32> to vector<1xi32>
            %squeeze3A_155 = vector.extract %slice3A_154[0] : i32 from vector<1xi32>
            %broadcast_in_dim3A_156 = vector.broadcast %squeeze3A_155 : i32 to vector<16xi32>
            %slice3A_157 = vector.extract_strided_slice %get3A_128 {offsets = [1], sizes = [1], strides = [1]} : vector<16xi32> to vector<1xi32>
            %squeeze3A_158 = vector.extract %slice3A_157[0] : i32 from vector<1xi32>
            %broadcast_in_dim3A_159 = vector.broadcast %squeeze3A_158 : i32 to vector<16xi32>
            %slice3A_160 = vector.extract_strided_slice %get3A_130 {offsets = [1], sizes = [1], strides = [1]} : vector<16xf32> to vector<1xf32>
            %squeeze3A_161 = vector.extract %slice3A_160[0] : f32 from vector<1xf32>
            %gather3A_162 = tpu.vector_load_idx %arg7[%broadcast_in_dim3A_156] : memref<10000xf32, #tpu.memory_space<vmem>>[vector<16xi32>], vector<16xf32>,
            %mul3A_163 = vector.broadcast %squeeze3A_161 : f32 to vector<16xf32>
            %mul3A_164 = arith.mulf %gather3A_162, %mul3A_163 : vector<16xf32>
            %gather3A_165 = tpu.vector_load_idx %arg11[%broadcast_in_dim3A_159] : memref<10000xf32, #tpu.memory_space<vmem>>[vector<16xi32>], vector<16xf32>,
            %max3A_166 = arith.maximumf %gather3A_165, %mul3A_164 : vector<16xf32>
            tpu.vector_store_idx %arg11[%broadcast_in_dim3A_159], %max3A_166 : memref<10000xf32, #tpu.memory_space<vmem>>[vector<16xi32>], vector<16xf32>,
            %gather3A_167 = tpu.vector_load_idx %arg8[%broadcast_in_dim3A_156] : memref<10000xf32, #tpu.memory_space<vmem>>[vector<16xi32>], vector<16xf32>,
            %mul3A_168 = vector.broadcast %squeeze3A_161 : f32 to vector<16xf32>
            %mul3A_169 = arith.mulf %gather3A_167, %mul3A_168 : vector<16xf32>
            %gather3A_170 = tpu.vector_load_idx %arg12[%broadcast_in_dim3A_159] : memref<10000xf32, #tpu.memory_space<vmem>>[vector<16xi32>], vector<16xf32>,
            %max3A_171 = arith.maximumf %gather3A_170, %mul3A_169 : vector<16xf32>
            tpu.vector_store_idx %arg12[%broadcast_in_dim3A_159], %max3A_171 : memref<10000xf32, #tpu.memory_space<vmem>>[vector<16xi32>], vector<16xf32>,
            %gather3A_172 = tpu.vector_load_idx %arg9[%broadcast_in_dim3A_156] : memref<10000xf32, #tpu.memory_space<vmem>>[vector<16xi32>], vector<16xf32>,
            %mul3A_173 = vector.broadcast %squeeze3A_161 : f32 to vector<16xf32>
            %mul3A_174 = arith.mulf %gather3A_172, %mul3A_173 : vector<16xf32>
            %gather3A_175 = tpu.vector_load_idx %arg13[%broadcast_in_dim3A_159] : memref<10000xf32, #tpu.memory_space<vmem>>[vector<16xi32>], vector<16xf32>,
            %max3A_176 = arith.maximumf %gather3A_175, %mul3A_174 : vector<16xf32>
            tpu.vector_store_idx %arg13[%broadcast_in_dim3A_159], %max3A_176 : memref<10000xf32, #tpu.memory_space<vmem>>[vector<16xi32>], vector<16xf32>,
            %gather3A_177 = tpu.vector_load_idx %arg10[%broadcast_in_dim3A_156] : memref<10000xf32, #tpu.memory_space<vmem>>[vector<16xi32>], vector<16xf32>,
            %mul3A_178 = vector.broadcast %squeeze3A_161 : f32 to vector<16xf32>
            %mul3A_179 = arith.mulf %gather3A_177, %mul3A_178 : vector<16xf32>
            %gather3A_180 = tpu.vector_load_idx %arg14[%broadcast_in_dim3A_159] : memref<10000xf32, #tpu.memory_space<vmem>>[vector<16xi32>], vector<16xf32>,
            %max3A_181 = arith.maximumf %gather3A_180, %mul3A_179 : vector<16xf32>
            tpu.vector_store_idx %arg14[%broadcast_in_dim3A_159], %max3A_181 : memref<10000xf32, #tpu.memory_space<vmem>>[vector<16xi32>], vector<16xf32>,
            %slice3A_182 = vector.extract_strided_slice %get3A_126 {offsets = [2], sizes = [1], strides = [1]} : vector<16xi32> to vector<1xi32>
            %squeeze3A_183 = vector.extract %slice3A_182[0] : i32 from vector<1xi32>
            %broadcast_in_dim3A_184 = vector.broadcast %squeeze3A_183 : i32 to vector<16xi32>
            %slice3A_185 = vector.extract_strided_slice %get3A_128 {offsets = [2], sizes = [1], strides = [1]} : vector<16xi32> to vector<1xi32>
            %squeeze3A_186 = vector.extract %slice3A_185[0] : i32 from vector<1xi32>
            %broadcast_in_dim3A_187 = vector.broadcast %squeeze3A_186 : i32 to vector<16xi32>
            %slice3A_188 = vector.extract_strided_slice %get3A_130 {offsets = [2], sizes = [1], strides = [1]} : vector<16xf32> to vector<1xf32>
            %squeeze3A_189 = vector.extract %slice3A_188[0] : f32 from vector<1xf32>
            %gather3A_190 = tpu.vector_load_idx %arg7[%broadcast_in_dim3A_184] : memref<10000xf32, #tpu.memory_space<vmem>>[vector<16xi32>], vector<16xf32>,
            %mul3A_191 = vector.broadcast %squeeze3A_189 : f32 to vector<16xf32>
            %mul3A_192 = arith.mulf %gather3A_190, %mul3A_191 : vector<16xf32>
            %gather3A_193 = tpu.vector_load_idx %arg11[%broadcast_in_dim3A_187] : memref<10000xf32, #tpu.memory_space<vmem>>[vector<16xi32>], vector<16xf32>,
            %max3A_194 = arith.maximumf %gather3A_193, %mul3A_192 : vector<16xf32>
            tpu.vector_store_idx %arg11[%broadcast_in_dim3A_187], %max3A_194 : memref<10000xf32, #tpu.memory_space<vmem>>[vector<16xi32>], vector<16xf32>,
            %gather3A_195 = tpu.vector_load_idx %arg8[%broadcast_in_dim3A_184] : memref<10000xf32, #tpu.memory_space<vmem>>[vector<16xi32>], vector<16xf32>,
            %mul3A_196 = vector.broadcast %squeeze3A_189 : f32 to vector<16xf32>
            %mul3A_197 = arith.mulf %gather3A_195, %mul3A_196 : vector<16xf32>
            %gather3A_198 = tpu.vector_load_idx %arg12[%broadcast_in_dim3A_187] : memref<10000xf32, #tpu.memory_space<vmem>>[vector<16xi32>], vector<16xf32>,
            %max3A_199 = arith.maximumf %gather3A_198, %mul3A_197 : vector<16xf32>
            tpu.vector_store_idx %arg12[%broadcast_in_dim3A_187], %max3A_199 : memref<10000xf32, #tpu.memory_space<vmem>>[vector<16xi32>], vector<16xf32>,
            %gather3A_200 = tpu.vector_load_idx %arg9[%broadcast_in_dim3A_184] : memref<10000xf32, #tpu.memory_space<vmem>>[vector<16xi32>], vector<16xf32>,
            %mul3A_201 = vector.broadcast %squeeze3A_189 : f32 to vector<16xf32>
            %mul3A_202 = arith.mulf %gather3A_200, %mul3A_201 : vector<16xf32>
            %gather3A_203 = tpu.vector_load_idx %arg13[%broadcast_in_dim3A_187] : memref<10000xf32, #tpu.memory_space<vmem>>[vector<16xi32>], vector<16xf32>,
            %max3A_204 = arith.maximumf %gather3A_203, %mul3A_202 : vector<16xf32>
            tpu.vector_store_idx %arg13[%broadcast_in_dim3A_187], %max3A_204 : memref<10000xf32, #tpu.memory_space<vmem>>[vector<16xi32>], vector<16xf32>,
            %gather3A_205 = tpu.vector_load_idx %arg10[%broadcast_in_dim3A_184] : memref<10000xf32, #tpu.memory_space<vmem>>[vector<16xi32>], vector<16xf32>,
            %mul3A_206 = vector.broadcast %squeeze3A_189 : f32 to vector<16xf32>
            %mul3A_207 = arith.mulf %gather3A_205, %mul3A_206 : vector<16xf32>
            %gather3A_208 = tpu.vector_load_idx %arg14[%broadcast_in_dim3A_187] : memref<10000xf32, #tpu.memory_space<vmem>>[vector<16xi32>], vector<16xf32>,
            %max3A_209 = arith.maximumf %gather3A_208, %mul3A_207 : vector<16xf32>
            tpu.vector_store_idx %arg14[%broadcast_in_dim3A_187], %max3A_209 : memref<10000xf32, #tpu.memory_space<vmem>>[vector<16xi32>], vector<16xf32>,
            %slice3A_210 = vector.extract_strided_slice %get3A_126 {offsets = [3], sizes = [1], strides = [1]} : vector<16xi32> to vector<1xi32>
            %squeeze3A_211 = vector.extract %slice3A_210[0] : i32 from vector<1xi32>
            %broadcast_in_dim3A_212 = vector.broadcast %squeeze3A_211 : i32 to vector<16xi32>
            %slice3A_213 = vector.extract_strided_slice %get3A_128 {offsets = [3], sizes = [1], strides = [1]} : vector<16xi32> to vector<1xi32>
            %squeeze3A_214 = vector.extract %slice3A_213[0] : i32 from vector<1xi32>
            %broadcast_in_dim3A_215 = vector.broadcast %squeeze3A_214 : i32 to vector<16xi32>
            %slice3A_216 = vector.extract_strided_slice %get3A_130 {offsets = [3], sizes = [1], strides = [1]} : vector<16xf32> to vector<1xf32>
            %squeeze3A_217 = vector.extract %slice3A_216[0] : f32 from vector<1xf32>
            %gather3A_218 = tpu.vector_load_idx %arg7[%broadcast_in_dim3A_212] : memref<10000xf32, #tpu.memory_space<vmem>>[vector<16xi32>], vector<16xf32>,
            %mul3A_219 = vector.broadcast %squeeze3A_217 : f32 to vector<16xf32>
            %mul3A_220 = arith.mulf %gather3A_218, %mul3A_219 : vector<16xf32>
            %gather3A_221 = tpu.vector_load_idx %arg11[%broadcast_in_dim3A_215] : memref<10000xf32, #tpu.memory_space<vmem>>[vector<16xi32>], vector<16xf32>,
            %max3A_222 = arith.maximumf %gather3A_221, %mul3A_220 : vector<16xf32>
            tpu.vector_store_idx %arg11[%broadcast_in_dim3A_215], %max3A_222 : memref<10000xf32, #tpu.memory_space<vmem>>[vector<16xi32>], vector<16xf32>,
            %gather3A_223 = tpu.vector_load_idx %arg8[%broadcast_in_dim3A_212] : memref<10000xf32, #tpu.memory_space<vmem>>[vector<16xi32>], vector<16xf32>,
            %mul3A_224 = vector.broadcast %squeeze3A_217 : f32 to vector<16xf32>
            %mul3A_225 = arith.mulf %gather3A_223, %mul3A_224 : vector<16xf32>
            %gather3A_226 = tpu.vector_load_idx %arg12[%broadcast_in_dim3A_215] : memref<10000xf32, #tpu.memory_space<vmem>>[vector<16xi32>], vector<16xf32>,
            %max3A_227 = arith.maximumf %gather3A_226, %mul3A_225 : vector<16xf32>
            tpu.vector_store_idx %arg12[%broadcast_in_dim3A_215], %max3A_227 : memref<10000xf32, #tpu.memory_space<vmem>>[vector<16xi32>], vector<16xf32>,
            %gather3A_228 = tpu.vector_load_idx %arg9[%broadcast_in_dim3A_212] : memref<10000xf32, #tpu.memory_space<vmem>>[vector<16xi32>], vector<16xf32>,
            %mul3A_229 = vector.broadcast %squeeze3A_217 : f32 to vector<16xf32>
            %mul3A_230 = arith.mulf %gather3A_228, %mul3A_229 : vector<16xf32>
            %gather3A_231 = tpu.vector_load_idx %arg13[%broadcast_in_dim3A_215] : memref<10000xf32, #tpu.memory_space<vmem>>[vector<16xi32>], vector<16xf32>,
            %max3A_232 = arith.maximumf %gather3A_231, %mul3A_230 : vector<16xf32>
            tpu.vector_store_idx %arg13[%broadcast_in_dim3A_215], %max3A_232 : memref<10000xf32, #tpu.memory_space<vmem>>[vector<16xi32>], vector<16xf32>,
            %gather3A_233 = tpu.vector_load_idx %arg10[%broadcast_in_dim3A_212] : memref<10000xf32, #tpu.memory_space<vmem>>[vector<16xi32>], vector<16xf32>,
            %mul3A_234 = vector.broadcast %squeeze3A_217 : f32 to vector<16xf32>
            %mul3A_235 = arith.mulf %gather3A_233, %mul3A_234 : vector<16xf32>
            %gather3A_236 = tpu.vector_load_idx %arg14[%broadcast_in_dim3A_215] : memref<10000xf32, #tpu.memory_space<vmem>>[vector<16xi32>], vector<16xf32>,
            %max3A_237 = arith.maximumf %gather3A_236, %mul3A_235 : vector<16xf32>
            tpu.vector_store_idx %arg14[%broadcast_in_dim3A_215], %max3A_237 : memref<10000xf32, #tpu.memory_space<vmem>>[vector<16xi32>], vector<16xf32>,
            %slice3A_238 = vector.extract_strided_slice %get3A_126 {offsets = [4], sizes = [1], strides = [1]} : vector<16xi32> to vector<1xi32>
            %squeeze3A_239 = vector.extract %slice3A_238[0] : i32 from vector<1xi32>
            %broadcast_in_dim3A_240 = vector.broadcast %squeeze3A_239 : i32 to vector<16xi32>
            %slice3A_241 = vector.extract_strided_slice %get3A_128 {offsets = [4], sizes = [1], strides = [1]} : vector<16xi32> to vector<1xi32>
            %squeeze3A_242 = vector.extract %slice3A_241[0] : i32 from vector<1xi32>
            %broadcast_in_dim3A_243 = vector.broadcast %squeeze3A_242 : i32 to vector<16xi32>
            %slice3A_244 = vector.extract_strided_slice %get3A_130 {offsets = [4], sizes = [1], strides = [1]} : vector<16xf32> to vector<1xf32>
            %squeeze3A_245 = vector.extract %slice3A_244[0] : f32 from vector<1xf32>
            %gather3A_246 = tpu.vector_load_idx %arg7[%broadcast_in_dim3A_240] : memref<10000xf32, #tpu.memory_space<vmem>>[vector<16xi32>], vector<16xf32>,
            %mul3A_247 = vector.broadcast %squeeze3A_245 : f32 to vector<16xf32>
            %mul3A_248 = arith.mulf %gather3A_246, %mul3A_247 : vector<16xf32>
            %gather3A_249 = tpu.vector_load_idx %arg11[%broadcast_in_dim3A_243] : memref<10000xf32, #tpu.memory_space<vmem>>[vector<16xi32>], vector<16xf32>,
            %max3A_250 = arith.maximumf %gather3A_249, %mul3A_248 : vector<16xf32>
            tpu.vector_store_idx %arg11[%broadcast_in_dim3A_243], %max3A_250 : memref<10000xf32, #tpu.memory_space<vmem>>[vector<16xi32>], vector<16xf32>,
            %gather3A_251 = tpu.vector_load_idx %arg8[%broadcast_in_dim3A_240] : memref<10000xf32, #tpu.memory_space<vmem>>[vector<16xi32>], vector<16xf32>,
            %mul3A_252 = vector.broadcast %squeeze3A_245 : f32 to vector<16xf32>
            %mul3A_253 = arith.mulf %gather3A_251, %mul3A_252 : vector<16xf32>
            %gather3A_254 = tpu.vector_load_idx %arg12[%broadcast_in_dim3A_243] : memref<10000xf32, #tpu.memory_space<vmem>>[vector<16xi32>], vector<16xf32>,
            %max3A_255 = arith.maximumf %gather3A_254, %mul3A_253 : vector<16xf32>
            tpu.vector_store_idx %arg12[%broadcast_in_dim3A_243], %max3A_255 : memref<10000xf32, #tpu.memory_space<vmem>>[vector<16xi32>], vector<16xf32>,
            %gather3A_256 = tpu.vector_load_idx %arg9[%broadcast_in_dim3A_240] : memref<10000xf32, #tpu.memory_space<vmem>>[vector<16xi32>], vector<16xf32>,
            %mul3A_257 = vector.broadcast %squeeze3A_245 : f32 to vector<16xf32>
            %mul3A_258 = arith.mulf %gather3A_256, %mul3A_257 : vector<16xf32>
            %gather3A_259 = tpu.vector_load_idx %arg13[%broadcast_in_dim3A_243] : memref<10000xf32, #tpu.memory_space<vmem>>[vector<16xi32>], vector<16xf32>,
            %max3A_260 = arith.maximumf %gather3A_259, %mul3A_258 : vector<16xf32>
            tpu.vector_store_idx %arg13[%broadcast_in_dim3A_243], %max3A_260 : memref<10000xf32, #tpu.memory_space<vmem>>[vector<16xi32>], vector<16xf32>,
            %gather3A_261 = tpu.vector_load_idx %arg10[%broadcast_in_dim3A_240] : memref<10000xf32, #tpu.memory_space<vmem>>[vector<16xi32>], vector<16xf32>,
            %mul3A_262 = vector.broadcast %squeeze3A_245 : f32 to vector<16xf32>
            %mul3A_263 = arith.mulf %gather3A_261, %mul3A_262 : vector<16xf32>
            %gather3A_264 = tpu.vector_load_idx %arg14[%broadcast_in_dim3A_243] : memref<10000xf32, #tpu.memory_space<vmem>>[vector<16xi32>], vector<16xf32>,
            %max3A_265 = arith.maximumf %gather3A_264, %mul3A_263 : vector<16xf32>
            tpu.vector_store_idx %arg14[%broadcast_in_dim3A_243], %max3A_265 : memref<10000xf32, #tpu.memory_space<vmem>>[vector<16xi32>], vector<16xf32>,
            %slice3A_266 = vector.extract_strided_slice %get3A_126 {offsets = [5], sizes = [1], strides = [1]} : vector<16xi32> to vector<1xi32>
            %squeeze3A_267 = vector.extract %slice3A_266[0] : i32 from vector<1xi32>
            %broadcast_in_dim3A_268 = vector.broadcast %squeeze3A_267 : i32 to vector<16xi32>
            %slice3A_269 = vector.extract_strided_slice %get3A_128 {offsets = [5], sizes = [1], strides = [1]} : vector<16xi32> to vector<1xi32>
            %squeeze3A_270 = vector.extract %slice3A_269[0] : i32 from vector<1xi32>
            %broadcast_in_dim3A_271 = vector.broadcast %squeeze3A_270 : i32 to vector<16xi32>
            %slice3A_272 = vector.extract_strided_slice %get3A_130 {offsets = [5], sizes = [1], strides = [1]} : vector<16xf32> to vector<1xf32>
            %squeeze3A_273 = vector.extract %slice3A_272[0] : f32 from vector<1xf32>
            %gather3A_274 = tpu.vector_load_idx %arg7[%broadcast_in_dim3A_268] : memref<10000xf32, #tpu.memory_space<vmem>>[vector<16xi32>], vector<16xf32>,
            %mul3A_275 = vector.broadcast %squeeze3A_273 : f32 to vector<16xf32>
            %mul3A_276 = arith.mulf %gather3A_274, %mul3A_275 : vector<16xf32>
            %gather3A_277 = tpu.vector_load_idx %arg11[%broadcast_in_dim3A_271] : memref<10000xf32, #tpu.memory_space<vmem>>[vector<16xi32>], vector<16xf32>,
            %max3A_278 = arith.maximumf %gather3A_277, %mul3A_276 : vector<16xf32>
            tpu.vector_store_idx %arg11[%broadcast_in_dim3A_271], %max3A_278 : memref<10000xf32, #tpu.memory_space<vmem>>[vector<16xi32>], vector<16xf32>,
            %gather3A_279 = tpu.vector_load_idx %arg8[%broadcast_in_dim3A_268] : memref<10000xf32, #tpu.memory_space<vmem>>[vector<16xi32>], vector<16xf32>,
            %mul3A_280 = vector.broadcast %squeeze3A_273 : f32 to vector<16xf32>
            %mul3A_281 = arith.mulf %gather3A_279, %mul3A_280 : vector<16xf32>
            %gather3A_282 = tpu.vector_load_idx %arg12[%broadcast_in_dim3A_271] : memref<10000xf32, #tpu.memory_space<vmem>>[vector<16xi32>], vector<16xf32>,
            %max3A_283 = arith.maximumf %gather3A_282, %mul3A_281 : vector<16xf32>
            tpu.vector_store_idx %arg12[%broadcast_in_dim3A_271], %max3A_283 : memref<10000xf32, #tpu.memory_space<vmem>>[vector<16xi32>], vector<16xf32>,
            %gather3A_284 = tpu.vector_load_idx %arg9[%broadcast_in_dim3A_268] : memref<10000xf32, #tpu.memory_space<vmem>>[vector<16xi32>], vector<16xf32>,
            %mul3A_285 = vector.broadcast %squeeze3A_273 : f32 to vector<16xf32>
            %mul3A_286 = arith.mulf %gather3A_284, %mul3A_285 : vector<16xf32>
            %gather3A_287 = tpu.vector_load_idx %arg13[%broadcast_in_dim3A_271] : memref<10000xf32, #tpu.memory_space<vmem>>[vector<16xi32>], vector<16xf32>,
            %max3A_288 = arith.maximumf %gather3A_287, %mul3A_286 : vector<16xf32>
            tpu.vector_store_idx %arg13[%broadcast_in_dim3A_271], %max3A_288 : memref<10000xf32, #tpu.memory_space<vmem>>[vector<16xi32>], vector<16xf32>,
            %gather3A_289 = tpu.vector_load_idx %arg10[%broadcast_in_dim3A_268] : memref<10000xf32, #tpu.memory_space<vmem>>[vector<16xi32>], vector<16xf32>,
            %mul3A_290 = vector.broadcast %squeeze3A_273 : f32 to vector<16xf32>
            %mul3A_291 = arith.mulf %gather3A_289, %mul3A_290 : vector<16xf32>
            %gather3A_292 = tpu.vector_load_idx %arg14[%broadcast_in_dim3A_271] : memref<10000xf32, #tpu.memory_space<vmem>>[vector<16xi32>], vector<16xf32>,
            %max3A_293 = arith.maximumf %gather3A_292, %mul3A_291 : vector<16xf32>
            tpu.vector_store_idx %arg14[%broadcast_in_dim3A_271], %max3A_293 : memref<10000xf32, #tpu.memory_space<vmem>>[vector<16xi32>], vector<16xf32>,
            %slice3A_294 = vector.extract_strided_slice %get3A_126 {offsets = [6], sizes = [1], strides = [1]} : vector<16xi32> to vector<1xi32>
            %squeeze3A_295 = vector.extract %slice3A_294[0] : i32 from vector<1xi32>
            %broadcast_in_dim3A_296 = vector.broadcast %squeeze3A_295 : i32 to vector<16xi32>
            %slice3A_297 = vector.extract_strided_slice %get3A_128 {offsets = [6], sizes = [1], strides = [1]} : vector<16xi32> to vector<1xi32>
            %squeeze3A_298 = vector.extract %slice3A_297[0] : i32 from vector<1xi32>
            %broadcast_in_dim3A_299 = vector.broadcast %squeeze3A_298 : i32 to vector<16xi32>
            %slice3A_300 = vector.extract_strided_slice %get3A_130 {offsets = [6], sizes = [1], strides = [1]} : vector<16xf32> to vector<1xf32>
            %squeeze3A_301 = vector.extract %slice3A_300[0] : f32 from vector<1xf32>
            %gather3A_302 = tpu.vector_load_idx %arg7[%broadcast_in_dim3A_296] : memref<10000xf32, #tpu.memory_space<vmem>>[vector<16xi32>], vector<16xf32>,
            %mul3A_303 = vector.broadcast %squeeze3A_301 : f32 to vector<16xf32>
            %mul3A_304 = arith.mulf %gather3A_302, %mul3A_303 : vector<16xf32>
            %gather3A_305 = tpu.vector_load_idx %arg11[%broadcast_in_dim3A_299] : memref<10000xf32, #tpu.memory_space<vmem>>[vector<16xi32>], vector<16xf32>,
            %max3A_306 = arith.maximumf %gather3A_305, %mul3A_304 : vector<16xf32>
            tpu.vector_store_idx %arg11[%broadcast_in_dim3A_299], %max3A_306 : memref<10000xf32, #tpu.memory_space<vmem>>[vector<16xi32>], vector<16xf32>,
            %gather3A_307 = tpu.vector_load_idx %arg8[%broadcast_in_dim3A_296] : memref<10000xf32, #tpu.memory_space<vmem>>[vector<16xi32>], vector<16xf32>,
            %mul3A_308 = vector.broadcast %squeeze3A_301 : f32 to vector<16xf32>
            %mul3A_309 = arith.mulf %gather3A_307, %mul3A_308 : vector<16xf32>
            %gather3A_310 = tpu.vector_load_idx %arg12[%broadcast_in_dim3A_299] : memref<10000xf32, #tpu.memory_space<vmem>>[vector<16xi32>], vector<16xf32>,
            %max3A_311 = arith.maximumf %gather3A_310, %mul3A_309 : vector<16xf32>
            tpu.vector_store_idx %arg12[%broadcast_in_dim3A_299], %max3A_311 : memref<10000xf32, #tpu.memory_space<vmem>>[vector<16xi32>], vector<16xf32>,
            %gather3A_312 = tpu.vector_load_idx %arg9[%broadcast_in_dim3A_296] : memref<10000xf32, #tpu.memory_space<vmem>>[vector<16xi32>], vector<16xf32>,
            %mul3A_313 = vector.broadcast %squeeze3A_301 : f32 to vector<16xf32>
            %mul3A_314 = arith.mulf %gather3A_312, %mul3A_313 : vector<16xf32>
            %gather3A_315 = tpu.vector_load_idx %arg13[%broadcast_in_dim3A_299] : memref<10000xf32, #tpu.memory_space<vmem>>[vector<16xi32>], vector<16xf32>,
            %max3A_316 = arith.maximumf %gather3A_315, %mul3A_314 : vector<16xf32>
            tpu.vector_store_idx %arg13[%broadcast_in_dim3A_299], %max3A_316 : memref<10000xf32, #tpu.memory_space<vmem>>[vector<16xi32>], vector<16xf32>,
            %gather3A_317 = tpu.vector_load_idx %arg10[%broadcast_in_dim3A_296] : memref<10000xf32, #tpu.memory_space<vmem>>[vector<16xi32>], vector<16xf32>,
            %mul3A_318 = vector.broadcast %squeeze3A_301 : f32 to vector<16xf32>
            %mul3A_319 = arith.mulf %gather3A_317, %mul3A_318 : vector<16xf32>
            %gather3A_320 = tpu.vector_load_idx %arg14[%broadcast_in_dim3A_299] : memref<10000xf32, #tpu.memory_space<vmem>>[vector<16xi32>], vector<16xf32>,
            %max3A_321 = arith.maximumf %gather3A_320, %mul3A_319 : vector<16xf32>
            tpu.vector_store_idx %arg14[%broadcast_in_dim3A_299], %max3A_321 : memref<10000xf32, #tpu.memory_space<vmem>>[vector<16xi32>], vector<16xf32>,
            %slice3A_322 = vector.extract_strided_slice %get3A_126 {offsets = [7], sizes = [1], strides = [1]} : vector<16xi32> to vector<1xi32>
            %squeeze3A_323 = vector.extract %slice3A_322[0] : i32 from vector<1xi32>
            %broadcast_in_dim3A_324 = vector.broadcast %squeeze3A_323 : i32 to vector<16xi32>
            %slice3A_325 = vector.extract_strided_slice %get3A_128 {offsets = [7], sizes = [1], strides = [1]} : vector<16xi32> to vector<1xi32>
            %squeeze3A_326 = vector.extract %slice3A_325[0] : i32 from vector<1xi32>
            %broadcast_in_dim3A_327 = vector.broadcast %squeeze3A_326 : i32 to vector<16xi32>
            %slice3A_328 = vector.extract_strided_slice %get3A_130 {offsets = [7], sizes = [1], strides = [1]} : vector<16xf32> to vector<1xf32>
            %squeeze3A_329 = vector.extract %slice3A_328[0] : f32 from vector<1xf32>
            %gather3A_330 = tpu.vector_load_idx %arg7[%broadcast_in_dim3A_324] : memref<10000xf32, #tpu.memory_space<vmem>>[vector<16xi32>], vector<16xf32>,
            %mul3A_331 = vector.broadcast %squeeze3A_329 : f32 to vector<16xf32>
            %mul3A_332 = arith.mulf %gather3A_330, %mul3A_331 : vector<16xf32>
            %gather3A_333 = tpu.vector_load_idx %arg11[%broadcast_in_dim3A_327] : memref<10000xf32, #tpu.memory_space<vmem>>[vector<16xi32>], vector<16xf32>,
            %max3A_334 = arith.maximumf %gather3A_333, %mul3A_332 : vector<16xf32>
            tpu.vector_store_idx %arg11[%broadcast_in_dim3A_327], %max3A_334 : memref<10000xf32, #tpu.memory_space<vmem>>[vector<16xi32>], vector<16xf32>,
            %gather3A_335 = tpu.vector_load_idx %arg8[%broadcast_in_dim3A_324] : memref<10000xf32, #tpu.memory_space<vmem>>[vector<16xi32>], vector<16xf32>,
            %mul3A_336 = vector.broadcast %squeeze3A_329 : f32 to vector<16xf32>
            %mul3A_337 = arith.mulf %gather3A_335, %mul3A_336 : vector<16xf32>
            %gather3A_338 = tpu.vector_load_idx %arg12[%broadcast_in_dim3A_327] : memref<10000xf32, #tpu.memory_space<vmem>>[vector<16xi32>], vector<16xf32>,
            %max3A_339 = arith.maximumf %gather3A_338, %mul3A_337 : vector<16xf32>
            tpu.vector_store_idx %arg12[%broadcast_in_dim3A_327], %max3A_339 : memref<10000xf32, #tpu.memory_space<vmem>>[vector<16xi32>], vector<16xf32>,
            %gather3A_340 = tpu.vector_load_idx %arg9[%broadcast_in_dim3A_324] : memref<10000xf32, #tpu.memory_space<vmem>>[vector<16xi32>], vector<16xf32>,
            %mul3A_341 = vector.broadcast %squeeze3A_329 : f32 to vector<16xf32>
            %mul3A_342 = arith.mulf %gather3A_340, %mul3A_341 : vector<16xf32>
            %gather3A_343 = tpu.vector_load_idx %arg13[%broadcast_in_dim3A_327] : memref<10000xf32, #tpu.memory_space<vmem>>[vector<16xi32>], vector<16xf32>,
            %max3A_344 = arith.maximumf %gather3A_343, %mul3A_342 : vector<16xf32>
            tpu.vector_store_idx %arg13[%broadcast_in_dim3A_327], %max3A_344 : memref<10000xf32, #tpu.memory_space<vmem>>[vector<16xi32>], vector<16xf32>,
            %gather3A_345 = tpu.vector_load_idx %arg10[%broadcast_in_dim3A_324] : memref<10000xf32, #tpu.memory_space<vmem>>[vector<16xi32>], vector<16xf32>,
            %mul3A_346 = vector.broadcast %squeeze3A_329 : f32 to vector<16xf32>
            %mul3A_347 = arith.mulf %gather3A_345, %mul3A_346 : vector<16xf32>
            %gather3A_348 = tpu.vector_load_idx %arg14[%broadcast_in_dim3A_327] : memref<10000xf32, #tpu.memory_space<vmem>>[vector<16xi32>], vector<16xf32>,
            %max3A_349 = arith.maximumf %gather3A_348, %mul3A_347 : vector<16xf32>
            tpu.vector_store_idx %arg14[%broadcast_in_dim3A_327], %max3A_349 : memref<10000xf32, #tpu.memory_space<vmem>>[vector<16xi32>], vector<16xf32>,
            %slice3A_350 = vector.extract_strided_slice %get3A_126 {offsets = [8], sizes = [1], strides = [1]} : vector<16xi32> to vector<1xi32>
            %squeeze3A_351 = vector.extract %slice3A_350[0] : i32 from vector<1xi32>
            %broadcast_in_dim3A_352 = vector.broadcast %squeeze3A_351 : i32 to vector<16xi32>
            %slice3A_353 = vector.extract_strided_slice %get3A_128 {offsets = [8], sizes = [1], strides = [1]} : vector<16xi32> to vector<1xi32>
            %squeeze3A_354 = vector.extract %slice3A_353[0] : i32 from vector<1xi32>
            %broadcast_in_dim3A_355 = vector.broadcast %squeeze3A_354 : i32 to vector<16xi32>
            %slice3A_356 = vector.extract_strided_slice %get3A_130 {offsets = [8], sizes = [1], strides = [1]} : vector<16xf32> to vector<1xf32>
            %squeeze3A_357 = vector.extract %slice3A_356[0] : f32 from vector<1xf32>
            %gather3A_358 = tpu.vector_load_idx %arg7[%broadcast_in_dim3A_352] : memref<10000xf32, #tpu.memory_space<vmem>>[vector<16xi32>], vector<16xf32>,
            %mul3A_359 = vector.broadcast %squeeze3A_357 : f32 to vector<16xf32>
            %mul3A_360 = arith.mulf %gather3A_358, %mul3A_359 : vector<16xf32>
            %gather3A_361 = tpu.vector_load_idx %arg11[%broadcast_in_dim3A_355] : memref<10000xf32, #tpu.memory_space<vmem>>[vector<16xi32>], vector<16xf32>,
            %max3A_362 = arith.maximumf %gather3A_361, %mul3A_360 : vector<16xf32>
            tpu.vector_store_idx %arg11[%broadcast_in_dim3A_355], %max3A_362 : memref<10000xf32, #tpu.memory_space<vmem>>[vector<16xi32>], vector<16xf32>,
            %gather3A_363 = tpu.vector_load_idx %arg8[%broadcast_in_dim3A_352] : memref<10000xf32, #tpu.memory_space<vmem>>[vector<16xi32>], vector<16xf32>,
            %mul3A_364 = vector.broadcast %squeeze3A_357 : f32 to vector<16xf32>
            %mul3A_365 = arith.mulf %gather3A_363, %mul3A_364 : vector<16xf32>
            %gather3A_366 = tpu.vector_load_idx %arg12[%broadcast_in_dim3A_355] : memref<10000xf32, #tpu.memory_space<vmem>>[vector<16xi32>], vector<16xf32>,
            %max3A_367 = arith.maximumf %gather3A_366, %mul3A_365 : vector<16xf32>
            tpu.vector_store_idx %arg12[%broadcast_in_dim3A_355], %max3A_367 : memref<10000xf32, #tpu.memory_space<vmem>>[vector<16xi32>], vector<16xf32>,
            %gather3A_368 = tpu.vector_load_idx %arg9[%broadcast_in_dim3A_352] : memref<10000xf32, #tpu.memory_space<vmem>>[vector<16xi32>], vector<16xf32>,
            %mul3A_369 = vector.broadcast %squeeze3A_357 : f32 to vector<16xf32>
            %mul3A_370 = arith.mulf %gather3A_368, %mul3A_369 : vector<16xf32>
            %gather3A_371 = tpu.vector_load_idx %arg13[%broadcast_in_dim3A_355] : memref<10000xf32, #tpu.memory_space<vmem>>[vector<16xi32>], vector<16xf32>,
            %max3A_372 = arith.maximumf %gather3A_371, %mul3A_370 : vector<16xf32>
            tpu.vector_store_idx %arg13[%broadcast_in_dim3A_355], %max3A_372 : memref<10000xf32, #tpu.memory_space<vmem>>[vector<16xi32>], vector<16xf32>,
            %gather3A_373 = tpu.vector_load_idx %arg10[%broadcast_in_dim3A_352] : memref<10000xf32, #tpu.memory_space<vmem>>[vector<16xi32>], vector<16xf32>,
            %mul3A_374 = vector.broadcast %squeeze3A_357 : f32 to vector<16xf32>
            %mul3A_375 = arith.mulf %gather3A_373, %mul3A_374 : vector<16xf32>
            %gather3A_376 = tpu.vector_load_idx %arg14[%broadcast_in_dim3A_355] : memref<10000xf32, #tpu.memory_space<vmem>>[vector<16xi32>], vector<16xf32>,
            %max3A_377 = arith.maximumf %gather3A_376, %mul3A_375 : vector<16xf32>
            tpu.vector_store_idx %arg14[%broadcast_in_dim3A_355], %max3A_377 : memref<10000xf32, #tpu.memory_space<vmem>>[vector<16xi32>], vector<16xf32>,
            %slice3A_378 = vector.extract_strided_slice %get3A_126 {offsets = [9], sizes = [1], strides = [1]} : vector<16xi32> to vector<1xi32>
            %squeeze3A_379 = vector.extract %slice3A_378[0] : i32 from vector<1xi32>
            %broadcast_in_dim3A_380 = vector.broadcast %squeeze3A_379 : i32 to vector<16xi32>
            %slice3A_381 = vector.extract_strided_slice %get3A_128 {offsets = [9], sizes = [1], strides = [1]} : vector<16xi32> to vector<1xi32>
            %squeeze3A_382 = vector.extract %slice3A_381[0] : i32 from vector<1xi32>
            %broadcast_in_dim3A_383 = vector.broadcast %squeeze3A_382 : i32 to vector<16xi32>
            %slice3A_384 = vector.extract_strided_slice %get3A_130 {offsets = [9], sizes = [1], strides = [1]} : vector<16xf32> to vector<1xf32>
            %squeeze3A_385 = vector.extract %slice3A_384[0] : f32 from vector<1xf32>
            %gather3A_386 = tpu.vector_load_idx %arg7[%broadcast_in_dim3A_380] : memref<10000xf32, #tpu.memory_space<vmem>>[vector<16xi32>], vector<16xf32>,
            %mul3A_387 = vector.broadcast %squeeze3A_385 : f32 to vector<16xf32>
            %mul3A_388 = arith.mulf %gather3A_386, %mul3A_387 : vector<16xf32>
            %gather3A_389 = tpu.vector_load_idx %arg11[%broadcast_in_dim3A_383] : memref<10000xf32, #tpu.memory_space<vmem>>[vector<16xi32>], vector<16xf32>,
            %max3A_390 = arith.maximumf %gather3A_389, %mul3A_388 : vector<16xf32>
            tpu.vector_store_idx %arg11[%broadcast_in_dim3A_383], %max3A_390 : memref<10000xf32, #tpu.memory_space<vmem>>[vector<16xi32>], vector<16xf32>,
            %gather3A_391 = tpu.vector_load_idx %arg8[%broadcast_in_dim3A_380] : memref<10000xf32, #tpu.memory_space<vmem>>[vector<16xi32>], vector<16xf32>,
            %mul3A_392 = vector.broadcast %squeeze3A_385 : f32 to vector<16xf32>
            %mul3A_393 = arith.mulf %gather3A_391, %mul3A_392 : vector<16xf32>
            %gather3A_394 = tpu.vector_load_idx %arg12[%broadcast_in_dim3A_383] : memref<10000xf32, #tpu.memory_space<vmem>>[vector<16xi32>], vector<16xf32>,
            %max3A_395 = arith.maximumf %gather3A_394, %mul3A_393 : vector<16xf32>
            tpu.vector_store_idx %arg12[%broadcast_in_dim3A_383], %max3A_395 : memref<10000xf32, #tpu.memory_space<vmem>>[vector<16xi32>], vector<16xf32>,
            %gather3A_396 = tpu.vector_load_idx %arg9[%broadcast_in_dim3A_380] : memref<10000xf32, #tpu.memory_space<vmem>>[vector<16xi32>], vector<16xf32>,
            %mul3A_397 = vector.broadcast %squeeze3A_385 : f32 to vector<16xf32>
            %mul3A_398 = arith.mulf %gather3A_396, %mul3A_397 : vector<16xf32>
            %gather3A_399 = tpu.vector_load_idx %arg13[%broadcast_in_dim3A_383] : memref<10000xf32, #tpu.memory_space<vmem>>[vector<16xi32>], vector<16xf32>,
            %max3A_400 = arith.maximumf %gather3A_399, %mul3A_398 : vector<16xf32>
            tpu.vector_store_idx %arg13[%broadcast_in_dim3A_383], %max3A_400 : memref<10000xf32, #tpu.memory_space<vmem>>[vector<16xi32>], vector<16xf32>,
            %gather3A_401 = tpu.vector_load_idx %arg10[%broadcast_in_dim3A_380] : memref<10000xf32, #tpu.memory_space<vmem>>[vector<16xi32>], vector<16xf32>,
            %mul3A_402 = vector.broadcast %squeeze3A_385 : f32 to vector<16xf32>
            %mul3A_403 = arith.mulf %gather3A_401, %mul3A_402 : vector<16xf32>
            %gather3A_404 = tpu.vector_load_idx %arg14[%broadcast_in_dim3A_383] : memref<10000xf32, #tpu.memory_space<vmem>>[vector<16xi32>], vector<16xf32>,
            %max3A_405 = arith.maximumf %gather3A_404, %mul3A_403 : vector<16xf32>
            tpu.vector_store_idx %arg14[%broadcast_in_dim3A_383], %max3A_405 : memref<10000xf32, #tpu.memory_space<vmem>>[vector<16xi32>], vector<16xf32>,
            %slice3A_406 = vector.extract_strided_slice %get3A_126 {offsets = [10], sizes = [1], strides = [1]} : vector<16xi32> to vector<1xi32>
            %squeeze3A_407 = vector.extract %slice3A_406[0] : i32 from vector<1xi32>
            %broadcast_in_dim3A_408 = vector.broadcast %squeeze3A_407 : i32 to vector<16xi32>
            %slice3A_409 = vector.extract_strided_slice %get3A_128 {offsets = [10], sizes = [1], strides = [1]} : vector<16xi32> to vector<1xi32>
            %squeeze3A_410 = vector.extract %slice3A_409[0] : i32 from vector<1xi32>
            %broadcast_in_dim3A_411 = vector.broadcast %squeeze3A_410 : i32 to vector<16xi32>
            %slice3A_412 = vector.extract_strided_slice %get3A_130 {offsets = [10], sizes = [1], strides = [1]} : vector<16xf32> to vector<1xf32>
            %squeeze3A_413 = vector.extract %slice3A_412[0] : f32 from vector<1xf32>
            %gather3A_414 = tpu.vector_load_idx %arg7[%broadcast_in_dim3A_408] : memref<10000xf32, #tpu.memory_space<vmem>>[vector<16xi32>], vector<16xf32>,
            %mul3A_415 = vector.broadcast %squeeze3A_413 : f32 to vector<16xf32>
            %mul3A_416 = arith.mulf %gather3A_414, %mul3A_415 : vector<16xf32>
            %gather3A_417 = tpu.vector_load_idx %arg11[%broadcast_in_dim3A_411] : memref<10000xf32, #tpu.memory_space<vmem>>[vector<16xi32>], vector<16xf32>,
            %max3A_418 = arith.maximumf %gather3A_417, %mul3A_416 : vector<16xf32>
            tpu.vector_store_idx %arg11[%broadcast_in_dim3A_411], %max3A_418 : memref<10000xf32, #tpu.memory_space<vmem>>[vector<16xi32>], vector<16xf32>,
            %gather3A_419 = tpu.vector_load_idx %arg8[%broadcast_in_dim3A_408] : memref<10000xf32, #tpu.memory_space<vmem>>[vector<16xi32>], vector<16xf32>,
            %mul3A_420 = vector.broadcast %squeeze3A_413 : f32 to vector<16xf32>
            %mul3A_421 = arith.mulf %gather3A_419, %mul3A_420 : vector<16xf32>
            %gather3A_422 = tpu.vector_load_idx %arg12[%broadcast_in_dim3A_411] : memref<10000xf32, #tpu.memory_space<vmem>>[vector<16xi32>], vector<16xf32>,
            %max3A_423 = arith.maximumf %gather3A_422, %mul3A_421 : vector<16xf32>
            tpu.vector_store_idx %arg12[%broadcast_in_dim3A_411], %max3A_423 : memref<10000xf32, #tpu.memory_space<vmem>>[vector<16xi32>], vector<16xf32>,
            %gather3A_424 = tpu.vector_load_idx %arg9[%broadcast_in_dim3A_408] : memref<10000xf32, #tpu.memory_space<vmem>>[vector<16xi32>], vector<16xf32>,
            %mul3A_425 = vector.broadcast %squeeze3A_413 : f32 to vector<16xf32>
            %mul3A_426 = arith.mulf %gather3A_424, %mul3A_425 : vector<16xf32>
            %gather3A_427 = tpu.vector_load_idx %arg13[%broadcast_in_dim3A_411] : memref<10000xf32, #tpu.memory_space<vmem>>[vector<16xi32>], vector<16xf32>,
            %max3A_428 = arith.maximumf %gather3A_427, %mul3A_426 : vector<16xf32>
            tpu.vector_store_idx %arg13[%broadcast_in_dim3A_411], %max3A_428 : memref<10000xf32, #tpu.memory_space<vmem>>[vector<16xi32>], vector<16xf32>,
            %gather3A_429 = tpu.vector_load_idx %arg10[%broadcast_in_dim3A_408] : memref<10000xf32, #tpu.memory_space<vmem>>[vector<16xi32>], vector<16xf32>,
            %mul3A_430 = vector.broadcast %squeeze3A_413 : f32 to vector<16xf32>
            %mul3A_431 = arith.mulf %gather3A_429, %mul3A_430 : vector<16xf32>
            %gather3A_432 = tpu.vector_load_idx %arg14[%broadcast_in_dim3A_411] : memref<10000xf32, #tpu.memory_space<vmem>>[vector<16xi32>], vector<16xf32>,
            %max3A_433 = arith.maximumf %gather3A_432, %mul3A_431 : vector<16xf32>
            tpu.vector_store_idx %arg14[%broadcast_in_dim3A_411], %max3A_433 : memref<10000xf32, #tpu.memory_space<vmem>>[vector<16xi32>], vector<16xf32>,
            %slice3A_434 = vector.extract_strided_slice %get3A_126 {offsets = [11], sizes = [1], strides = [1]} : vector<16xi32> to vector<1xi32>
            %squeeze3A_435 = vector.extract %slice3A_434[0] : i32 from vector<1xi32>
            %broadcast_in_dim3A_436 = vector.broadcast %squeeze3A_435 : i32 to vector<16xi32>
            %slice3A_437 = vector.extract_strided_slice %get3A_128 {offsets = [11], sizes = [1], strides = [1]} : vector<16xi32> to vector<1xi32>
            %squeeze3A_438 = vector.extract %slice3A_437[0] : i32 from vector<1xi32>
            %broadcast_in_dim3A_439 = vector.broadcast %squeeze3A_438 : i32 to vector<16xi32>
            %slice3A_440 = vector.extract_strided_slice %get3A_130 {offsets = [11], sizes = [1], strides = [1]} : vector<16xf32> to vector<1xf32>
            %squeeze3A_441 = vector.extract %slice3A_440[0] : f32 from vector<1xf32>
            %gather3A_442 = tpu.vector_load_idx %arg7[%broadcast_in_dim3A_436] : memref<10000xf32, #tpu.memory_space<vmem>>[vector<16xi32>], vector<16xf32>,
            %mul3A_443 = vector.broadcast %squeeze3A_441 : f32 to vector<16xf32>
            %mul3A_444 = arith.mulf %gather3A_442, %mul3A_443 : vector<16xf32>
            %gather3A_445 = tpu.vector_load_idx %arg11[%broadcast_in_dim3A_439] : memref<10000xf32, #tpu.memory_space<vmem>>[vector<16xi32>], vector<16xf32>,
            %max3A_446 = arith.maximumf %gather3A_445, %mul3A_444 : vector<16xf32>
            tpu.vector_store_idx %arg11[%broadcast_in_dim3A_439], %max3A_446 : memref<10000xf32, #tpu.memory_space<vmem>>[vector<16xi32>], vector<16xf32>,
            %gather3A_447 = tpu.vector_load_idx %arg8[%broadcast_in_dim3A_436] : memref<10000xf32, #tpu.memory_space<vmem>>[vector<16xi32>], vector<16xf32>,
            %mul3A_448 = vector.broadcast %squeeze3A_441 : f32 to vector<16xf32>
            %mul3A_449 = arith.mulf %gather3A_447, %mul3A_448 : vector<16xf32>
            %gather3A_450 = tpu.vector_load_idx %arg12[%broadcast_in_dim3A_439] : memref<10000xf32, #tpu.memory_space<vmem>>[vector<16xi32>], vector<16xf32>,
            %max3A_451 = arith.maximumf %gather3A_450, %mul3A_449 : vector<16xf32>
            tpu.vector_store_idx %arg12[%broadcast_in_dim3A_439], %max3A_451 : memref<10000xf32, #tpu.memory_space<vmem>>[vector<16xi32>], vector<16xf32>,
            %gather3A_452 = tpu.vector_load_idx %arg9[%broadcast_in_dim3A_436] : memref<10000xf32, #tpu.memory_space<vmem>>[vector<16xi32>], vector<16xf32>,
            %mul3A_453 = vector.broadcast %squeeze3A_441 : f32 to vector<16xf32>
            %mul3A_454 = arith.mulf %gather3A_452, %mul3A_453 : vector<16xf32>
            %gather3A_455 = tpu.vector_load_idx %arg13[%broadcast_in_dim3A_439] : memref<10000xf32, #tpu.memory_space<vmem>>[vector<16xi32>], vector<16xf32>,
            %max3A_456 = arith.maximumf %gather3A_455, %mul3A_454 : vector<16xf32>
            tpu.vector_store_idx %arg13[%broadcast_in_dim3A_439], %max3A_456 : memref<10000xf32, #tpu.memory_space<vmem>>[vector<16xi32>], vector<16xf32>,
            %gather3A_457 = tpu.vector_load_idx %arg10[%broadcast_in_dim3A_436] : memref<10000xf32, #tpu.memory_space<vmem>>[vector<16xi32>], vector<16xf32>,
            %mul3A_458 = vector.broadcast %squeeze3A_441 : f32 to vector<16xf32>
            %mul3A_459 = arith.mulf %gather3A_457, %mul3A_458 : vector<16xf32>
            %gather3A_460 = tpu.vector_load_idx %arg14[%broadcast_in_dim3A_439] : memref<10000xf32, #tpu.memory_space<vmem>>[vector<16xi32>], vector<16xf32>,
            %max3A_461 = arith.maximumf %gather3A_460, %mul3A_459 : vector<16xf32>
            tpu.vector_store_idx %arg14[%broadcast_in_dim3A_439], %max3A_461 : memref<10000xf32, #tpu.memory_space<vmem>>[vector<16xi32>], vector<16xf32>,
            %slice3A_462 = vector.extract_strided_slice %get3A_126 {offsets = [12], sizes = [1], strides = [1]} : vector<16xi32> to vector<1xi32>
            %squeeze3A_463 = vector.extract %slice3A_462[0] : i32 from vector<1xi32>
            %broadcast_in_dim3A_464 = vector.broadcast %squeeze3A_463 : i32 to vector<16xi32>
            %slice3A_465 = vector.extract_strided_slice %get3A_128 {offsets = [12], sizes = [1], strides = [1]} : vector<16xi32> to vector<1xi32>
            %squeeze3A_466 = vector.extract %slice3A_465[0] : i32 from vector<1xi32>
            %broadcast_in_dim3A_467 = vector.broadcast %squeeze3A_466 : i32 to vector<16xi32>
            %slice3A_468 = vector.extract_strided_slice %get3A_130 {offsets = [12], sizes = [1], strides = [1]} : vector<16xf32> to vector<1xf32>
            %squeeze3A_469 = vector.extract %slice3A_468[0] : f32 from vector<1xf32>
            %gather3A_470 = tpu.vector_load_idx %arg7[%broadcast_in_dim3A_464] : memref<10000xf32, #tpu.memory_space<vmem>>[vector<16xi32>], vector<16xf32>,
            %mul3A_471 = vector.broadcast %squeeze3A_469 : f32 to vector<16xf32>
            %mul3A_472 = arith.mulf %gather3A_470, %mul3A_471 : vector<16xf32>
            %gather3A_473 = tpu.vector_load_idx %arg11[%broadcast_in_dim3A_467] : memref<10000xf32, #tpu.memory_space<vmem>>[vector<16xi32>], vector<16xf32>,
            %max3A_474 = arith.maximumf %gather3A_473, %mul3A_472 : vector<16xf32>
            tpu.vector_store_idx %arg11[%broadcast_in_dim3A_467], %max3A_474 : memref<10000xf32, #tpu.memory_space<vmem>>[vector<16xi32>], vector<16xf32>,
            %gather3A_475 = tpu.vector_load_idx %arg8[%broadcast_in_dim3A_464] : memref<10000xf32, #tpu.memory_space<vmem>>[vector<16xi32>], vector<16xf32>,
            %mul3A_476 = vector.broadcast %squeeze3A_469 : f32 to vector<16xf32>
            %mul3A_477 = arith.mulf %gather3A_475, %mul3A_476 : vector<16xf32>
            %gather3A_478 = tpu.vector_load_idx %arg12[%broadcast_in_dim3A_467] : memref<10000xf32, #tpu.memory_space<vmem>>[vector<16xi32>], vector<16xf32>,
            %max3A_479 = arith.maximumf %gather3A_478, %mul3A_477 : vector<16xf32>
            tpu.vector_store_idx %arg12[%broadcast_in_dim3A_467], %max3A_479 : memref<10000xf32, #tpu.memory_space<vmem>>[vector<16xi32>], vector<16xf32>,
            %gather3A_480 = tpu.vector_load_idx %arg9[%broadcast_in_dim3A_464] : memref<10000xf32, #tpu.memory_space<vmem>>[vector<16xi32>], vector<16xf32>,
            %mul3A_481 = vector.broadcast %squeeze3A_469 : f32 to vector<16xf32>
            %mul3A_482 = arith.mulf %gather3A_480, %mul3A_481 : vector<16xf32>
            %gather3A_483 = tpu.vector_load_idx %arg13[%broadcast_in_dim3A_467] : memref<10000xf32, #tpu.memory_space<vmem>>[vector<16xi32>], vector<16xf32>,
            %max3A_484 = arith.maximumf %gather3A_483, %mul3A_482 : vector<16xf32>
            tpu.vector_store_idx %arg13[%broadcast_in_dim3A_467], %max3A_484 : memref<10000xf32, #tpu.memory_space<vmem>>[vector<16xi32>], vector<16xf32>,
            %gather3A_485 = tpu.vector_load_idx %arg10[%broadcast_in_dim3A_464] : memref<10000xf32, #tpu.memory_space<vmem>>[vector<16xi32>], vector<16xf32>,
            %mul3A_486 = vector.broadcast %squeeze3A_469 : f32 to vector<16xf32>
            %mul3A_487 = arith.mulf %gather3A_485, %mul3A_486 : vector<16xf32>
            %gather3A_488 = tpu.vector_load_idx %arg14[%broadcast_in_dim3A_467] : memref<10000xf32, #tpu.memory_space<vmem>>[vector<16xi32>], vector<16xf32>,
            %max3A_489 = arith.maximumf %gather3A_488, %mul3A_487 : vector<16xf32>
            tpu.vector_store_idx %arg14[%broadcast_in_dim3A_467], %max3A_489 : memref<10000xf32, #tpu.memory_space<vmem>>[vector<16xi32>], vector<16xf32>,
            %slice3A_490 = vector.extract_strided_slice %get3A_126 {offsets = [13], sizes = [1], strides = [1]} : vector<16xi32> to vector<1xi32>
            %squeeze3A_491 = vector.extract %slice3A_490[0] : i32 from vector<1xi32>
            %broadcast_in_dim3A_492 = vector.broadcast %squeeze3A_491 : i32 to vector<16xi32>
            %slice3A_493 = vector.extract_strided_slice %get3A_128 {offsets = [13], sizes = [1], strides = [1]} : vector<16xi32> to vector<1xi32>
            %squeeze3A_494 = vector.extract %slice3A_493[0] : i32 from vector<1xi32>
            %broadcast_in_dim3A_495 = vector.broadcast %squeeze3A_494 : i32 to vector<16xi32>
            %slice3A_496 = vector.extract_strided_slice %get3A_130 {offsets = [13], sizes = [1], strides = [1]} : vector<16xf32> to vector<1xf32>
            %squeeze3A_497 = vector.extract %slice3A_496[0] : f32 from vector<1xf32>
            %gather3A_498 = tpu.vector_load_idx %arg7[%broadcast_in_dim3A_492] : memref<10000xf32, #tpu.memory_space<vmem>>[vector<16xi32>], vector<16xf32>,
            %mul3A_499 = vector.broadcast %squeeze3A_497 : f32 to vector<16xf32>
            %mul3A_500 = arith.mulf %gather3A_498, %mul3A_499 : vector<16xf32>
            %gather3A_501 = tpu.vector_load_idx %arg11[%broadcast_in_dim3A_495] : memref<10000xf32, #tpu.memory_space<vmem>>[vector<16xi32>], vector<16xf32>,
            %max3A_502 = arith.maximumf %gather3A_501, %mul3A_500 : vector<16xf32>
            tpu.vector_store_idx %arg11[%broadcast_in_dim3A_495], %max3A_502 : memref<10000xf32, #tpu.memory_space<vmem>>[vector<16xi32>], vector<16xf32>,
            %gather3A_503 = tpu.vector_load_idx %arg8[%broadcast_in_dim3A_492] : memref<10000xf32, #tpu.memory_space<vmem>>[vector<16xi32>], vector<16xf32>,
            %mul3A_504 = vector.broadcast %squeeze3A_497 : f32 to vector<16xf32>
            %mul3A_505 = arith.mulf %gather3A_503, %mul3A_504 : vector<16xf32>
            %gather3A_506 = tpu.vector_load_idx %arg12[%broadcast_in_dim3A_495] : memref<10000xf32, #tpu.memory_space<vmem>>[vector<16xi32>], vector<16xf32>,
            %max3A_507 = arith.maximumf %gather3A_506, %mul3A_505 : vector<16xf32>
            tpu.vector_store_idx %arg12[%broadcast_in_dim3A_495], %max3A_507 : memref<10000xf32, #tpu.memory_space<vmem>>[vector<16xi32>], vector<16xf32>,
            %gather3A_508 = tpu.vector_load_idx %arg9[%broadcast_in_dim3A_492] : memref<10000xf32, #tpu.memory_space<vmem>>[vector<16xi32>], vector<16xf32>,
            %mul3A_509 = vector.broadcast %squeeze3A_497 : f32 to vector<16xf32>
            %mul3A_510 = arith.mulf %gather3A_508, %mul3A_509 : vector<16xf32>
            %gather3A_511 = tpu.vector_load_idx %arg13[%broadcast_in_dim3A_495] : memref<10000xf32, #tpu.memory_space<vmem>>[vector<16xi32>], vector<16xf32>,
            %max3A_512 = arith.maximumf %gather3A_511, %mul3A_510 : vector<16xf32>
            tpu.vector_store_idx %arg13[%broadcast_in_dim3A_495], %max3A_512 : memref<10000xf32, #tpu.memory_space<vmem>>[vector<16xi32>], vector<16xf32>,
            %gather3A_513 = tpu.vector_load_idx %arg10[%broadcast_in_dim3A_492] : memref<10000xf32, #tpu.memory_space<vmem>>[vector<16xi32>], vector<16xf32>,
            %mul3A_514 = vector.broadcast %squeeze3A_497 : f32 to vector<16xf32>
            %mul3A_515 = arith.mulf %gather3A_513, %mul3A_514 : vector<16xf32>
            %gather3A_516 = tpu.vector_load_idx %arg14[%broadcast_in_dim3A_495] : memref<10000xf32, #tpu.memory_space<vmem>>[vector<16xi32>], vector<16xf32>,
            %max3A_517 = arith.maximumf %gather3A_516, %mul3A_515 : vector<16xf32>
            tpu.vector_store_idx %arg14[%broadcast_in_dim3A_495], %max3A_517 : memref<10000xf32, #tpu.memory_space<vmem>>[vector<16xi32>], vector<16xf32>,
            %slice3A_518 = vector.extract_strided_slice %get3A_126 {offsets = [14], sizes = [1], strides = [1]} : vector<16xi32> to vector<1xi32>
            %squeeze3A_519 = vector.extract %slice3A_518[0] : i32 from vector<1xi32>
            %broadcast_in_dim3A_520 = vector.broadcast %squeeze3A_519 : i32 to vector<16xi32>
            %slice3A_521 = vector.extract_strided_slice %get3A_128 {offsets = [14], sizes = [1], strides = [1]} : vector<16xi32> to vector<1xi32>
            %squeeze3A_522 = vector.extract %slice3A_521[0] : i32 from vector<1xi32>
            %broadcast_in_dim3A_523 = vector.broadcast %squeeze3A_522 : i32 to vector<16xi32>
            %slice3A_524 = vector.extract_strided_slice %get3A_130 {offsets = [14], sizes = [1], strides = [1]} : vector<16xf32> to vector<1xf32>
            %squeeze3A_525 = vector.extract %slice3A_524[0] : f32 from vector<1xf32>
            %gather3A_526 = tpu.vector_load_idx %arg7[%broadcast_in_dim3A_520] : memref<10000xf32, #tpu.memory_space<vmem>>[vector<16xi32>], vector<16xf32>,
            %mul3A_527 = vector.broadcast %squeeze3A_525 : f32 to vector<16xf32>
            %mul3A_528 = arith.mulf %gather3A_526, %mul3A_527 : vector<16xf32>
            %gather3A_529 = tpu.vector_load_idx %arg11[%broadcast_in_dim3A_523] : memref<10000xf32, #tpu.memory_space<vmem>>[vector<16xi32>], vector<16xf32>,
            %max3A_530 = arith.maximumf %gather3A_529, %mul3A_528 : vector<16xf32>
            tpu.vector_store_idx %arg11[%broadcast_in_dim3A_523], %max3A_530 : memref<10000xf32, #tpu.memory_space<vmem>>[vector<16xi32>], vector<16xf32>,
            %gather3A_531 = tpu.vector_load_idx %arg8[%broadcast_in_dim3A_520] : memref<10000xf32, #tpu.memory_space<vmem>>[vector<16xi32>], vector<16xf32>,
            %mul3A_532 = vector.broadcast %squeeze3A_525 : f32 to vector<16xf32>
            %mul3A_533 = arith.mulf %gather3A_531, %mul3A_532 : vector<16xf32>
            %gather3A_534 = tpu.vector_load_idx %arg12[%broadcast_in_dim3A_523] : memref<10000xf32, #tpu.memory_space<vmem>>[vector<16xi32>], vector<16xf32>,
            %max3A_535 = arith.maximumf %gather3A_534, %mul3A_533 : vector<16xf32>
            tpu.vector_store_idx %arg12[%broadcast_in_dim3A_523], %max3A_535 : memref<10000xf32, #tpu.memory_space<vmem>>[vector<16xi32>], vector<16xf32>,
            %gather3A_536 = tpu.vector_load_idx %arg9[%broadcast_in_dim3A_520] : memref<10000xf32, #tpu.memory_space<vmem>>[vector<16xi32>], vector<16xf32>,
            %mul3A_537 = vector.broadcast %squeeze3A_525 : f32 to vector<16xf32>
            %mul3A_538 = arith.mulf %gather3A_536, %mul3A_537 : vector<16xf32>
            %gather3A_539 = tpu.vector_load_idx %arg13[%broadcast_in_dim3A_523] : memref<10000xf32, #tpu.memory_space<vmem>>[vector<16xi32>], vector<16xf32>,
            %max3A_540 = arith.maximumf %gather3A_539, %mul3A_538 : vector<16xf32>
            tpu.vector_store_idx %arg13[%broadcast_in_dim3A_523], %max3A_540 : memref<10000xf32, #tpu.memory_space<vmem>>[vector<16xi32>], vector<16xf32>,
            %gather3A_541 = tpu.vector_load_idx %arg10[%broadcast_in_dim3A_520] : memref<10000xf32, #tpu.memory_space<vmem>>[vector<16xi32>], vector<16xf32>,
            %mul3A_542 = vector.broadcast %squeeze3A_525 : f32 to vector<16xf32>
            %mul3A_543 = arith.mulf %gather3A_541, %mul3A_542 : vector<16xf32>
            %gather3A_544 = tpu.vector_load_idx %arg14[%broadcast_in_dim3A_523] : memref<10000xf32, #tpu.memory_space<vmem>>[vector<16xi32>], vector<16xf32>,
            %max3A_545 = arith.maximumf %gather3A_544, %mul3A_543 : vector<16xf32>
            tpu.vector_store_idx %arg14[%broadcast_in_dim3A_523], %max3A_545 : memref<10000xf32, #tpu.memory_space<vmem>>[vector<16xi32>], vector<16xf32>,
            %slice3A_546 = vector.extract_strided_slice %get3A_126 {offsets = [15], sizes = [1], strides = [1]} : vector<16xi32> to vector<1xi32>
            %squeeze3A_547 = vector.extract %slice3A_546[0] : i32 from vector<1xi32>
            %broadcast_in_dim3A_548 = vector.broadcast %squeeze3A_547 : i32 to vector<16xi32>
            %slice3A_549 = vector.extract_strided_slice %get3A_128 {offsets = [15], sizes = [1], strides = [1]} : vector<16xi32> to vector<1xi32>
            %squeeze3A_550 = vector.extract %slice3A_549[0] : i32 from vector<1xi32>
            %broadcast_in_dim3A_551 = vector.broadcast %squeeze3A_550 : i32 to vector<16xi32>
            %slice3A_552 = vector.extract_strided_slice %get3A_130 {offsets = [15], sizes = [1], strides = [1]} : vector<16xf32> to vector<1xf32>
            %squeeze3A_553 = vector.extract %slice3A_552[0] : f32 from vector<1xf32>
            %gather3A_554 = tpu.vector_load_idx %arg7[%broadcast_in_dim3A_548] : memref<10000xf32, #tpu.memory_space<vmem>>[vector<16xi32>], vector<16xf32>,
            %mul3A_555 = vector.broadcast %squeeze3A_553 : f32 to vector<16xf32>
            %mul3A_556 = arith.mulf %gather3A_554, %mul3A_555 : vector<16xf32>
            %gather3A_557 = tpu.vector_load_idx %arg11[%broadcast_in_dim3A_551] : memref<10000xf32, #tpu.memory_space<vmem>>[vector<16xi32>], vector<16xf32>,
            %max3A_558 = arith.maximumf %gather3A_557, %mul3A_556 : vector<16xf32>
            tpu.vector_store_idx %arg11[%broadcast_in_dim3A_551], %max3A_558 : memref<10000xf32, #tpu.memory_space<vmem>>[vector<16xi32>], vector<16xf32>,
            %gather3A_559 = tpu.vector_load_idx %arg8[%broadcast_in_dim3A_548] : memref<10000xf32, #tpu.memory_space<vmem>>[vector<16xi32>], vector<16xf32>,
            %mul3A_560 = vector.broadcast %squeeze3A_553 : f32 to vector<16xf32>
            %mul3A_561 = arith.mulf %gather3A_559, %mul3A_560 : vector<16xf32>
            %gather3A_562 = tpu.vector_load_idx %arg12[%broadcast_in_dim3A_551] : memref<10000xf32, #tpu.memory_space<vmem>>[vector<16xi32>], vector<16xf32>,
            %max3A_563 = arith.maximumf %gather3A_562, %mul3A_561 : vector<16xf32>
            tpu.vector_store_idx %arg12[%broadcast_in_dim3A_551], %max3A_563 : memref<10000xf32, #tpu.memory_space<vmem>>[vector<16xi32>], vector<16xf32>,
            %gather3A_564 = tpu.vector_load_idx %arg9[%broadcast_in_dim3A_548] : memref<10000xf32, #tpu.memory_space<vmem>>[vector<16xi32>], vector<16xf32>,
            %mul3A_565 = vector.broadcast %squeeze3A_553 : f32 to vector<16xf32>
            %mul3A_566 = arith.mulf %gather3A_564, %mul3A_565 : vector<16xf32>
            %gather3A_567 = tpu.vector_load_idx %arg13[%broadcast_in_dim3A_551] : memref<10000xf32, #tpu.memory_space<vmem>>[vector<16xi32>], vector<16xf32>,
            %max3A_568 = arith.maximumf %gather3A_567, %mul3A_566 : vector<16xf32>
            tpu.vector_store_idx %arg13[%broadcast_in_dim3A_551], %max3A_568 : memref<10000xf32, #tpu.memory_space<vmem>>[vector<16xi32>], vector<16xf32>,
            %gather3A_569 = tpu.vector_load_idx %arg10[%broadcast_in_dim3A_548] : memref<10000xf32, #tpu.memory_space<vmem>>[vector<16xi32>], vector<16xf32>,
            %mul3A_570 = vector.broadcast %squeeze3A_553 : f32 to vector<16xf32>
            %mul3A_571 = arith.mulf %gather3A_569, %mul3A_570 : vector<16xf32>
            %gather3A_572 = tpu.vector_load_idx %arg14[%broadcast_in_dim3A_551] : memref<10000xf32, #tpu.memory_space<vmem>>[vector<16xi32>], vector<16xf32>,
            %max3A_573 = arith.maximumf %gather3A_572, %mul3A_571 : vector<16xf32>
            tpu.vector_store_idx %arg14[%broadcast_in_dim3A_551], %max3A_573 : memref<10000xf32, #tpu.memory_space<vmem>>[vector<16xi32>], vector<16xf32>,
            %while3A_574 = arith.constant 0 : i32
            scf.yield %while3A_574 : i32
          }
        } else {
        }
        %scan3A_104 = arith.constant 0 : i32
        scf.yield %scan3A_104 : i32
      }
      %scan3A_81 = arith.constant 20 : i32
      %scan3A_82 = arith.constant 0 : i32
      scf.yield %scan3A_82 : i32
    }
    %scan3A_44 = arith.constant 125 : i32
    %scan3A_45 = arith.constant 0xFF800000 : f32
    %scan3A_46 = arith.constant 0 : i32
    %scan3A_47 = arith.constant 0 : i32
    %scan3A_48 = arith.constant 625 : i32
    %scan3A_49 = arith.addi %scan3A_47, %scan3A_48 : i32
    %scan3A_50 = arith.constant 1 : i32
    %scan3A_51 = scf.for %scan3A_61 = %scan3A_47 to %scan3A_49 step %scan3A_50 iter_args(%scan3A_62 = %scan3A_46) -> (i32)  : i32 {
      %mul3A_63 = arith.constant 16 : i32
      %mul3A_64 = arith.muli %scan3A_61, %mul3A_63 : i32
      %get3A = arith.index_cast %mul3A_64 : i32 to index
      %get3A_65 = tpu.vector_load %arg11[%get3A] {strides = array<i32>} : memref<10000xf32, #tpu.memory_space<vmem>>, vector<16xf32>,
      %eq3A_66 = vector.broadcast %scan3A_45 : f32 to vector<16xf32>
      %eq3A_67 = arith.cmpf oeq, %get3A_65, %eq3A_66 : vector<16xf32>
      %jit3A_68 = arith.constant 0.000000e+00 : f32
      %broadcast_in_dim3A = vector.broadcast %jit3A_68 : f32 to vector<16xf32>
      %select_n3A_69 = arith.select %eq3A_67, %broadcast_in_dim3A, %get3A_65 : vector<16xi1>, vector<16xf32>
      %mul3A_70 = arith.constant 16 : i32
      %mul3A_71 = arith.muli %scan3A_61, %mul3A_70 : i32
      %swap3A = arith.index_cast %mul3A_71 : i32 to index
      %swap3A_72 = tpu.vector_load %arg11[%swap3A] {strides = array<i32>} : memref<10000xf32, #tpu.memory_space<vmem>>, vector<16xf32>,
      tpu.vector_store %arg11[%swap3A], %select_n3A_69 {strides = array<i32>} : memref<10000xf32, #tpu.memory_space<vmem>>, vector<16xf32>,
      %mul3A_73 = arith.constant 16 : i32
      %mul3A_74 = arith.muli %scan3A_61, %mul3A_73 : i32
      %get3A_75 = arith.index_cast %mul3A_74 : i32 to index
      %get3A_76 = tpu.vector_load %arg12[%get3A_75] {strides = array<i32>} : memref<10000xf32, #tpu.memory_space<vmem>>, vector<16xf32>,
      %eq3A_77 = vector.broadcast %scan3A_45 : f32 to vector<16xf32>
      %eq3A_78 = arith.cmpf oeq, %get3A_76, %eq3A_77 : vector<16xf32>
      %jit3A_79 = arith.constant 0.000000e+00 : f32
      %broadcast_in_dim3A_80 = vector.broadcast %jit3A_79 : f32 to vector<16xf32>
      %select_n3A_81 = arith.select %eq3A_78, %broadcast_in_dim3A_80, %get3A_76 : vector<16xi1>, vector<16xf32>
      %mul3A_82 = arith.constant 16 : i32
      %mul3A_83 = arith.muli %scan3A_61, %mul3A_82 : i32
      %swap3A_84 = arith.index_cast %mul3A_83 : i32 to index
      %swap3A_85 = tpu.vector_load %arg12[%swap3A_84] {strides = array<i32>} : memref<10000xf32, #tpu.memory_space<vmem>>, vector<16xf32>,
      tpu.vector_store %arg12[%swap3A_84], %select_n3A_81 {strides = array<i32>} : memref<10000xf32, #tpu.memory_space<vmem>>, vector<16xf32>,
      %mul3A_86 = arith.constant 16 : i32
      %mul3A_87 = arith.muli %scan3A_61, %mul3A_86 : i32
      %get3A_88 = arith.index_cast %mul3A_87 : i32 to index
      %get3A_89 = tpu.vector_load %arg13[%get3A_88] {strides = array<i32>} : memref<10000xf32, #tpu.memory_space<vmem>>, vector<16xf32>,
      %eq3A_90 = vector.broadcast %scan3A_45 : f32 to vector<16xf32>
      %eq3A_91 = arith.cmpf oeq, %get3A_89, %eq3A_90 : vector<16xf32>
      %jit3A_92 = arith.constant 0.000000e+00 : f32
      %broadcast_in_dim3A_93 = vector.broadcast %jit3A_92 : f32 to vector<16xf32>
      %select_n3A_94 = arith.select %eq3A_91, %broadcast_in_dim3A_93, %get3A_89 : vector<16xi1>, vector<16xf32>
      %mul3A_95 = arith.constant 16 : i32
      %mul3A_96 = arith.muli %scan3A_61, %mul3A_95 : i32
      %swap3A_97 = arith.index_cast %mul3A_96 : i32 to index
      %swap3A_98 = tpu.vector_load %arg13[%swap3A_97] {strides = array<i32>} : memref<10000xf32, #tpu.memory_space<vmem>>, vector<16xf32>,
      tpu.vector_store %arg13[%swap3A_97], %select_n3A_94 {strides = array<i32>} : memref<10000xf32, #tpu.memory_space<vmem>>, vector<16xf32>,
      %mul3A_99 = arith.constant 16 : i32
      %mul3A_100 = arith.muli %scan3A_61, %mul3A_99 : i32
      %get3A_101 = arith.index_cast %mul3A_100 : i32 to index
      %get3A_102 = tpu.vector_load %arg14[%get3A_101] {strides = array<i32>} : memref<10000xf32, #tpu.memory_space<vmem>>, vector<16xf32>,
      %eq3A_103 = vector.broadcast %scan3A_45 : f32 to vector<16xf32>
      %eq3A_104 = arith.cmpf oeq, %get3A_102, %eq3A_103 : vector<16xf32>
      %jit3A_105 = arith.constant 0.000000e+00 : f32
      %broadcast_in_dim3A_106 = vector.broadcast %jit3A_105 : f32 to vector<16xf32>
      %select_n3A_107 = arith.select %eq3A_104, %broadcast_in_dim3A_106, %get3A_102 : vector<16xi1>, vector<16xf32>
      %mul3A_108 = arith.constant 16 : i32
      %mul3A_109 = arith.muli %scan3A_61, %mul3A_108 : i32
      %swap3A_110 = arith.index_cast %mul3A_109 : i32 to index
      %swap3A_111 = tpu.vector_load %arg14[%swap3A_110] {strides = array<i32>} : memref<10000xf32, #tpu.memory_space<vmem>>, vector<16xf32>,
      tpu.vector_store %arg14[%swap3A_110], %select_n3A_107 {strides = array<i32>} : memref<10000xf32, #tpu.memory_space<vmem>>, vector<16xf32>,
      %scan3A_112 = arith.constant 0 : i32
      scf.yield %scan3A_112 : i32
    }
    %scan3A_52 = arith.constant 625 : i32
    %add3A_53 = arith.constant 0 : i32
    %add3A_54 = arith.addi %mul3A_2, %add3A_53 : i32
    "tpu.region"() ({
      %run_scoped3A = tpu.sem_alloc : memref<!tpu.dma_semaphore, #tpu.memory_space<semaphore_mem>>
      %dma_start3A = arith.constant 0 : i32
      %dma_start3A_61 = tpu.memref_slice %arg6[%add3A_54, %dma_start3A] : memref<128x10000xf32, #tpu.memory_space<hbm>> -> memref<1x10000xf32, #tpu.memory_space<hbm>>
      %dma_start3A_62 = tpu.memref_squeeze %dma_start3A_61 : memref<1x10000xf32, #tpu.memory_space<hbm>> -> memref<10000xf32, #tpu.memory_space<hbm>>
      %dma_start3A_63 = arith.constant 0 : i32
      %dma_start3A_64 = tpu.memref_slice %arg6[%add3A_54, %dma_start3A_63] : memref<128x10000xf32, #tpu.memory_space<hbm>> -> memref<1x10000xf32, #tpu.memory_space<hbm>>
      %dma_start3A_65 = tpu.memref_squeeze %dma_start3A_64 : memref<1x10000xf32, #tpu.memory_space<hbm>> -> memref<10000xf32, #tpu.memory_space<hbm>>
      tpu.enqueue_dma source(%arg11 : memref<10000xf32, #tpu.memory_space<vmem>>) target(%dma_start3A_65 : memref<10000xf32, #tpu.memory_space<hbm>>) target_semaphore(%run_scoped3A : memref<!tpu.dma_semaphore, #tpu.memory_space<semaphore_mem>>)
      %dma_wait3A = arith.constant 0 : i32
      %dma_wait3A_66 = tpu.memref_slice %arg6[%add3A_54, %dma_wait3A] : memref<128x10000xf32, #tpu.memory_space<hbm>> -> memref<1x10000xf32, #tpu.memory_space<hbm>>
      %dma_wait3A_67 = tpu.memref_squeeze %dma_wait3A_66 : memref<1x10000xf32, #tpu.memory_space<hbm>> -> memref<10000xf32, #tpu.memory_space<hbm>>
      %dma_wait3A_68 = arith.constant 0 : i32
      %dma_wait3A_69 = tpu.memref_slice %arg6[%add3A_54, %dma_wait3A_68] : memref<128x10000xf32, #tpu.memory_space<hbm>> -> memref<1x10000xf32, #tpu.memory_space<hbm>>
      %dma_wait3A_70 = tpu.memref_squeeze %dma_wait3A_69 : memref<1x10000xf32, #tpu.memory_space<hbm>> -> memref<10000xf32, #tpu.memory_space<hbm>>
      tpu.wait_dma2 semaphore(%run_scoped3A : memref<!tpu.dma_semaphore, #tpu.memory_space<semaphore_mem>>) src(%arg11 : memref<10000xf32, #tpu.memory_space<vmem>>) dst(%dma_wait3A_70 : memref<10000xf32, #tpu.memory_space<hbm>>)
      tpu.yield
    }) : () -> ()
    %add3A_55 = arith.constant 1 : i32
    %add3A_56 = arith.addi %mul3A_2, %add3A_55 : i32
    "tpu.region"() ({
      %run_scoped3A = tpu.sem_alloc : memref<!tpu.dma_semaphore, #tpu.memory_space<semaphore_mem>>
      %dma_start3A = arith.constant 0 : i32
      %dma_start3A_61 = tpu.memref_slice %arg6[%add3A_56, %dma_start3A] : memref<128x10000xf32, #tpu.memory_space<hbm>> -> memref<1x10000xf32, #tpu.memory_space<hbm>>
      %dma_start3A_62 = tpu.memref_squeeze %dma_start3A_61 : memref<1x10000xf32, #tpu.memory_space<hbm>> -> memref<10000xf32, #tpu.memory_space<hbm>>
      %dma_start3A_63 = arith.constant 0 : i32
      %dma_start3A_64 = tpu.memref_slice %arg6[%add3A_56, %dma_start3A_63] : memref<128x10000xf32, #tpu.memory_space<hbm>> -> memref<1x10000xf32, #tpu.memory_space<hbm>>
      %dma_start3A_65 = tpu.memref_squeeze %dma_start3A_64 : memref<1x10000xf32, #tpu.memory_space<hbm>> -> memref<10000xf32, #tpu.memory_space<hbm>>
      tpu.enqueue_dma source(%arg12 : memref<10000xf32, #tpu.memory_space<vmem>>) target(%dma_start3A_65 : memref<10000xf32, #tpu.memory_space<hbm>>) target_semaphore(%run_scoped3A : memref<!tpu.dma_semaphore, #tpu.memory_space<semaphore_mem>>)
      %dma_wait3A = arith.constant 0 : i32
      %dma_wait3A_66 = tpu.memref_slice %arg6[%add3A_56, %dma_wait3A] : memref<128x10000xf32, #tpu.memory_space<hbm>> -> memref<1x10000xf32, #tpu.memory_space<hbm>>
      %dma_wait3A_67 = tpu.memref_squeeze %dma_wait3A_66 : memref<1x10000xf32, #tpu.memory_space<hbm>> -> memref<10000xf32, #tpu.memory_space<hbm>>
      %dma_wait3A_68 = arith.constant 0 : i32
      %dma_wait3A_69 = tpu.memref_slice %arg6[%add3A_56, %dma_wait3A_68] : memref<128x10000xf32, #tpu.memory_space<hbm>> -> memref<1x10000xf32, #tpu.memory_space<hbm>>
      %dma_wait3A_70 = tpu.memref_squeeze %dma_wait3A_69 : memref<1x10000xf32, #tpu.memory_space<hbm>> -> memref<10000xf32, #tpu.memory_space<hbm>>
      tpu.wait_dma2 semaphore(%run_scoped3A : memref<!tpu.dma_semaphore, #tpu.memory_space<semaphore_mem>>) src(%arg12 : memref<10000xf32, #tpu.memory_space<vmem>>) dst(%dma_wait3A_70 : memref<10000xf32, #tpu.memory_space<hbm>>)
      tpu.yield
    }) : () -> ()
    %add3A_57 = arith.constant 2 : i32
    %add3A_58 = arith.addi %mul3A_2, %add3A_57 : i32
    "tpu.region"() ({
      %run_scoped3A = tpu.sem_alloc : memref<!tpu.dma_semaphore, #tpu.memory_space<semaphore_mem>>
      %dma_start3A = arith.constant 0 : i32
      %dma_start3A_61 = tpu.memref_slice %arg6[%add3A_58, %dma_start3A] : memref<128x10000xf32, #tpu.memory_space<hbm>> -> memref<1x10000xf32, #tpu.memory_space<hbm>>
      %dma_start3A_62 = tpu.memref_squeeze %dma_start3A_61 : memref<1x10000xf32, #tpu.memory_space<hbm>> -> memref<10000xf32, #tpu.memory_space<hbm>>
      %dma_start3A_63 = arith.constant 0 : i32
      %dma_start3A_64 = tpu.memref_slice %arg6[%add3A_58, %dma_start3A_63] : memref<128x10000xf32, #tpu.memory_space<hbm>> -> memref<1x10000xf32, #tpu.memory_space<hbm>>
      %dma_start3A_65 = tpu.memref_squeeze %dma_start3A_64 : memref<1x10000xf32, #tpu.memory_space<hbm>> -> memref<10000xf32, #tpu.memory_space<hbm>>
      tpu.enqueue_dma source(%arg13 : memref<10000xf32, #tpu.memory_space<vmem>>) target(%dma_start3A_65 : memref<10000xf32, #tpu.memory_space<hbm>>) target_semaphore(%run_scoped3A : memref<!tpu.dma_semaphore, #tpu.memory_space<semaphore_mem>>)
      %dma_wait3A = arith.constant 0 : i32
      %dma_wait3A_66 = tpu.memref_slice %arg6[%add3A_58, %dma_wait3A] : memref<128x10000xf32, #tpu.memory_space<hbm>> -> memref<1x10000xf32, #tpu.memory_space<hbm>>
      %dma_wait3A_67 = tpu.memref_squeeze %dma_wait3A_66 : memref<1x10000xf32, #tpu.memory_space<hbm>> -> memref<10000xf32, #tpu.memory_space<hbm>>
      %dma_wait3A_68 = arith.constant 0 : i32
      %dma_wait3A_69 = tpu.memref_slice %arg6[%add3A_58, %dma_wait3A_68] : memref<128x10000xf32, #tpu.memory_space<hbm>> -> memref<1x10000xf32, #tpu.memory_space<hbm>>
      %dma_wait3A_70 = tpu.memref_squeeze %dma_wait3A_69 : memref<1x10000xf32, #tpu.memory_space<hbm>> -> memref<10000xf32, #tpu.memory_space<hbm>>
      tpu.wait_dma2 semaphore(%run_scoped3A : memref<!tpu.dma_semaphore, #tpu.memory_space<semaphore_mem>>) src(%arg13 : memref<10000xf32, #tpu.memory_space<vmem>>) dst(%dma_wait3A_70 : memref<10000xf32, #tpu.memory_space<hbm>>)
      tpu.yield
    }) : () -> ()
    %add3A_59 = arith.constant 3 : i32
    %add3A_60 = arith.addi %mul3A_2, %add3A_59 : i32
    "tpu.region"() ({
      %run_scoped3A = tpu.sem_alloc : memref<!tpu.dma_semaphore, #tpu.memory_space<semaphore_mem>>
      %dma_start3A = arith.constant 0 : i32
      %dma_start3A_61 = tpu.memref_slice %arg6[%add3A_60, %dma_start3A] : memref<128x10000xf32, #tpu.memory_space<hbm>> -> memref<1x10000xf32, #tpu.memory_space<hbm>>
      %dma_start3A_62 = tpu.memref_squeeze %dma_start3A_61 : memref<1x10000xf32, #tpu.memory_space<hbm>> -> memref<10000xf32, #tpu.memory_space<hbm>>
      %dma_start3A_63 = arith.constant 0 : i32
      %dma_start3A_64 = tpu.memref_slice %arg6[%add3A_60, %dma_start3A_63] : memref<128x10000xf32, #tpu.memory_space<hbm>> -> memref<1x10000xf32, #tpu.memory_space<hbm>>
      %dma_start3A_65 = tpu.memref_squeeze %dma_start3A_64 : memref<1x10000xf32, #tpu.memory_space<hbm>> -> memref<10000xf32, #tpu.memory_space<hbm>>
      tpu.enqueue_dma source(%arg14 : memref<10000xf32, #tpu.memory_space<vmem>>) target(%dma_start3A_65 : memref<10000xf32, #tpu.memory_space<hbm>>) target_semaphore(%run_scoped3A : memref<!tpu.dma_semaphore, #tpu.memory_space<semaphore_mem>>)
      %dma_wait3A = arith.constant 0 : i32
      %dma_wait3A_66 = tpu.memref_slice %arg6[%add3A_60, %dma_wait3A] : memref<128x10000xf32, #tpu.memory_space<hbm>> -> memref<1x10000xf32, #tpu.memory_space<hbm>>
      %dma_wait3A_67 = tpu.memref_squeeze %dma_wait3A_66 : memref<1x10000xf32, #tpu.memory_space<hbm>> -> memref<10000xf32, #tpu.memory_space<hbm>>
      %dma_wait3A_68 = arith.constant 0 : i32
      %dma_wait3A_69 = tpu.memref_slice %arg6[%add3A_60, %dma_wait3A_68] : memref<128x10000xf32, #tpu.memory_space<hbm>> -> memref<1x10000xf32, #tpu.memory_space<hbm>>
      %dma_wait3A_70 = tpu.memref_squeeze %dma_wait3A_69 : memref<1x10000xf32, #tpu.memory_space<hbm>> -> memref<10000xf32, #tpu.memory_space<hbm>>
      tpu.wait_dma2 semaphore(%run_scoped3A : memref<!tpu.dma_semaphore, #tpu.memory_space<semaphore_mem>>) src(%arg14 : memref<10000xf32, #tpu.memory_space<vmem>>) dst(%dma_wait3A_70 : memref<10000xf32, #tpu.memory_space<hbm>>)
      tpu.yield
    }) : () -> ()
    return
  }
}

module attributes {stable_mosaic.version = 14 : i64} {
  func.func @body(%arg0: memref<10000x128xf32, #tpu.memory_space<vmem>>, %arg1: memref<128x128xf32, #tpu.memory_space<vmem>>, %arg2: memref<128x1xf32, #tpu.memory_space<vmem>>, %arg3: memref<128x128xf32, #tpu.memory_space<vmem>>, %arg4: memref<1x128xf32, #tpu.memory_space<vmem>>, %arg5: memref<128x10000xf32, #tpu.memory_space<vmem>>, %arg6: memref<10000x128xf32, #tpu.memory_space<vmem>>) attributes {dimension_semantics = [], scalar_prefetch = 0 : i64, scratch_operands = 0 : i64, tpu.core_type = #tpu.core_type<tc>} {
    %get3A = arith.constant 0 : index
    %get3A_0 = arith.constant 0 : index
    %get3A_1 = vector.load %arg0[%get3A, %get3A_0] : memref<10000x128xf32, #tpu.memory_space<vmem>>, vector<10000x128xf32>
    %get3A_2 = arith.constant 0 : index
    %get3A_3 = arith.constant 0 : index
    %get3A_4 = vector.load %arg1[%get3A_2, %get3A_3] : memref<128x128xf32, #tpu.memory_space<vmem>>, vector<128x128xf32>
    %dot_general3A = arith.constant dense<0.000000e+00> : vector<128x10000xf32>
    %dot_general3A_5 = tpu.matmul %get3A_4, %get3A_1, %dot_general3A {dimension_numbers = #tpu.dot_dimension_numbers<[1], [1], [0], [0], [0, 0, 1, 0], [], []>, transpose_lhs_hint = false} : vector<128x128xf32>, vector<10000x128xf32>, vector<128x10000xf32> -> vector<128x10000xf32>
    %get3A_6 = arith.constant 0 : index
    %get3A_7 = arith.constant 0 : index
    %get3A_8 = vector.load %arg2[%get3A_6, %get3A_7] : memref<128x1xf32, #tpu.memory_space<vmem>>, vector<128x1xf32>
    %add3A = vector.broadcast %get3A_8 : vector<128x1xf32> to vector<128x10000xf32>
    %add3A_9 = arith.addf %dot_general3A_5, %add3A : vector<128x10000xf32>
    %max3A = arith.constant 0.000000e+00 : f32
    %max3A_10 = vector.broadcast %max3A : f32 to vector<128x10000xf32>
    %max3A_11 = arith.maximumf %add3A_9, %max3A_10 : vector<128x10000xf32>
    %swap3A = arith.constant 0 : index
    %swap3A_12 = arith.constant 0 : index
    %swap3A_13 = vector.load %arg5[%swap3A, %swap3A_12] : memref<128x10000xf32, #tpu.memory_space<vmem>>, vector<128x10000xf32>
    tpu.vector_store %arg5[%swap3A, %swap3A_12], %max3A_11 {strides = array<i32>} : memref<128x10000xf32, #tpu.memory_space<vmem>>, vector<128x10000xf32>,
    %get3A_14 = arith.constant 0 : index
    %get3A_15 = arith.constant 0 : index
    %get3A_16 = vector.load %arg3[%get3A_14, %get3A_15] : memref<128x128xf32, #tpu.memory_space<vmem>>, vector<128x128xf32>
    %dot_general3A_17 = arith.constant dense<0.000000e+00> : vector<10000x128xf32>
    %dot_general3A_18 = tpu.matmul %get3A_1, %get3A_16, %dot_general3A_17 {dimension_numbers = #tpu.dot_dimension_numbers<[1], [0], [0], [1], [0, 0, 1, 1], [], []>, transpose_lhs_hint = false} : vector<10000x128xf32>, vector<128x128xf32>, vector<10000x128xf32> -> vector<10000x128xf32>
    %get3A_19 = arith.constant 0 : index
    %get3A_20 = arith.constant 0 : index
    %get3A_21 = vector.load %arg4[%get3A_19, %get3A_20] : memref<1x128xf32, #tpu.memory_space<vmem>>, vector<1x128xf32>
    %add3A_22 = vector.broadcast %get3A_21 : vector<1x128xf32> to vector<10000x128xf32>
    %add3A_23 = arith.addf %dot_general3A_18, %add3A_22 : vector<10000x128xf32>
    %swap3A_24 = arith.constant 0 : index
    %swap3A_25 = arith.constant 0 : index
    %swap3A_26 = vector.load %arg6[%swap3A_24, %swap3A_25] : memref<10000x128xf32, #tpu.memory_space<vmem>>, vector<10000x128xf32>
    tpu.vector_store %arg6[%swap3A_24, %swap3A_25], %add3A_23 {strides = array<i32>} : memref<10000x128xf32, #tpu.memory_space<vmem>>, vector<10000x128xf32>,
    return
  }
}

module attributes {stable_mosaic.version = 14 : i64} {
  func.func @body(%arg0: memref<10000x128xf32, #tpu.memory_space<vmem>>, %arg1: memref<128x10000xf32, #tpu.memory_space<vmem>>, %arg2: memref<128x128xf32, #tpu.memory_space<vmem>>, %arg3: memref<1x128xf32, #tpu.memory_space<vmem>>, %arg4: memref<10000x128xf32, #tpu.memory_space<vmem>>) attributes {dimension_semantics = [], scalar_prefetch = 0 : i64, scratch_operands = 0 : i64, tpu.core_type = #tpu.core_type<tc>} {
    %get3A = arith.constant 0 : index
    %get3A_0 = arith.constant 0 : index
    %get3A_1 = vector.load %arg1[%get3A, %get3A_0] : memref<128x10000xf32, #tpu.memory_space<vmem>>, vector<128x10000xf32>
    %get3A_2 = arith.constant 0 : index
    %get3A_3 = arith.constant 0 : index
    %get3A_4 = vector.load %arg2[%get3A_2, %get3A_3] : memref<128x128xf32, #tpu.memory_space<vmem>>, vector<128x128xf32>
    %dot_general3A = arith.constant dense<0.000000e+00> : vector<10000x128xf32>
    %dot_general3A_5 = tpu.matmul %get3A_1, %get3A_4, %dot_general3A {dimension_numbers = #tpu.dot_dimension_numbers<[0], [1], [1], [0], [0, 1, 1, 0], [], []>, transpose_lhs_hint = false} : vector<128x10000xf32>, vector<128x128xf32>, vector<10000x128xf32> -> vector<10000x128xf32>
    %get3A_6 = arith.constant 0 : index
    %get3A_7 = arith.constant 0 : index
    %get3A_8 = vector.load %arg0[%get3A_6, %get3A_7] : memref<10000x128xf32, #tpu.memory_space<vmem>>, vector<10000x128xf32>
    %add3A = arith.addf %get3A_8, %dot_general3A_5 : vector<10000x128xf32>
    %get3A_9 = arith.constant 0 : index
    %get3A_10 = arith.constant 0 : index
    %get3A_11 = vector.load %arg3[%get3A_9, %get3A_10] : memref<1x128xf32, #tpu.memory_space<vmem>>, vector<1x128xf32>
    %add3A_12 = vector.broadcast %get3A_11 : vector<1x128xf32> to vector<10000x128xf32>
    %add3A_13 = arith.addf %add3A, %add3A_12 : vector<10000x128xf32>
    %swap3A = arith.constant 0 : index
    %swap3A_14 = arith.constant 0 : index
    %swap3A_15 = vector.load %arg4[%swap3A, %swap3A_14] : memref<10000x128xf32, #tpu.memory_space<vmem>>, vector<10000x128xf32>
    tpu.vector_store %arg4[%swap3A, %swap3A_14], %add3A_13 {strides = array<i32>} : memref<10000x128xf32, #tpu.memory_space<vmem>>, vector<10000x128xf32>,
    return
  }
}

</mosaic_0001>

<sc_bundles>
// kernel: kernel.5.cloned.1.call-start
scs
__scs_entry_jumppad:
0x0: {  	(pc) =	sbr.rel $0x88, $3  }
0x1: {  	(tag) =	ssettag $0x0;
	lr =	simm.s32 $0x1  }
0x2: {  	[smem:$0x3F98] =	sst lr;
	_ =	strace $0xD0000000  }
0x3: {  	_ = 	snop  }
0x4: {  	_ = 	snop  }
0x5: {  	_ = 	snop  }
0x6: {  	_ = 	snop  }
0x7: {  	_ = 	snop  }
__scs_overlays_trampoline_lowered:
0x8: {  	[smem:$0x3FA7] =	sst s0  }
0x9: {  	[smem:$0x3FA8] =	sst s1  }
0xa: {  	[smem:$0x3FA9] =	sst s2  }
0xb: {  	[smem:$0x3FAA] =	sst s3  }
0xc: {  	[smem:$0x3FAB] =	sst s4  }
0xd: {  	[smem:$0x3FAC] =	sst s5  }
0xe: {  	[smem:$0x3FAD] =	sst s6  }
0xf: {  	[smem:$0x3FAE] =	sst s7  }
0x10: {  	[smem:$0x3FAF] =	sst s8  }
0x11: {  	[smem:$0x3FB0] =	sst s9;
	s0 =	simm.s32 @!p0 $0x0  }
0x12: {  	s1 =	sld [smem:$0x3F96];
	s0 =	simm.s32 @p0 $0x1  }
0x13: {  	[smem:$0x3FB1] =	sst s0;
	s0 =	simm.s32 @!p1 $0x0  }
0x14: {  	s2 =	sld [smem:$0x3F95];
	s0 =	simm.s32 @p1 $0x1  }
0x15: {  	[smem:$0x3FB2] =	sst s0;
	s0 =	simm.s32 @!p2 $0x0  }
0x16: {  	s3 =	sld [smem:$0x3FDB];
	s0 =	simm.s32 @p2 $0x1  }
0x17: {  	s4 =	simm.s32 $0x1BF5;
	[smem:$0x3FB4] =	sst s0  }
0x18: {  	s0 =	sld [smem:$0x3F97];
	_ =	swait.ge [sflag:s4], $0x0  }
0x19: {  	s7 =	sld [smem:$0x3F98]  }
0x1a: {  	s8 =	sadd.s32 $0xFFFFE003, lr  }
0x1b: {  	s9 =	sadd.s32 $0xFFFFFEF7, lr;
	s5 =	simm.s32 $0xFFFFFFFF;
	p2 =	slt.u32 s8, $0xFFFFF086  }
0x1c: {  	p1 =	slt.u32 s9, $0xF7A;
	s5 =	simm.s32 @!p2 $0x0  }
0x1d: {  	s5 =	simm.s32 @p1 $0x1;
	p0 =	seq.s32 s7, s2  }
0x1e: {  	s7 =	smul.u32 @!p0 $0xF7A, s2;
	p2 =	seq.s32 @!p0 s5, $0x0  }
0x1f: {  	s9 =	smul.u32 $0xF7A, s1;
	s8 =	simm.s32 @!p0 $0x1BF5;
	p2 =	por !p2, p0  }
0x20: {  	[sflag:s8] =	ssyncset.s32 @!p0 $0xFFFFF086;
	s6 =	sadd.s32 @!p0 s3, s7;
	s7 =	simm.s32 @!p0 $0x108  }
0x21: {  	s3 =	sadd.s32 s3, s9;
	s6 =	sadd.s32 @!p0 $0x88, s6;
	s7 =	simm.s32 @p2 $0x1082  }
0x22: {  	[simem:s7], [sflag:s8] =	dma.local @!p0 [hbm:s6], $0xF7A  }
0x23: {  	s9 =	sor.u32 $0xD0000000, s2;
	s6 =	simm.s32 $0x108;
	_ =	swait.ge @!p0 [sflag:s8], $0x0  }
0x24: {  	s3 =	sadd.s32 $0x88, s3;
	s6 =	simm.s32 @!p1 $0x1082;
	[sflag:s4] =	ssyncset.s32 $0xFFFFF086  }
0x25: {  	[simem:s6], [sflag:s4] =	dma.local [hbm:s3], $0xF7A  }
0x26: {  	[smem:$0x3F98] =	sst s1;
	(tag) =	ssettag s2;
	_ =	strace s9  }
0x27: {  	s1 =	sld [smem:$0x3FA8]  }
0x28: {  	s2 =	sld [smem:$0x3FA9]  }
0x29: {  	s4 =	sld [smem:$0x3FAB]  }
0x2a: {  	p0 =	seq.s32 s5, $0x0;
	s5 =	sld [smem:$0x3FAC]  }
0x2b: {  	s6 =	sld [smem:$0x3FAD]  }
0x2c: {  	s7 =	sld [smem:$0x3FAE]  }
0x2d: {  	s3 =	simm.s32 $0x108;
	s8 =	sld [smem:$0x3FAF]  }
0x2e: {  	s3 =	simm.s32 @!p0 $0x1082;
	s9 =	sld [smem:$0x3FB0]  }
0x2f: {  	lr =	sadd.s32 s0, s3;
	s0 =	sld [smem:$0x3FA7]  }
0x30: {  	s3 =	sld [smem:$0x3FAA]  }
0x31: {  	[smem:$0x3FB3] =	sst s10  }
0x32: {  	s10 =	sld [smem:$0x3FB1];
	_ =	sdelay $0x3  }
0x33: {  	p0 =	seq.s32 s10, $0x1;
	s10 =	sld [smem:$0x3FB3];
	_ =	sdelay $0x3  }
0x34: {  	[smem:$0x3FB3] =	sst s10  }
0x35: {  	s10 =	sld [smem:$0x3FB2];
	_ =	sdelay $0x3  }
0x36: {  	p1 =	seq.s32 s10, $0x1;
	s10 =	sld [smem:$0x3FB3];
	_ =	sdelay $0x3  }
0x37: {  	[smem:$0x3FB3] =	sst s10  }
0x38: {  	s10 =	sld [smem:$0x3FB4]  }
0x39: {  	_ = 	snop;
	(pc) =	sbr.ind lr, $3  }
0x3a: {  	_ = 	snop  }
0x3b: {  	_ = 	snop  }
0x3c: {  	p2 =	seq.s32 s10, $0x1;
	s10 =	sld [smem:$0x3FB3]  }
0x3d: {  	_ =	shalt  }
0x3e: {  	_ =	shalt  }
0x3f: {  	_ =	shalt  }
0x40: {  	_ =	shalt  }
0x41: {  	_ =	shalt  }
0x42: {  	_ =	shalt  }
0x43: {  	_ =	shalt  }
0x44: {  	_ =	shalt  }
0x45: {  	_ =	shalt  }
0x46: {  	_ =	shalt  }
0x47: {  	_ =	shalt  }
0x48: {  	_ =	shalt  }
0x49: {  	_ =	shalt  }
0x4a: {  	_ =	shalt  }
0x4b: {  	_ =	shalt  }
0x4c: {  	_ =	shalt  }
0x4d: {  	_ =	shalt  }
0x4e: {  	_ =	shalt  }
0x4f: {  	_ =	shalt  }
0x50: {  	_ =	shalt  }
0x51: {  	_ =	shalt  }
0x52: {  	_ =	shalt  }
0x53: {  	_ =	shalt  }
0x54: {  	_ =	shalt  }
0x55: {  	_ =	shalt  }
0x56: {  	_ =	shalt  }
0x57: {  	_ =	shalt  }
0x58: {  	_ =	shalt  }
0x59: {  	_ =	shalt  }
0x5a: {  	_ =	shalt  }
0x5b: {  	_ =	shalt  }
0x5c: {  	_ =	shalt  }
0x5d: {  	_ =	shalt  }
0x5e: {  	_ =	shalt  }
0x5f: {  	_ =	shalt  }
0x60: {  	_ =	shalt  }
0x61: {  	_ =	shalt  }
0x62: {  	_ =	shalt  }
0x63: {  	_ =	shalt  }
0x64: {  	_ =	shalt  }
0x65: {  	_ =	shalt  }
0x66: {  	_ =	shalt  }
0x67: {  	_ =	shalt  }
0x68: {  	_ =	shalt  }
0x69: {  	_ =	shalt  }
0x6a: {  	_ =	shalt  }
0x6b: {  	_ =	shalt  }
0x6c: {  	_ =	shalt  }
0x6d: {  	_ =	shalt  }
0x6e: {  	_ =	shalt  }
0x6f: {  	_ =	shalt  }
0x70: {  	_ =	shalt  }
0x71: {  	_ =	shalt  }
0x72: {  	_ =	shalt  }
0x73: {  	_ =	shalt  }
0x74: {  	_ =	shalt  }
0x75: {  	_ =	shalt  }
0x76: {  	_ =	shalt  }
0x77: {  	_ =	shalt  }
0x78: {  	_ =	shalt  }
0x79: {  	_ =	shalt  }
0x7a: {  	_ =	shalt  }
0x7b: {  	_ =	shalt  }
0x7c: {  	_ =	shalt  }
0x7d: {  	_ =	shalt  }
0x7e: {  	_ =	shalt  }
0x7f: {  	_ =	shalt  }
0x80: {  	_ =	shalt  }
0x81: {  	_ =	shalt  }
0x82: {  	_ =	shalt  }
0x83: {  	_ =	shalt  }
0x84: {  	_ =	shalt  }
0x85: {  	_ =	shalt  }
0x86: {  	_ =	shalt  }
0x87: {  	_ =	shalt  }
.Lfunc_end0:
.L_simem_size_0:
called_computation_lowered:
.L_overlay_start_0:
0x88: {  	s2 =	sld [smem:$0x3FD9]  }
0x89: {  	s3 =	sld [smem:$0x3FFE];
	_ =	sdelay $0x1  }
0x8a: {  	s1 =	srdreg.scid  }
0x8b: {  	s0 =	sand.u32 $0x1, s1  }
0x8c: {  	s17 =	sshll.u32 s0, $0xA;
	s2 =	sadd.s32 s3, s2  }
0x8d: {  	s2 =	sadd.s32 s2, s17  }
0x8e: {  	[smem:$0x3FBF] =	sst s2  }
0x8f: {  	_ = 	snop  }
0x90: {  	s2 =	sld [smem:$0x3FD0];
	(tm) =	ssettm $0x1  }
0x91: {  	s18 =	sld [smem:$0x3FFB];
	_ =	sdelay $0x3  }
0x92: {  	_ =	strace s18  }
0x93: {  	s3 =	sld [smem:$0x3FFC];
	_ =	sdelay $0x3  }
0x94: {  	_ =	strace s3  }
0x95: {  	s3 =	sld [smem:$0x3FFD];
	_ =	sdelay $0x3  }
0x96: {  	_ =	strace s3  }
0x97: {  	_ =	strace $0x8FFFFFFF  }
0x98: {  	s19 =	sld [smem:$0x3FDB];
	_ =	sdelay $0x1  }
0x99: {  	s4 =	simm.s32 $_scs_section_size  }
0x9a: {  	s5 =	simm.s32 $_size__tile_overlayer_lowered;
	s6 =	simm.s32 $_tile_overlayer_lowered  }
0x9b: {  	s22 =	simm.s32 $0x1BFF;
	s21 =	sshll.u32 s6, $0x1;
	s3 =	sadd.s32 s4, s19  }
0x9c: {  	s7 =	simm.s32 $0x0;
	s20 =	sshll.u32 s5, $0x1;
	s5 =	sadd.s32 s21, s3  }
0x9d: {  	[timem:s7], [sflag:s22] =	dma.local [hbm:s5], s20  }
0x9e: {  	_ =	swait.ge [sflag:s22], s20  }
0x9f: {  	s4 =	ssub.s32 $0x0, s20;
	[sflag:s22] =	ssyncset.done $0x0  }
0xa0: {  	[sflag:s22] =	ssyncadd.s32 s4;
	_ =	sdelay $0x1  }
0xa1: {  	s23 =	simm.s32 $0x1B8B  }
0xa2: {  	_ =	swait.ge [sflag:s23], $0x1  }
0xa3: {  	[sflag:s23] =	ssyncset.done $0x0  }
0xa4: {  	s25 =	simm.s32 $0x1B8E;
	s24 =	sld [smem:$0x3FFE];
	[sflag:s23] =	ssyncadd.s32 $0xFFFFFFFF  }
0xa5: {  	s26 =	simm.s32 $execute0_lowered;
	[smem:$0x3FD2] =	sst s25  }
0xa6: {  	s5 =	sshll.u32 s26, $0x1;
	_ =	strace $0x80000046;
	[dreg:$0x1] =	wrdreg $0xFFFFFFFF  }
0xa7: {  	s28 =	simm.s32 $_size_execute0_lowered;
	s3 =	sadd.s32 s3, s5;
	[dreg:$0x0] =	wrdreg $0x0  }
0xa8: {  	s5 =	sshll.u32 s28, $0x1;
	[dreg:$0x2] =	wrdreg s3  }
0xa9: {  	[dreg:$0x3] =	wrdreg s5  }
0xaa: {  	[dreg:$0x4] =	wrdreg $0xC0  }
0xab: {  	_ =	task [dreg:s7], $0x5FFFF  }
0xac: {  	[dreg:$0x1] =	wrdreg $0xFFFFFFFF  }
0xad: {  	[dreg:$0x0] =	wrdreg $0x60  }
0xae: {  	[dreg:$0x2] =	wrdreg s24  }
0xaf: {  	[dreg:$0x3] =	wrdreg s2  }
0xb0: {  	[dreg:$0x4] =	wrdreg $0x15B800  }
0xb1: {  	[dreg:$0x5] =	wrdreg $0x1A9A00  }
0xb2: {  	[dreg:$0x6] =	wrdreg $0x9  }
0xb3: {  	_ =	task.clear_ibuf [dreg:s7], $0x7FFFF;
	_ =	strace $0x90000046  }
0xb4: {  	s29 =	simm.s32 $0x9;
	_ =	strace $0x80000048  }
0xb5: {  	_ =	swait.ge [sflag:s29], $0x1  }
0xb6: {  	[sflag:s29] =	ssyncadd.s32 $0xFFFFFFFF  }
0xb7: {  	_ =	strace $0x90000048  }
0xb8: {  	_ =	sfence  }
0xb9: {  	s30 =	sld [smem:$0x0];
	_ =	sdelay $0x2  }
0xba: {  	s31 =	sshll.u32 s1, $0xD;
	s1 =	sshrl.u32 s1, $0x2  }
0xbb: {  	s3 =	sand.u32 $0x4000, s31;
	s1 =	sadd.s32 s1, s30  }
0xbc: {  	s0 =	sor.u32 s3, s0;
	s1 =	sshll.u32 s1, $0x11  }
0xbd: {  	s0 =	sor.u32 s1, s0  }
0xbe: {  	s0 =	sadd.s32 $0x8F2B, s0  }
0xbf: {  	[sflag:s0] =	ssyncadd.remote.s32 $0x1  }
0xc0: {  	_ =	sfence.sel $0xFFFF  }
0xc1: {  	[dreg:$0x0] =	wrdreg $0xFFFFFFFF;
	(pc) =	sbr.abs _section_cstart, $3  }
0xc2: {  	[dreg:$0x1] =	wrdreg $0xFFFFFFFF  }
0xc3: {  	_ =	task.clear_ibuf [dreg:s7], $0x2FFFF;
	_ =	strace $0x9FFFFFFF  }
0xc4: {  	(tm) =	ssettm $0x7FFFFFFF  }
0xc5: {  	_ =	shalt  }
tec
execute0_lowered:
.L_overlay_start_1:
0x0: {  	(tag) =	ssettag $0x1  }
0x1: {  	s0 =	rddreg [dreg:$0x0]  }
0x2: {  	s2 =	rddreg [dreg:$0x2]  }
0x3: {  	s3 =	rddreg [dreg:$0x3];
	s4 =	simm.s32 $0x0;
	s1 =	srdreg.scid  }
0x4: {  	s5 =	stileid.u32;
	s28 =	simm.s32 $0x15000;
	s29 =	simm.s32 $0x9E00  }
0x5: {  	s30 =	simm.s32 $0xC580;
	s31 =	simm.s32 $0xED00;
	[smem:$0x7FF] =	sst s4  }
0x6: {  	s7 =	sadd.s32 $0x14400, s0;
	s1 =	sand.u32 $0x1, s1;
	s8 =	smul.u32 $0x13C00, s5  }
0x7: {  	s6 =	sadd.s32 $0x800, s0;
	s11 =	sshll.u32 s5, $0x1;
	p0 =	sne.s32 s5, $0x0  }
0x8: {  	_ =	strace $0x80000047;
	[dreg:$0x5] =	wrdreg s6;
	s6 =	sadd.s32 $0xA600, s0  }
0x9: {  	s9 =	sshll.u32 s1, $0x9;
	s0 =	sadd.s32 $0x3BC00, s0;
	s10 =	ssub.s32 $0x2, s1  }
0xa: {  	s1 =	sor.u32 s1, s11;
	s17 =	sshrl.u32 @!p0 s2, $0x3;
	s18 =	sshrl.u32 @!p0 s3, $0x3  }
0xb: {  	s8 =	sor.u32 s9, s8;
	s19 =	sshrl.u32 s10, $0x1;
	s1 =	smul.u32 $0x7D, s1  }
0xc: {  	s8 =	sshrl.u32 s8, $0x3;
	s9 =	ssub.s32 s10, s19;
	s19 =	simm.s32 $0x80  }
0xd: {  	s20 =	sadd.s32 s7, s8;
	s21 =	sor.u32 $0x10, s8;
	s12 =	sor.u32 $0x20, s8  }
0xe: {  	s13 =	sor.u32 $0x30, s8;
	s24 =	sadd.s32 s0, s8;
	[dreg:$0x6] =	wrdreg s20  }
0xf: {  	s11 =	sshrl.u32 s1, $0x5;
	s22 =	sadd.s32 s7, s21;
	[dreg:$0xa] =	wrdreg s24  }
0x10: {  	s16 =	smax.u32 s9, $0x1;
	s23 =	sadd.s32 s7, s12;
	[dreg:$0x7] =	wrdreg s22  }
0x11: {  	s1 =	simm.s32 $0x0;
	s7 =	sadd.s32 s7, s13;
	[dreg:$0x8] =	wrdreg s23  }
0x12: {  	s25 =	sadd.s32 s0, s21;
	s26 =	sadd.s32 s0, s12;
	[dreg:$0x9] =	wrdreg s7  }
0x13: {  	s0 =	sadd.s32 s0, s13;
	s20 =	simm.s32 $0x400;
	[dreg:$0xb] =	wrdreg s25  }
0x14: {  	s21 =	simm.s32 $0x1;
	s24 =	simm.s32 $0x7680;
	[dreg:$0xc] =	wrdreg s26  }
0x15: {  	[dreg:$0xd] =	wrdreg s0;
	s22 =	simm.s32 $0x2780;
	s23 =	simm.s32 $0x4F00  }
0x16: {  	v0 =	vimm.f32 $-Inf;
	s25 =	simm.s32 $0x13C00;
	s26 =	simm.s32 $0x14600;
	s0 =	simm.s32 $0x11480  }
.LBB2_1:
0x17: {  	s5 =	simm.s32 @!p0 $0x1C01;
	s7 =	rddreg [dreg:$0x5]  }
0x18: {  	[spmem:s17], [sflag:s5] =	dma.local @!p0 [hbm:s7], $0x9C40  }
0x19: {  	s7 =	simm.s32 @!p0 $0x1  }
0x1a: {  	_ =	swait.ge @!p0 [sflag:s7], $0x9C40  }
0x1b: {  	[sflag:s7] =	ssyncset.done @!p0 $0x0  }
0x1c: {  	[sflag:s7] =	ssyncadd.s32 @!p0 $0xFFFF63C0  }
0x1d: {  	s8 =	rddreg [dreg:$0x1]  }
0x1e: {  	[spmem:s18], [sflag:s5] =	dma.local @!p0 [hbm:s8], $0x9C40  }
0x1f: {  	_ =	swait.ge @!p0 [sflag:s7], $0x9C40  }
0x20: {  	[sflag:s7] =	ssyncset.done @!p0 $0x0  }
0x21: {  	s12 =	rddreg [dreg:$0x6];
	[sflag:s7] =	ssyncadd.s32 @!p0 $0xFFFF63C0  }
0x22: {  	[tilespmem:s4], [sflag:$0x1] =	stream.strided.gather [hbm4b:s12+s19], $0x2780, s20, s19, $0x38;
	[tilespmem:$0x1F7C0] =	vst v63  }
0x23: {  	_ =	swait.ge [sflag:s21], $0x2780  }
0x24: {  	[sflag:s21] =	ssyncset.done $0x0  }
0x25: {  	s13 =	rddreg [dreg:$0x7];
	[sflag:s21] =	ssyncadd.s32 $0xFFFFD880  }
0x26: {  	[tilespmem:s22], [sflag:$0x1] =	stream.strided.gather [hbm4b:s13+s19], $0x2780, s20, s19, $0x38;
	[tilespmem:$0x1F7C0] =	vst v63  }
0x27: {  	_ =	swait.ge [sflag:s21], $0x2780  }
0x28: {  	[sflag:s21] =	ssyncset.done $0x0  }
0x29: {  	s14 =	rddreg [dreg:$0x8];
	[sflag:s21] =	ssyncadd.s32 $0xFFFFD880  }
0x2a: {  	[tilespmem:s23], [sflag:$0x1] =	stream.strided.gather [hbm4b:s14+s19], $0x2780, s20, s19, $0x38;
	[tilespmem:$0x1F7C0] =	vst v63  }
0x2b: {  	_ =	swait.ge [sflag:s21], $0x2780  }
0x2c: {  	[sflag:s21] =	ssyncset.done $0x0  }
0x2d: {  	s15 =	rddreg [dreg:$0x9];
	[sflag:s21] =	ssyncadd.s32 $0xFFFFD880  }
0x2e: {  	[tilespmem:s24], [sflag:$0x1] =	stream.strided.gather [hbm4b:s15+s19], $0x2780, s20, s19, $0x38;
	[tilespmem:$0x1F7C0] =	vst v63  }
0x2f: {  	_ =	swait.ge [sflag:s21], $0x2780  }
0x30: {  	[sflag:s21] =	ssyncset.done $0x0  }
0x31: {  	[sflag:s21] =	ssyncadd.s32 $0xFFFFD880  }
0x32: {  	s5 =	simm.s32 $0x40;
	s7 =	simm.s32 $0x0;
	[bflag:$0x0] =	sbarrier.arrive $0xFFFF  }
.LBB2_2:
0x33: {  	p1 =	sne.s32 s5, $0x9C00;
	[tilespmem:s7+$0x11480] =	vst v0;
	s8 =	smov.u32 s5;
	s5 =	sadd.s32 $0x40, s5  }
.Ltmp0:
0x34: {  	[tilespmem:s7+$0xED00] =	vst v0;
	(pc) =	sbr.rel @p1 .LBB2_2-.Ltmp0, $3  }
0x35: {  	[tilespmem:s7+$0x9E00] =	vst v0  }
0x36: {  	[tilespmem:s7+$0xC580] =	vst v0;
	_ =	sdelay $0x1  }
0x37: {  	s7 =	sshra.s32 s8, $0x2  }
.Ltmp1:
0x38: {  	(pc) =	sbr.rel .LBB2_4-.Ltmp1, $4  }
0x39: {  	[tilespmem:s7+$0x11480] =	vst v0  }
0x3a: {  	[tilespmem:s7+$0xED00] =	vst v0  }
0x3b: {  	[tilespmem:s7+$0x9E00] =	vst v0  }
0x3c: {  	s5 =	simm.s32 $0x0;
	[tilespmem:s7+$0xC580] =	vst v0;
	s7 =	simm.s32 $0x0  }
.LBB2_10:
0x3d: {  	s7 =	sadd.s32 $0x1, s7  }
0x3e: {  	p1 =	sne.s32 s7, $0x7D  }
.Ltmp2:
0x3f: {  	_ = 	snop;
	(pc) =	sbr.rel @!p1 .LBB2_11-.Ltmp2, $1  }
0x40: {  	_ =	sdelay $0x3  }
.LBB2_4:
0x41: {  	s8 =	sadd.s32 s11, s7  }
0x42: {  	s9 =	smulhi.u32 $0x10624DD3, s8;
	_ =	sdelay $0x1  }
0x43: {  	s9 =	sshrl.u32 s9, $0x3  }
0x44: {  	s9 =	smul.u32 $0x7D, s9;
	_ =	sdelay $0x1  }
0x45: {  	s8 =	ssub.s32 s8, s9  }
0x46: {  	s8 =	smul.u32 $0xA00, s8;
	_ =	sdelay $0x1  }
0x47: {  	s14 =	sadd.s32 s8, s2  }
0x48: {  	[tilespmem:s25], [sflag:$0x1] =	stream.linear.gather [spmem:s14], $0xA00, $0x38;
	[tilespmem:$0x1F7C0] =	vst v63  }
0x49: {  	_ =	swait.ge [sflag:s21], $0xA00  }
0x4a: {  	[sflag:s21] =	ssyncset.done $0x0  }
0x4b: {  	s15 =	sadd.s32 s8, s3;
	[sflag:s21] =	ssyncadd.s32 $0xFFFFF600  }
0x4c: {  	[tilespmem:s26], [sflag:$0x1] =	stream.linear.gather [spmem:s15], $0xA00, $0x38;
	[tilespmem:$0x1F7C0] =	vst v63  }
0x4d: {  	_ =	swait.ge [sflag:s21], $0xA00  }
0x4e: {  	s8 =	sshrl.u32 s8, $0x3;
	[sflag:s21] =	ssyncset.done $0x0  }
0x4f: {  	s8 =	sadd.s32 s6, s8;
	[sflag:s21] =	ssyncadd.s32 $0xFFFFF600  }
0x50: {  	[tilespmem:s28], [sflag:$0x1] =	stream.linear.gather [hbm4b:s8+s5], $0xA00, $0x38;
	[tilespmem:$0x1F7C0] =	vst v63  }
0x51: {  	_ =	swait.ge [sflag:s21], $0xA00  }
0x52: {  	[sflag:s21] =	ssyncset.done $0x0  }
0x53: {  	s10 =	simm.s32 $0x0;
	s9 =	simm.s32 $0x15A00;
	[sflag:s21] =	ssyncadd.s32 $0xFFFFF600  }
.LBB2_5:
0x54: {  	s12 =	sshra.s32 s10, $0x2  }
0x55: {  	v6 =	vld [tilespmem:s12+$0x13C00];
	_ =	sdelay $0x1  }
0x56: {  	v11 =	vld [tilespmem:s12+$0x14600];
	_ =	sdelay $0x4  }
0x57: {  	s8 =	simm.s32 $0x0;
	v7 =	vld [tilespmem:s12+$0x15000]  }
0x58: {  	v3 =	vld.idx.msk [tilespmem:v6+s8+$0x0], $0xffff;
	_ =	sdelay $0x1  }
0x59: {  	v4 =	vld.idx.msk [tilespmem:v11+s29+$0x0], $0xffff;
	_ =	sdelay $0x2  }
0x5a: {  	v3 =	vmul.f32 v3, v7;
	_ =	sdelay $0x1  }
0x5b: {  	v4 =	vmax.f32 v4, v3  }
0x5c: {  	[tilespmem:v11+s29+$0x0] =	vst.idx.msk $0xffff, v4  }
0x5d: {  	v4 =	vld.idx.msk [tilespmem:v6+s22+$0x0], $0xffff;
	_ =	sdelay $0x1  }
0x5e: {  	v5 =	vld.idx.msk [tilespmem:v11+s30+$0x0], $0xffff;
	_ =	sdelay $0x2  }
0x5f: {  	v4 =	vmul.f32 v4, v7;
	_ =	sdelay $0x1  }
0x60: {  	v5 =	vmax.f32 v5, v4  }
0x61: {  	[tilespmem:v11+s30+$0x0] =	vst.idx.msk $0xffff, v5  }
0x62: {  	v5 =	vld.idx.msk [tilespmem:v6+s23+$0x0], $0xffff;
	_ =	sdelay $0x1  }
0x63: {  	v8 =	vld.idx.msk [tilespmem:v11+s31+$0x0], $0xffff;
	_ =	sdelay $0x2  }
0x64: {  	v5 =	vmul.f32 v5, v7;
	_ =	sdelay $0x1  }
0x65: {  	v8 =	vmax.f32 v8, v5  }
0x66: {  	[tilespmem:v11+s31+$0x0] =	vst.idx.msk $0xffff, v8  }
0x67: {  	v6 =	vld.idx.msk [tilespmem:v6+s24+$0x0], $0xffff;
	_ =	sdelay $0x1  }
0x68: {  	v8 =	vld.idx.msk [tilespmem:v11+s0+$0x0], $0xffff;
	_ =	sdelay $0x2  }
0x69: {  	v6 =	vmul.f32 v6, v7;
	_ =	sdelay $0x1  }
0x6a: {  	v7 =	vmax.f32 v8, v6  }
0x6b: {  	[tilespmem:v11+s0+$0x0] =	vst.idx.msk $0xffff, v7  }
0x6c: {  	v14 =	vld [tilespmem:s12+$0x13C10];
	_ =	sdelay $0x1  }
0x6d: {  	v16 =	vld [tilespmem:s12+$0x14610];
	_ =	sdelay $0x4  }
0x6e: {  	v15 =	vld [tilespmem:s12+$0x15010]  }
0x6f: {  	v7 =	vld.idx.msk [tilespmem:v14+s8+$0x0], $0xffff;
	_ =	sdelay $0x1  }
0x70: {  	v12 =	vld.idx.msk [tilespmem:v16+s29+$0x0], $0xffff;
	_ =	sdelay $0x2  }
0x71: {  	v8 =	vld.idx.msk [tilespmem:v11+s29+$0x0], $0xffff;
	v7 =	vmul.f32 v7, v15  }
0x72: {  	v9 =	vld.idx.msk [tilespmem:v11+s30+$0x0], $0xffff  }
0x73: {  	v10 =	vld.idx.msk [tilespmem:v11+s31+$0x0], $0xffff;
	v12 =	vmax.f32 v12, v7  }
0x74: {  	v11 =	vld.idx.msk [tilespmem:v11+s0+$0x0], $0xffff;
	[tilespmem:v16+s29+$0x0] =	vst.idx.msk $0xffff, v12  }
0x75: {  	v12 =	vld.idx.msk [tilespmem:v14+s22+$0x0], $0xffff;
	_ =	sdelay $0x1  }
0x76: {  	v13 =	vld.idx.msk [tilespmem:v16+s30+$0x0], $0xffff;
	_ =	sdelay $0x2  }
0x77: {  	v12 =	vmul.f32 v12, v15;
	_ =	sdelay $0x1  }
0x78: {  	v13 =	vmax.f32 v13, v12  }
0x79: {  	[tilespmem:v16+s30+$0x0] =	vst.idx.msk $0xffff, v13  }
0x7a: {  	v13 =	vld.idx.msk [tilespmem:v14+s23+$0x0], $0xffff;
	_ =	sdelay $0x1  }
0x7b: {  	v17 =	vld.idx.msk [tilespmem:v16+s31+$0x0], $0xffff;
	_ =	sdelay $0x2  }
0x7c: {  	v13 =	vmul.f32 v13, v15;
	_ =	sdelay $0x1  }
0x7d: {  	v17 =	vmax.f32 v17, v13  }
0x7e: {  	[tilespmem:v16+s31+$0x0] =	vst.idx.msk $0xffff, v17  }
0x7f: {  	v14 =	vld.idx.msk [tilespmem:v14+s24+$0x0], $0xffff;
	_ =	sdelay $0x1  }
0x80: {  	v17 =	vld.idx.msk [tilespmem:v16+s0+$0x0], $0xffff;
	_ =	sdelay $0x2  }
0x81: {  	v14 =	vmul.f32 v14, v15;
	_ =	sdelay $0x1  }
0x82: {  	v15 =	vmax.f32 v17, v14  }
0x83: {  	[tilespmem:v16+s0+$0x0] =	vst.idx.msk $0xffff, v15  }
0x84: {  	v22 =	vld [tilespmem:s12+$0x13C20];
	_ =	sdelay $0x1  }
0x85: {  	v24 =	vld [tilespmem:s12+$0x14620];
	_ =	sdelay $0x4  }
0x86: {  	v23 =	vld [tilespmem:s12+$0x15020]  }
0x87: {  	v15 =	vld.idx.msk [tilespmem:v22+s8+$0x0], $0xffff;
	_ =	sdelay $0x1  }
0x88: {  	v60 =	vld.idx.msk [tilespmem:v24+s29+$0x0], $0xffff;
	_ =	sdelay $0x2  }
0x89: {  	v19 =	vld.idx.msk [tilespmem:v16+s29+$0x0], $0xffff;
	v15 =	vmul.f32 v15, v23  }
0x8a: {  	v20 =	vld.idx.msk [tilespmem:v16+s30+$0x0], $0xffff  }
0x8b: {  	v18 =	vld.idx.msk [tilespmem:v16+s31+$0x0], $0xffff;
	v17 =	vmax.f32 v60, v15  }
0x8c: {  	v16 =	vld.idx.msk [tilespmem:v16+s0+$0x0], $0xffff;
	[tilespmem:v24+s29+$0x0] =	vst.idx.msk $0xffff, v17  }
0x8d: {  	v17 =	vld.idx.msk [tilespmem:v22+s22+$0x0], $0xffff;
	_ =	sdelay $0x1  }
0x8e: {  	v21 =	vld.idx.msk [tilespmem:v24+s30+$0x0], $0xffff;
	_ =	sdelay $0x2  }
0x8f: {  	v17 =	vmul.f32 v17, v23;
	_ =	sdelay $0x1  }
0x90: {  	v21 =	vmax.f32 v21, v17  }
0x91: {  	[tilespmem:v24+s30+$0x0] =	vst.idx.msk $0xffff, v21  }
0x92: {  	v21 =	vld.idx.msk [tilespmem:v22+s23+$0x0], $0xffff;
	_ =	sdelay $0x1  }
0x93: {  	v25 =	vld.idx.msk [tilespmem:v24+s31+$0x0], $0xffff;
	_ =	sdelay $0x2  }
0x94: {  	v21 =	vmul.f32 v21, v23;
	_ =	sdelay $0x1  }
0x95: {  	v25 =	vmax.f32 v25, v21  }
0x96: {  	[tilespmem:v24+s31+$0x0] =	vst.idx.msk $0xffff, v25  }
0x97: {  	v22 =	vld.idx.msk [tilespmem:v22+s24+$0x0], $0xffff;
	_ =	sdelay $0x1  }
0x98: {  	v25 =	vld.idx.msk [tilespmem:v24+s0+$0x0], $0xffff;
	_ =	sdelay $0x2  }
0x99: {  	v22 =	vmul.f32 v22, v23;
	_ =	sdelay $0x1  }
0x9a: {  	v23 =	vmax.f32 v25, v22  }
0x9b: {  	[tilespmem:v24+s0+$0x0] =	vst.idx.msk $0xffff, v23  }
0x9c: {  	v30 =	vld [tilespmem:s12+$0x13C30];
	_ =	sdelay $0x1  }
0x9d: {  	v31 =	vld [tilespmem:s12+$0x14630];
	_ =	sdelay $0x4  }
0x9e: {  	v32 =	vld [tilespmem:s12+$0x15030]  }
0x9f: {  	v23 =	vld.idx.msk [tilespmem:v30+s8+$0x0], $0xffff;
	_ =	sdelay $0x1  }
0xa0: {  	v61 =	vld.idx.msk [tilespmem:v31+s29+$0x0], $0xffff;
	_ =	sdelay $0x2  }
0xa1: {  	v28 =	vld.idx.msk [tilespmem:v24+s29+$0x0], $0xffff;
	v23 =	vmul.f32 v23, v32  }
0xa2: {  	v26 =	vld.idx.msk [tilespmem:v24+s30+$0x0], $0xffff  }
0xa3: {  	v27 =	vld.idx.msk [tilespmem:v24+s31+$0x0], $0xffff;
	v25 =	vmax.f32 v61, v23  }
0xa4: {  	v24 =	vld.idx.msk [tilespmem:v24+s0+$0x0], $0xffff;
	[tilespmem:v31+s29+$0x0] =	vst.idx.msk $0xffff, v25  }
0xa5: {  	v25 =	vld.idx.msk [tilespmem:v30+s22+$0x0], $0xffff;
	_ =	sdelay $0x1  }
0xa6: {  	v29 =	vld.idx.msk [tilespmem:v31+s30+$0x0], $0xffff;
	_ =	sdelay $0x2  }
0xa7: {  	v25 =	vmul.f32 v25, v32;
	_ =	sdelay $0x1  }
0xa8: {  	v29 =	vmax.f32 v29, v25  }
0xa9: {  	[tilespmem:v31+s30+$0x0] =	vst.idx.msk $0xffff, v29  }
0xaa: {  	v29 =	vld.idx.msk [tilespmem:v30+s23+$0x0], $0xffff;
	_ =	sdelay $0x1  }
0xab: {  	v33 =	vld.idx.msk [tilespmem:v31+s31+$0x0], $0xffff;
	_ =	sdelay $0x2  }
0xac: {  	v29 =	vmul.f32 v29, v32;
	_ =	sdelay $0x1  }
0xad: {  	v33 =	vmax.f32 v33, v29  }
0xae: {  	[tilespmem:v31+s31+$0x0] =	vst.idx.msk $0xffff, v33  }
0xaf: {  	v30 =	vld.idx.msk [tilespmem:v30+s24+$0x0], $0xffff;
	_ =	sdelay $0x1  }
0xb0: {  	v33 =	vld.idx.msk [tilespmem:v31+s0+$0x0], $0xffff;
	_ =	sdelay $0x2  }
0xb1: {  	v30 =	vmul.f32 v30, v32;
	_ =	sdelay $0x1  }
0xb2: {  	v32 =	vmax.f32 v33, v30  }
0xb3: {  	[tilespmem:v31+s0+$0x0] =	vst.idx.msk $0xffff, v32  }
0xb4: {  	v32 =	vld [tilespmem:s12+$0x13C40];
	_ =	sdelay $0x1  }
0xb5: {  	v62 =	vld [tilespmem:s12+$0x14640];
	_ =	sdelay $0x4  }
0xb6: {  	v34 =	vld [tilespmem:s12+$0x15040]  }
0xb7: {  	v35 =	vld.idx.msk [tilespmem:v32+s8+$0x0], $0xffff;
	_ =	sdelay $0x1  }
0xb8: {  	v36 =	vld.idx.msk [tilespmem:v62+s29+$0x0], $0xffff;
	_ =	sdelay $0x2  }
0xb9: {  	v37 =	vld.idx.msk [tilespmem:v31+s29+$0x0], $0xffff;
	v35 =	vmul.f32 v35, v34  }
0xba: {  	v38 =	vld.idx.msk [tilespmem:v31+s30+$0x0], $0xffff  }
0xbb: {  	v39 =	vld.idx.msk [tilespmem:v31+s31+$0x0], $0xffff;
	v36 =	vmax.f32 v36, v35  }
0xbc: {  	v31 =	vld.idx.msk [tilespmem:v31+s0+$0x0], $0xffff;
	[tilespmem:v62+s29+$0x0] =	vst.idx.msk $0xffff, v36  }
0xbd: {  	v36 =	vld.idx.msk [tilespmem:v32+s22+$0x0], $0xffff;
	_ =	sdelay $0x1  }
0xbe: {  	v40 =	vld.idx.msk [tilespmem:v62+s30+$0x0], $0xffff;
	_ =	sdelay $0x2  }
0xbf: {  	v36 =	vmul.f32 v36, v34;
	_ =	sdelay $0x1  }
0xc0: {  	v40 =	vmax.f32 v40, v36  }
0xc1: {  	[tilespmem:v62+s30+$0x0] =	vst.idx.msk $0xffff, v40  }
0xc2: {  	v40 =	vld.idx.msk [tilespmem:v32+s23+$0x0], $0xffff;
	_ =	sdelay $0x1  }
0xc3: {  	v41 =	vld.idx.msk [tilespmem:v62+s31+$0x0], $0xffff;
	_ =	sdelay $0x2  }
0xc4: {  	v40 =	vmul.f32 v40, v34;
	_ =	sdelay $0x1  }
0xc5: {  	v41 =	vmax.f32 v41, v40  }
0xc6: {  	[tilespmem:v62+s31+$0x0] =	vst.idx.msk $0xffff, v41  }
0xc7: {  	v32 =	vld.idx.msk [tilespmem:v32+s24+$0x0], $0xffff;
	_ =	sdelay $0x1  }
0xc8: {  	v41 =	vld.idx.msk [tilespmem:v62+s0+$0x0], $0xffff;
	_ =	sdelay $0x2  }
0xc9: {  	v32 =	vmul.f32 v32, v34;
	_ =	sdelay $0x1  }
0xca: {  	v34 =	vmax.f32 v41, v32  }
0xcb: {  	[tilespmem:v62+s0+$0x0] =	vst.idx.msk $0xffff, v34  }
0xcc: {  	v34 =	vld [tilespmem:s12+$0x13C50];
	_ =	sdelay $0x1  }
0xcd: {  	v63 =	vld [tilespmem:s12+$0x14650];
	_ =	sdelay $0x4  }
0xce: {  	v42 =	vld [tilespmem:s12+$0x15050]  }
0xcf: {  	v43 =	vld.idx.msk [tilespmem:v34+s8+$0x0], $0xffff;
	_ =	sdelay $0x1  }
0xd0: {  	v44 =	vld.idx.msk [tilespmem:v63+s29+$0x0], $0xffff;
	_ =	sdelay $0x2  }
0xd1: {  	v45 =	vld.idx.msk [tilespmem:v62+s29+$0x0], $0xffff;
	v43 =	vmul.f32 v43, v42  }
0xd2: {  	v46 =	vld.idx.msk [tilespmem:v62+s30+$0x0], $0xffff  }
0xd3: {  	v47 =	vld.idx.msk [tilespmem:v62+s31+$0x0], $0xffff;
	v44 =	vmax.f32 v44, v43  }
0xd4: {  	v33 =	vld.idx.msk [tilespmem:v62+s0+$0x0], $0xffff;
	[tilespmem:v63+s29+$0x0] =	vst.idx.msk $0xffff, v44  }
0xd5: {  	v44 =	vld.idx.msk [tilespmem:v34+s22+$0x0], $0xffff;
	_ =	sdelay $0x1  }
0xd6: {  	v48 =	vld.idx.msk [tilespmem:v63+s30+$0x0], $0xffff;
	_ =	sdelay $0x2  }
0xd7: {  	v44 =	vmul.f32 v44, v42;
	_ =	sdelay $0x1  }
0xd8: {  	v48 =	vmax.f32 v48, v44  }
0xd9: {  	[tilespmem:v63+s30+$0x0] =	vst.idx.msk $0xffff, v48  }
0xda: {  	v48 =	vld.idx.msk [tilespmem:v34+s23+$0x0], $0xffff;
	_ =	sdelay $0x1  }
0xdb: {  	v49 =	vld.idx.msk [tilespmem:v63+s31+$0x0], $0xffff;
	_ =	sdelay $0x2  }
0xdc: {  	v48 =	vmul.f32 v48, v42;
	_ =	sdelay $0x1  }
0xdd: {  	v49 =	vmax.f32 v49, v48  }
0xde: {  	[tilespmem:v63+s31+$0x0] =	vst.idx.msk $0xffff, v49  }
0xdf: {  	v34 =	vld.idx.msk [tilespmem:v34+s24+$0x0], $0xffff;
	_ =	sdelay $0x1  }
0xe0: {  	v49 =	vld.idx.msk [tilespmem:v63+s0+$0x0], $0xffff;
	_ =	sdelay $0x2  }
0xe1: {  	v34 =	vmul.f32 v34, v42;
	_ =	sdelay $0x1  }
0xe2: {  	v42 =	vmax.f32 v49, v34  }
0xe3: {  	[tilespmem:v63+s0+$0x0] =	vst.idx.msk $0xffff, v42  }
0xe4: {  	v42 =	vld [tilespmem:s12+$0x13C60];
	_ =	sdelay $0x1  }
0xe5: {  	v49 =	vld [tilespmem:s12+$0x14660];
	_ =	sdelay $0x4  }
0xe6: {  	v50 =	vld [tilespmem:s12+$0x15060]  }
0xe7: {  	v51 =	vld.idx.msk [tilespmem:v42+s8+$0x0], $0xffff;
	_ =	sdelay $0x1  }
0xe8: {  	v52 =	vld.idx.msk [tilespmem:v49+s29+$0x0], $0xffff;
	_ =	sdelay $0x2  }
0xe9: {  	v53 =	vld.idx.msk [tilespmem:v63+s29+$0x0], $0xffff;
	v51 =	vmul.f32 v51, v50  }
0xea: {  	v54 =	vld.idx.msk [tilespmem:v63+s30+$0x0], $0xffff  }
0xeb: {  	v55 =	vld.idx.msk [tilespmem:v63+s31+$0x0], $0xffff;
	v52 =	vmax.f32 v52, v51  }
0xec: {  	v41 =	vld.idx.msk [tilespmem:v63+s0+$0x0], $0xffff;
	[tilespmem:v49+s29+$0x0] =	vst.idx.msk $0xffff, v52  }
0xed: {  	v52 =	vld.idx.msk [tilespmem:v42+s22+$0x0], $0xffff;
	_ =	sdelay $0x1  }
0xee: {  	v56 =	vld.idx.msk [tilespmem:v49+s30+$0x0], $0xffff;
	_ =	sdelay $0x2  }
0xef: {  	v52 =	vmul.f32 v52, v50;
	_ =	sdelay $0x1  }
0xf0: {  	v56 =	vmax.f32 v56, v52  }
0xf1: {  	[tilespmem:v49+s30+$0x0] =	vst.idx.msk $0xffff, v56  }
0xf2: {  	v56 =	vld.idx.msk [tilespmem:v42+s23+$0x0], $0xffff;
	_ =	sdelay $0x1  }
0xf3: {  	v57 =	vld.idx.msk [tilespmem:v49+s31+$0x0], $0xffff;
	_ =	sdelay $0x2  }
0xf4: {  	v56 =	vmul.f32 v56, v50;
	_ =	sdelay $0x1  }
0xf5: {  	v57 =	vmax.f32 v57, v56  }
0xf6: {  	[tilespmem:v49+s31+$0x0] =	vst.idx.msk $0xffff, v57  }
0xf7: {  	v42 =	vld.idx.msk [tilespmem:v42+s24+$0x0], $0xffff;
	_ =	sdelay $0x1  }
0xf8: {  	v57 =	vld.idx.msk [tilespmem:v49+s0+$0x0], $0xffff;
	_ =	sdelay $0x2  }
0xf9: {  	v42 =	vmul.f32 v42, v50;
	_ =	sdelay $0x1  }
0xfa: {  	v50 =	vmax.f32 v57, v42  }
0xfb: {  	[tilespmem:v49+s0+$0x0] =	vst.idx.msk $0xffff, v50  }
0xfc: {  	v50 =	vld [tilespmem:s12+$0x13C70];
	_ =	sdelay $0x1  }
0xfd: {  	v57 =	vld [tilespmem:s12+$0x14670];
	_ =	sdelay $0x4  }
0xfe: {  	v58 =	vld [tilespmem:s12+$0x15070]  }
0xff: {  	v59 =	vld.idx.msk [tilespmem:v50+s8+$0x0], $0xffff;
	_ =	sdelay $0x1  }
0x100: {  	v60 =	vld.idx.msk [tilespmem:v57+s29+$0x0], $0xffff;
	_ =	sdelay $0x2  }
0x101: {  	v61 =	vld.idx.msk [tilespmem:v49+s29+$0x0], $0xffff;
	v59 =	vmul.f32 v59, v58  }
0x102: {  	v62 =	vld.idx.msk [tilespmem:v49+s30+$0x0], $0xffff  }
0x103: {  	v63 =	vld.idx.msk [tilespmem:v49+s31+$0x0], $0xffff;
	v60 =	vmax.f32 v60, v59  }
0x104: {  	v49 =	vld.idx.msk [tilespmem:v49+s0+$0x0], $0xffff;
	[tilespmem:v57+s29+$0x0] =	vst.idx.msk $0xffff, v60  }
0x105: {  	v60 =	vld.idx.msk [tilespmem:v50+s22+$0x0], $0xffff;
	_ =	sdelay $0x1  }
0x106: {  	v1 =	vld.idx.msk [tilespmem:v57+s30+$0x0], $0xffff;
	_ =	sdelay $0x2  }
0x107: {  	v60 =	vmul.f32 v60, v58;
	_ =	sdelay $0x1  }
0x108: {  	v1 =	vmax.f32 v1, v60  }
0x109: {  	[tilespmem:v57+s30+$0x0] =	vst.idx.msk $0xffff, v1  }
0x10a: {  	v1 =	vld.idx.msk [tilespmem:v50+s23+$0x0], $0xffff;
	_ =	sdelay $0x1  }
0x10b: {  	v2 =	vld.idx.msk [tilespmem:v57+s31+$0x0], $0xffff;
	_ =	sdelay $0x1  }
0x10c: {  	vm0 =	vlt.f32 v8, v3;
	vm1 =	vlt.f32 v9, v4  }
0x10d: {  	vm2 =	vlt.f32 v10, v5;
	vm3 =	vlt.f32 v11, v6;
	v1 =	vmul.f32 v1, v58  }
0x10e: {  	vm0 =	vmor vm0, vm1;
	vm12 =	vlt.f32 v19, v7;
	vm4 =	vlt.f32 v20, v12  }
0x10f: {  	vm13 =	vlt.f32 v18, v13;
	vm1 =	vmor vm12, vm4;
	v2 =	vmax.f32 v2, v1  }
0x110: {  	vm0 =	vmor vm0, vm2;
	vm14 =	vlt.f32 v16, v14;
	vm1 =	vmor vm1, vm13;
	[tilespmem:v57+s31+$0x0] =	vst.idx.msk $0xffff, v2  }
0x111: {  	vm0 =	vmor vm0, vm3;
	vm1 =	vmor vm1, vm14;
	v2 =	vld.idx.msk [tilespmem:v50+s24+$0x0], $0xffff  }
0x112: {  	vm0 =	vmor vm0, vm1;
	vm15 =	vlt.f32 v28, v15;
	vm8 =	vlt.f32 v26, v17  }
0x113: {  	vm9 =	vlt.f32 v27, v21;
	vm10 =	vlt.f32 v24, v22;
	vm2 =	vmor vm15, vm8;
	v3 =	vld.idx.msk [tilespmem:v57+s0+$0x0], $0xffff  }
0x114: {  	vm2 =	vmor vm2, vm9;
	vm11 =	vlt.f32 v37, v23;
	vm12 =	vlt.f32 v38, v25  }
0x115: {  	vm1 =	vmor vm2, vm10;
	vm13 =	vlt.f32 v39, v29;
	vm3 =	vmor vm11, vm12  }
0x116: {  	vm14 =	vlt.f32 v31, v30;
	vm2 =	vmor vm3, vm13;
	v2 =	vmul.f32 v2, v58  }
0x117: {  	vm0 =	vmor vm0, vm1;
	vm1 =	vmor vm2, vm14  }
0x118: {  	vm15 =	vlt.f32 v45, v35;
	vm8 =	vlt.f32 v46, v36;
	v3 =	vmax.f32 v3, v2  }
0x119: {  	vm0 =	vmor vm0, vm1;
	vm9 =	vlt.f32 v47, v40;
	vm10 =	vlt.f32 v33, v32;
	[tilespmem:v57+s0+$0x0] =	vst.idx.msk $0xffff, v3  }
0x11a: {  	vm3 =	vmor vm15, vm8;
	vm11 =	vlt.f32 v53, v43;
	vm12 =	vlt.f32 v54, v44;
	v3 =	vld.idx.msk [tilespmem:v57+s29+$0x0], $0xffff  }
0x11b: {  	vm2 =	vmor vm3, vm9;
	vm13 =	vlt.f32 v55, v48;
	vm3 =	vmor vm11, vm12;
	v54 =	vld.idx.msk [tilespmem:v57+s30+$0x0], $0xffff  }
0x11c: {  	vm1 =	vmor vm2, vm10;
	vm14 =	vlt.f32 v41, v34;
	vm2 =	vmor vm3, vm13;
	v58 =	vld.idx.msk [tilespmem:v57+s31+$0x0], $0xffff  }
0x11d: {  	vm0 =	vmor vm0, vm1;
	vm2 =	vmor vm2, vm14;
	vm15 =	vlt.f32 v61, v51;
	v61 =	vld.idx.msk [tilespmem:v57+s0+$0x0], $0xffff  }
0x11e: {  	vm0 =	vmor vm0, vm2  }
0x11f: {  	vm8 =	vlt.f32 v62, v52;
	vm9 =	vlt.f32 v63, v56;
	vm12 =	vlt.f32 v49, v42  }
0x120: {  	vm1 =	vmor vm15, vm8;
	vm10 =	vlt.f32 v3, v59;
	vm11 =	vlt.f32 v54, v60  }
0x121: {  	p1 =	sne.s32 s10, $0x2600;
	vm1 =	vmor vm1, vm9;
	vm13 =	vlt.f32 v58, v1;
	vm2 =	vmor vm10, vm11  }
.Ltmp3:
0x122: {  	vm1 =	vmor vm1, vm12;
	vm14 =	vlt.f32 v61, v2;
	vm2 =	vmor vm2, vm13;
	(pc) =	sbr.rel @p1 .LBB2_5-.Ltmp3, $4  }
0x123: {  	vm0 =	vmor vm0, vm1;
	vm15 =	vmor vm2, vm14  }
0x124: {  	v8 =	vimm.s32 $0x0;
	vm0 =	vmor vm0, vm15  }
0x125: {  	v1 =	vsel vm0, $0x1, v8  }
0x126: {  	s10 =	sadd.s32 $0x200, s10;
	[tilespmem:s9+$0x0] =	vst v1;
	s9 =	sadd.s32 $0x10, s9  }
.Ltmp4:
0x127: {  	(pc) =	sbr.rel .LBB2_7-.Ltmp4, $2  }
0x128: {  	_ =	sdelay $0x2  }
0x129: {  	s9 =	simm.s32 $0x13C00;
	s10 =	simm.s32 $0x14600;
	s12 =	simm.s32 $0x15000;
	v9 =	vimm.f32 $1.000000000e+00  }
.LBB2_9:
0x12a: {  	s8 =	sadd.s32 $0x1, s8  }
0x12b: {  	p1 =	sne.s32 s8, $0x14  }
.Ltmp5:
0x12c: {  	_ = 	snop;
	(pc) =	sbr.rel @!p1 .LBB2_10-.Ltmp5, $2  }
0x12d: {  	_ =	sdelay $0x2  }
0x12e: {  	s9 =	sadd.s32 $0x80, s9;
	s10 =	sadd.s32 $0x80, s10;
	s12 =	sadd.s32 $0x80, s12  }
.LBB2_7:
0x12f: {  	s13 =	sshll.u32 s8, $0x4  }
0x130: {  	s13 =	sand.u32 $0x3FFFFFF0, s13  }
0x131: {  	v1 =	vld [tilespmem:s13+$0x15A00];
	_ =	sdelay $0x4  }
0x132: {  	vm0 =	veq.s32 v1, $0x0  }
0x133: {  	v1 =	vsel vm0, $0x0, v9  }
0x134: {  	(xrf0) =	vmax.scan.msk.f32 $0xffff, v1;
	_ =	sdelay $0x5  }
0x135: {  	v1, _, _ =	vpop (xrf0)  }
0x136: {  	(v2sf) =	vpush v1, $0xF;
	_ =	sdelay $0xe  }
0x137: {  	s15 =	spop (v2sf)  }
0x138: {  	p1 =	sgt.f32 s15, $0.0e+00  }
.Ltmp6:
0x139: {  	_ = 	snop;
	(pc) =	sbr.rel @!p1 .LBB2_9-.Ltmp6, $2  }
0x13a: {  	_ =	sdelay $0x2  }
0x13b: {  	s13 =	simm.s32 $0x0  }
.LBB2_8:
0x13c: {  	s14 =	sshra.s32 s13, $0x2  }
0x13d: {  	s15 =	sadd.s32 s14, s9  }
0x13e: {  	v4 =	vld [tilespmem:s15+$0x0]  }
0x13f: {  	s15 =	sadd.s32 s14, s10  }
0x140: {  	v5 =	vld [tilespmem:s15+$0x0];
	_ =	sdelay $0x2  }
0x141: {  	v1 =	vbroadcast v4, $0x0;
	_ =	sdelay $0x1  }
0x142: {  	v2 =	vbroadcast v5, $0x0  }
0x143: {  	s14 =	sadd.s32 s14, s12  }
0x144: {  	v3 =	vld [tilespmem:s14+$0x0];
	_ =	sdelay $0x1  }
0x145: {  	v6 =	vld.idx.msk [tilespmem:v1+s4+$0x0], $0xffff;
	_ =	sdelay $0x1  }
0x146: {  	v7 =	vld.idx.msk [tilespmem:v2+s29+$0x0], $0xffff  }
0x147: {  	v8 =	vbroadcast v3, $0x0;
	_ =	sdelay $0x1  }
0x148: {  	v6 =	vmul.f32 v8, v6;
	_ =	sdelay $0x1  }
0x149: {  	v6 =	vmax.f32 v7, v6  }
0x14a: {  	[tilespmem:v2+s29+$0x0] =	vst.idx.msk $0xffff, v6  }
0x14b: {  	v6 =	vld.idx.msk [tilespmem:v1+s22+$0x0], $0xffff;
	_ =	sdelay $0x1  }
0x14c: {  	v34 =	vld.idx.msk [tilespmem:v2+s30+$0x0], $0xffff;
	_ =	sdelay $0x2  }
0x14d: {  	v6 =	vmul.f32 v6, v8;
	_ =	sdelay $0x1  }
0x14e: {  	v6 =	vmax.f32 v34, v6  }
0x14f: {  	[tilespmem:v2+s30+$0x0] =	vst.idx.msk $0xffff, v6  }
0x150: {  	v6 =	vld.idx.msk [tilespmem:v1+s23+$0x0], $0xffff;
	_ =	sdelay $0x1  }
0x151: {  	v35 =	vld.idx.msk [tilespmem:v2+s31+$0x0], $0xffff;
	_ =	sdelay $0x2  }
0x152: {  	v6 =	vmul.f32 v6, v8;
	_ =	sdelay $0x1  }
0x153: {  	v6 =	vmax.f32 v35, v6  }
0x154: {  	[tilespmem:v2+s31+$0x0] =	vst.idx.msk $0xffff, v6  }
0x155: {  	v1 =	vld.idx.msk [tilespmem:v1+s24+$0x0], $0xffff;
	_ =	sdelay $0x1  }
0x156: {  	v6 =	vld.idx.msk [tilespmem:v2+s0+$0x0], $0xffff  }
0x157: {  	v36 =	vbroadcast v4, $0x1;
	_ =	sdelay $0x1  }
0x158: {  	v1 =	vmul.f32 v1, v8;
	v8 =	vbroadcast v5, $0x1;
	_ =	sdelay $0x1  }
0x159: {  	v1 =	vmax.f32 v6, v1  }
0x15a: {  	[tilespmem:v2+s0+$0x0] =	vst.idx.msk $0xffff, v1  }
0x15b: {  	v1 =	vld.idx.msk [tilespmem:v36+s4+$0x0], $0xffff;
	_ =	sdelay $0x1  }
0x15c: {  	v2 =	vld.idx.msk [tilespmem:v8+s29+$0x0], $0xffff  }
0x15d: {  	v37 =	vbroadcast v3, $0x1;
	_ =	sdelay $0x1  }
0x15e: {  	v1 =	vmul.f32 v1, v37;
	_ =	sdelay $0x1  }
0x15f: {  	v1 =	vmax.f32 v2, v1  }
0x160: {  	[tilespmem:v8+s29+$0x0] =	vst.idx.msk $0xffff, v1  }
0x161: {  	v1 =	vld.idx.msk [tilespmem:v36+s22+$0x0], $0xffff;
	_ =	sdelay $0x1  }
0x162: {  	v2 =	vld.idx.msk [tilespmem:v8+s30+$0x0], $0xffff;
	_ =	sdelay $0x2  }
0x163: {  	v1 =	vmul.f32 v1, v37;
	_ =	sdelay $0x1  }
0x164: {  	v1 =	vmax.f32 v2, v1  }
0x165: {  	[tilespmem:v8+s30+$0x0] =	vst.idx.msk $0xffff, v1  }
0x166: {  	v1 =	vld.idx.msk [tilespmem:v36+s23+$0x0], $0xffff;
	_ =	sdelay $0x1  }
0x167: {  	v2 =	vld.idx.msk [tilespmem:v8+s31+$0x0], $0xffff;
	_ =	sdelay $0x2  }
0x168: {  	v1 =	vmul.f32 v1, v37;
	_ =	sdelay $0x1  }
0x169: {  	v1 =	vmax.f32 v2, v1  }
0x16a: {  	[tilespmem:v8+s31+$0x0] =	vst.idx.msk $0xffff, v1  }
0x16b: {  	v1 =	vld.idx.msk [tilespmem:v36+s24+$0x0], $0xffff;
	_ =	sdelay $0x1  }
0x16c: {  	v2 =	vld.idx.msk [tilespmem:v8+s0+$0x0], $0xffff  }
0x16d: {  	v38 =	vbroadcast v4, $0x2;
	_ =	sdelay $0x1  }
0x16e: {  	v39 =	vbroadcast v5, $0x2;
	v1 =	vmul.f32 v1, v37;
	_ =	sdelay $0x1  }
0x16f: {  	v1 =	vmax.f32 v2, v1  }
0x170: {  	[tilespmem:v8+s0+$0x0] =	vst.idx.msk $0xffff, v1  }
0x171: {  	v1 =	vld.idx.msk [tilespmem:v38+s4+$0x0], $0xffff;
	_ =	sdelay $0x1  }
0x172: {  	v2 =	vld.idx.msk [tilespmem:v39+s29+$0x0], $0xffff  }
0x173: {  	v8 =	vbroadcast v3, $0x2;
	_ =	sdelay $0x1  }
0x174: {  	v1 =	vmul.f32 v1, v8;
	_ =	sdelay $0x1  }
0x175: {  	v1 =	vmax.f32 v2, v1  }
0x176: {  	[tilespmem:v39+s29+$0x0] =	vst.idx.msk $0xffff, v1  }
0x177: {  	v1 =	vld.idx.msk [tilespmem:v38+s22+$0x0], $0xffff;
	_ =	sdelay $0x1  }
0x178: {  	v2 =	vld.idx.msk [tilespmem:v39+s30+$0x0], $0xffff;
	_ =	sdelay $0x2  }
0x179: {  	v1 =	vmul.f32 v1, v8;
	_ =	sdelay $0x1  }
0x17a: {  	v1 =	vmax.f32 v2, v1  }
0x17b: {  	[tilespmem:v39+s30+$0x0] =	vst.idx.msk $0xffff, v1  }
0x17c: {  	v1 =	vld.idx.msk [tilespmem:v38+s23+$0x0], $0xffff;
	_ =	sdelay $0x1  }
0x17d: {  	v2 =	vld.idx.msk [tilespmem:v39+s31+$0x0], $0xffff;
	_ =	sdelay $0x2  }
0x17e: {  	v1 =	vmul.f32 v1, v8;
	_ =	sdelay $0x1  }
0x17f: {  	v1 =	vmax.f32 v2, v1  }
0x180: {  	[tilespmem:v39+s31+$0x0] =	vst.idx.msk $0xffff, v1  }
0x181: {  	v1 =	vld.idx.msk [tilespmem:v38+s24+$0x0], $0xffff;
	_ =	sdelay $0x1  }
0x182: {  	v2 =	vld.idx.msk [tilespmem:v39+s0+$0x0], $0xffff  }
0x183: {  	v40 =	vbroadcast v4, $0x3;
	_ =	sdelay $0x1  }
0x184: {  	v1 =	vmul.f32 v1, v8;
	v8 =	vbroadcast v5, $0x3;
	_ =	sdelay $0x1  }
0x185: {  	v1 =	vmax.f32 v2, v1  }
0x186: {  	[tilespmem:v39+s0+$0x0] =	vst.idx.msk $0xffff, v1  }
0x187: {  	v1 =	vld.idx.msk [tilespmem:v40+s4+$0x0], $0xffff;
	_ =	sdelay $0x1  }
0x188: {  	v2 =	vld.idx.msk [tilespmem:v8+s29+$0x0], $0xffff  }
0x189: {  	v41 =	vbroadcast v3, $0x3;
	_ =	sdelay $0x1  }
0x18a: {  	v1 =	vmul.f32 v1, v41;
	_ =	sdelay $0x1  }
0x18b: {  	v1 =	vmax.f32 v2, v1  }
0x18c: {  	[tilespmem:v8+s29+$0x0] =	vst.idx.msk $0xffff, v1  }
0x18d: {  	v1 =	vld.idx.msk [tilespmem:v40+s22+$0x0], $0xffff;
	_ =	sdelay $0x1  }
0x18e: {  	v2 =	vld.idx.msk [tilespmem:v8+s30+$0x0], $0xffff;
	_ =	sdelay $0x2  }
0x18f: {  	v1 =	vmul.f32 v1, v41;
	_ =	sdelay $0x1  }
0x190: {  	v1 =	vmax.f32 v2, v1  }
0x191: {  	[tilespmem:v8+s30+$0x0] =	vst.idx.msk $0xffff, v1  }
0x192: {  	v1 =	vld.idx.msk [tilespmem:v40+s23+$0x0], $0xffff;
	_ =	sdelay $0x1  }
0x193: {  	v2 =	vld.idx.msk [tilespmem:v8+s31+$0x0], $0xffff;
	_ =	sdelay $0x2  }
0x194: {  	v1 =	vmul.f32 v1, v41;
	_ =	sdelay $0x1  }
0x195: {  	v1 =	vmax.f32 v2, v1  }
0x196: {  	[tilespmem:v8+s31+$0x0] =	vst.idx.msk $0xffff, v1  }
0x197: {  	v1 =	vld.idx.msk [tilespmem:v40+s24+$0x0], $0xffff;
	_ =	sdelay $0x1  }
0x198: {  	v2 =	vld.idx.msk [tilespmem:v8+s0+$0x0], $0xffff  }
0x199: {  	v42 =	vbroadcast v4, $0x4;
	_ =	sdelay $0x1  }
0x19a: {  	v43 =	vbroadcast v5, $0x4;
	v1 =	vmul.f32 v1, v41;
	_ =	sdelay $0x1  }
0x19b: {  	v1 =	vmax.f32 v2, v1  }
0x19c: {  	[tilespmem:v8+s0+$0x0] =	vst.idx.msk $0xffff, v1  }
0x19d: {  	v1 =	vld.idx.msk [tilespmem:v42+s4+$0x0], $0xffff;
	_ =	sdelay $0x1  }
0x19e: {  	v2 =	vld.idx.msk [tilespmem:v43+s29+$0x0], $0xffff  }
0x19f: {  	v8 =	vbroadcast v3, $0x4;
	_ =	sdelay $0x1  }
0x1a0: {  	v1 =	vmul.f32 v1, v8;
	_ =	sdelay $0x1  }
0x1a1: {  	v1 =	vmax.f32 v2, v1  }
0x1a2: {  	[tilespmem:v43+s29+$0x0] =	vst.idx.msk $0xffff, v1  }
0x1a3: {  	v1 =	vld.idx.msk [tilespmem:v42+s22+$0x0], $0xffff;
	_ =	sdelay $0x1  }
0x1a4: {  	v2 =	vld.idx.msk [tilespmem:v43+s30+$0x0], $0xffff;
	_ =	sdelay $0x2  }
0x1a5: {  	v1 =	vmul.f32 v1, v8;
	_ =	sdelay $0x1  }
0x1a6: {  	v1 =	vmax.f32 v2, v1  }
0x1a7: {  	[tilespmem:v43+s30+$0x0] =	vst.idx.msk $0xffff, v1  }
0x1a8: {  	v1 =	vld.idx.msk [tilespmem:v42+s23+$0x0], $0xffff;
	_ =	sdelay $0x1  }
0x1a9: {  	v2 =	vld.idx.msk [tilespmem:v43+s31+$0x0], $0xffff;
	_ =	sdelay $0x2  }
0x1aa: {  	v1 =	vmul.f32 v1, v8;
	_ =	sdelay $0x1  }
0x1ab: {  	v1 =	vmax.f32 v2, v1  }
0x1ac: {  	[tilespmem:v43+s31+$0x0] =	vst.idx.msk $0xffff, v1  }
0x1ad: {  	v1 =	vld.idx.msk [tilespmem:v42+s24+$0x0], $0xffff;
	_ =	sdelay $0x1  }
0x1ae: {  	v2 =	vld.idx.msk [tilespmem:v43+s0+$0x0], $0xffff  }
0x1af: {  	v44 =	vbroadcast v4, $0x5;
	_ =	sdelay $0x1  }
0x1b0: {  	v1 =	vmul.f32 v1, v8;
	v8 =	vbroadcast v5, $0x5;
	_ =	sdelay $0x1  }
0x1b1: {  	v1 =	vmax.f32 v2, v1  }
0x1b2: {  	[tilespmem:v43+s0+$0x0] =	vst.idx.msk $0xffff, v1  }
0x1b3: {  	v1 =	vld.idx.msk [tilespmem:v44+s4+$0x0], $0xffff;
	_ =	sdelay $0x1  }
0x1b4: {  	v2 =	vld.idx.msk [tilespmem:v8+s29+$0x0], $0xffff  }
0x1b5: {  	v45 =	vbroadcast v3, $0x5;
	_ =	sdelay $0x1  }
0x1b6: {  	v1 =	vmul.f32 v1, v45;
	_ =	sdelay $0x1  }
0x1b7: {  	v1 =	vmax.f32 v2, v1  }
0x1b8: {  	[tilespmem:v8+s29+$0x0] =	vst.idx.msk $0xffff, v1  }
0x1b9: {  	v1 =	vld.idx.msk [tilespmem:v44+s22+$0x0], $0xffff;
	_ =	sdelay $0x1  }
0x1ba: {  	v2 =	vld.idx.msk [tilespmem:v8+s30+$0x0], $0xffff;
	_ =	sdelay $0x2  }
0x1bb: {  	v1 =	vmul.f32 v1, v45;
	_ =	sdelay $0x1  }
0x1bc: {  	v1 =	vmax.f32 v2, v1  }
0x1bd: {  	[tilespmem:v8+s30+$0x0] =	vst.idx.msk $0xffff, v1  }
0x1be: {  	v1 =	vld.idx.msk [tilespmem:v44+s23+$0x0], $0xffff;
	_ =	sdelay $0x1  }
0x1bf: {  	v2 =	vld.idx.msk [tilespmem:v8+s31+$0x0], $0xffff;
	_ =	sdelay $0x2  }
0x1c0: {  	v1 =	vmul.f32 v1, v45;
	_ =	sdelay $0x1  }
0x1c1: {  	v1 =	vmax.f32 v2, v1  }
0x1c2: {  	[tilespmem:v8+s31+$0x0] =	vst.idx.msk $0xffff, v1  }
0x1c3: {  	v1 =	vld.idx.msk [tilespmem:v44+s24+$0x0], $0xffff;
	_ =	sdelay $0x1  }
0x1c4: {  	v2 =	vld.idx.msk [tilespmem:v8+s0+$0x0], $0xffff  }
0x1c5: {  	v46 =	vbroadcast v4, $0x6;
	_ =	sdelay $0x1  }
0x1c6: {  	v47 =	vbroadcast v5, $0x6;
	v1 =	vmul.f32 v1, v45;
	_ =	sdelay $0x1  }
0x1c7: {  	v1 =	vmax.f32 v2, v1  }
0x1c8: {  	[tilespmem:v8+s0+$0x0] =	vst.idx.msk $0xffff, v1  }
0x1c9: {  	v1 =	vld.idx.msk [tilespmem:v46+s4+$0x0], $0xffff;
	_ =	sdelay $0x1  }
0x1ca: {  	v2 =	vld.idx.msk [tilespmem:v47+s29+$0x0], $0xffff  }
0x1cb: {  	v8 =	vbroadcast v3, $0x6;
	_ =	sdelay $0x1  }
0x1cc: {  	v1 =	vmul.f32 v1, v8;
	_ =	sdelay $0x1  }
0x1cd: {  	v1 =	vmax.f32 v2, v1  }
0x1ce: {  	[tilespmem:v47+s29+$0x0] =	vst.idx.msk $0xffff, v1  }
0x1cf: {  	v1 =	vld.idx.msk [tilespmem:v46+s22+$0x0], $0xffff;
	_ =	sdelay $0x1  }
0x1d0: {  	v2 =	vld.idx.msk [tilespmem:v47+s30+$0x0], $0xffff;
	_ =	sdelay $0x2  }
0x1d1: {  	v1 =	vmul.f32 v1, v8;
	_ =	sdelay $0x1  }
0x1d2: {  	v1 =	vmax.f32 v2, v1  }
0x1d3: {  	[tilespmem:v47+s30+$0x0] =	vst.idx.msk $0xffff, v1  }
0x1d4: {  	v1 =	vld.idx.msk [tilespmem:v46+s23+$0x0], $0xffff;
	_ =	sdelay $0x1  }
0x1d5: {  	v2 =	vld.idx.msk [tilespmem:v47+s31+$0x0], $0xffff;
	_ =	sdelay $0x2  }
0x1d6: {  	v1 =	vmul.f32 v1, v8;
	_ =	sdelay $0x1  }
0x1d7: {  	v1 =	vmax.f32 v2, v1  }
0x1d8: {  	[tilespmem:v47+s31+$0x0] =	vst.idx.msk $0xffff, v1  }
0x1d9: {  	v1 =	vld.idx.msk [tilespmem:v46+s24+$0x0], $0xffff;
	_ =	sdelay $0x1  }
0x1da: {  	v2 =	vld.idx.msk [tilespmem:v47+s0+$0x0], $0xffff  }
0x1db: {  	v48 =	vbroadcast v4, $0x7;
	_ =	sdelay $0x1  }
0x1dc: {  	v1 =	vmul.f32 v1, v8;
	v8 =	vbroadcast v5, $0x7;
	_ =	sdelay $0x1  }
0x1dd: {  	v1 =	vmax.f32 v2, v1  }
0x1de: {  	[tilespmem:v47+s0+$0x0] =	vst.idx.msk $0xffff, v1  }
0x1df: {  	v1 =	vld.idx.msk [tilespmem:v48+s4+$0x0], $0xffff;
	_ =	sdelay $0x1  }
0x1e0: {  	v2 =	vld.idx.msk [tilespmem:v8+s29+$0x0], $0xffff  }
0x1e1: {  	v49 =	vbroadcast v3, $0x7;
	_ =	sdelay $0x1  }
0x1e2: {  	v1 =	vmul.f32 v1, v49;
	_ =	sdelay $0x1  }
0x1e3: {  	v1 =	vmax.f32 v2, v1  }
0x1e4: {  	[tilespmem:v8+s29+$0x0] =	vst.idx.msk $0xffff, v1  }
0x1e5: {  	v1 =	vld.idx.msk [tilespmem:v48+s22+$0x0], $0xffff;
	_ =	sdelay $0x1  }
0x1e6: {  	v2 =	vld.idx.msk [tilespmem:v8+s30+$0x0], $0xffff;
	_ =	sdelay $0x2  }
0x1e7: {  	v1 =	vmul.f32 v1, v49;
	_ =	sdelay $0x1  }
0x1e8: {  	v1 =	vmax.f32 v2, v1  }
0x1e9: {  	[tilespmem:v8+s30+$0x0] =	vst.idx.msk $0xffff, v1  }
0x1ea: {  	v1 =	vld.idx.msk [tilespmem:v48+s23+$0x0], $0xffff;
	_ =	sdelay $0x1  }
0x1eb: {  	v2 =	vld.idx.msk [tilespmem:v8+s31+$0x0], $0xffff;
	_ =	sdelay $0x2  }
0x1ec: {  	v1 =	vmul.f32 v1, v49;
	_ =	sdelay $0x1  }
0x1ed: {  	v1 =	vmax.f32 v2, v1  }
0x1ee: {  	[tilespmem:v8+s31+$0x0] =	vst.idx.msk $0xffff, v1  }
0x1ef: {  	v1 =	vld.idx.msk [tilespmem:v48+s24+$0x0], $0xffff;
	_ =	sdelay $0x1  }
0x1f0: {  	v2 =	vld.idx.msk [tilespmem:v8+s0+$0x0], $0xffff  }
0x1f1: {  	v50 =	vbroadcast v4, $0x8;
	_ =	sdelay $0x1  }
0x1f2: {  	v51 =	vbroadcast v5, $0x8;
	v1 =	vmul.f32 v1, v49;
	_ =	sdelay $0x1  }
0x1f3: {  	v1 =	vmax.f32 v2, v1  }
0x1f4: {  	[tilespmem:v8+s0+$0x0] =	vst.idx.msk $0xffff, v1  }
0x1f5: {  	v1 =	vld.idx.msk [tilespmem:v50+s4+$0x0], $0xffff;
	_ =	sdelay $0x1  }
0x1f6: {  	v2 =	vld.idx.msk [tilespmem:v51+s29+$0x0], $0xffff  }
0x1f7: {  	v8 =	vbroadcast v3, $0x8;
	_ =	sdelay $0x1  }
0x1f8: {  	v1 =	vmul.f32 v1, v8;
	_ =	sdelay $0x1  }
0x1f9: {  	v1 =	vmax.f32 v2, v1  }
0x1fa: {  	[tilespmem:v51+s29+$0x0] =	vst.idx.msk $0xffff, v1  }
0x1fb: {  	v1 =	vld.idx.msk [tilespmem:v50+s22+$0x0], $0xffff;
	_ =	sdelay $0x1  }
0x1fc: {  	v2 =	vld.idx.msk [tilespmem:v51+s30+$0x0], $0xffff;
	_ =	sdelay $0x2  }
0x1fd: {  	v1 =	vmul.f32 v1, v8;
	_ =	sdelay $0x1  }
0x1fe: {  	v1 =	vmax.f32 v2, v1  }
0x1ff: {  	[tilespmem:v51+s30+$0x0] =	vst.idx.msk $0xffff, v1  }
0x200: {  	v1 =	vld.idx.msk [tilespmem:v50+s23+$0x0], $0xffff;
	_ =	sdelay $0x1  }
0x201: {  	v2 =	vld.idx.msk [tilespmem:v51+s31+$0x0], $0xffff;
	_ =	sdelay $0x2  }
0x202: {  	v1 =	vmul.f32 v1, v8;
	_ =	sdelay $0x1  }
0x203: {  	v1 =	vmax.f32 v2, v1  }
0x204: {  	[tilespmem:v51+s31+$0x0] =	vst.idx.msk $0xffff, v1  }
0x205: {  	v1 =	vld.idx.msk [tilespmem:v50+s24+$0x0], $0xffff;
	_ =	sdelay $0x1  }
0x206: {  	v2 =	vld.idx.msk [tilespmem:v51+s0+$0x0], $0xffff  }
0x207: {  	v52 =	vbroadcast v4, $0x9;
	_ =	sdelay $0x1  }
0x208: {  	v1 =	vmul.f32 v1, v8;
	v8 =	vbroadcast v5, $0x9;
	_ =	sdelay $0x1  }
0x209: {  	v1 =	vmax.f32 v2, v1  }
0x20a: {  	[tilespmem:v51+s0+$0x0] =	vst.idx.msk $0xffff, v1  }
0x20b: {  	v1 =	vld.idx.msk [tilespmem:v52+s4+$0x0], $0xffff;
	_ =	sdelay $0x1  }
0x20c: {  	v2 =	vld.idx.msk [tilespmem:v8+s29+$0x0], $0xffff  }
0x20d: {  	v53 =	vbroadcast v3, $0x9;
	_ =	sdelay $0x1  }
0x20e: {  	v1 =	vmul.f32 v1, v53;
	_ =	sdelay $0x1  }
0x20f: {  	v1 =	vmax.f32 v2, v1  }
0x210: {  	[tilespmem:v8+s29+$0x0] =	vst.idx.msk $0xffff, v1  }
0x211: {  	v1 =	vld.idx.msk [tilespmem:v52+s22+$0x0], $0xffff;
	_ =	sdelay $0x1  }
0x212: {  	v2 =	vld.idx.msk [tilespmem:v8+s30+$0x0], $0xffff;
	_ =	sdelay $0x2  }
0x213: {  	v1 =	vmul.f32 v1, v53;
	_ =	sdelay $0x1  }
0x214: {  	v1 =	vmax.f32 v2, v1  }
0x215: {  	[tilespmem:v8+s30+$0x0] =	vst.idx.msk $0xffff, v1  }
0x216: {  	v1 =	vld.idx.msk [tilespmem:v52+s23+$0x0], $0xffff;
	_ =	sdelay $0x1  }
0x217: {  	v2 =	vld.idx.msk [tilespmem:v8+s31+$0x0], $0xffff;
	_ =	sdelay $0x2  }
0x218: {  	v1 =	vmul.f32 v1, v53;
	_ =	sdelay $0x1  }
0x219: {  	v1 =	vmax.f32 v2, v1  }
0x21a: {  	[tilespmem:v8+s31+$0x0] =	vst.idx.msk $0xffff, v1  }
0x21b: {  	v1 =	vld.idx.msk [tilespmem:v52+s24+$0x0], $0xffff;
	_ =	sdelay $0x1  }
0x21c: {  	v2 =	vld.idx.msk [tilespmem:v8+s0+$0x0], $0xffff  }
0x21d: {  	v54 =	vbroadcast v4, $0xA;
	_ =	sdelay $0x1  }
0x21e: {  	v55 =	vbroadcast v5, $0xA;
	v1 =	vmul.f32 v1, v53;
	_ =	sdelay $0x1  }
0x21f: {  	v1 =	vmax.f32 v2, v1  }
0x220: {  	[tilespmem:v8+s0+$0x0] =	vst.idx.msk $0xffff, v1  }
0x221: {  	v1 =	vld.idx.msk [tilespmem:v54+s4+$0x0], $0xffff;
	_ =	sdelay $0x1  }
0x222: {  	v2 =	vld.idx.msk [tilespmem:v55+s29+$0x0], $0xffff  }
0x223: {  	v8 =	vbroadcast v3, $0xA;
	_ =	sdelay $0x1  }
0x224: {  	v1 =	vmul.f32 v1, v8;
	_ =	sdelay $0x1  }
0x225: {  	v1 =	vmax.f32 v2, v1  }
0x226: {  	[tilespmem:v55+s29+$0x0] =	vst.idx.msk $0xffff, v1  }
0x227: {  	v1 =	vld.idx.msk [tilespmem:v54+s22+$0x0], $0xffff;
	_ =	sdelay $0x1  }
0x228: {  	v2 =	vld.idx.msk [tilespmem:v55+s30+$0x0], $0xffff;
	_ =	sdelay $0x2  }
0x229: {  	v1 =	vmul.f32 v1, v8;
	_ =	sdelay $0x1  }
0x22a: {  	v1 =	vmax.f32 v2, v1  }
0x22b: {  	[tilespmem:v55+s30+$0x0] =	vst.idx.msk $0xffff, v1  }
0x22c: {  	v1 =	vld.idx.msk [tilespmem:v54+s23+$0x0], $0xffff;
	_ =	sdelay $0x1  }
0x22d: {  	v2 =	vld.idx.msk [tilespmem:v55+s31+$0x0], $0xffff;
	_ =	sdelay $0x2  }
0x22e: {  	v1 =	vmul.f32 v1, v8;
	_ =	sdelay $0x1  }
0x22f: {  	v1 =	vmax.f32 v2, v1  }
0x230: {  	[tilespmem:v55+s31+$0x0] =	vst.idx.msk $0xffff, v1  }
0x231: {  	v1 =	vld.idx.msk [tilespmem:v54+s24+$0x0], $0xffff;
	_ =	sdelay $0x1  }
0x232: {  	v2 =	vld.idx.msk [tilespmem:v55+s0+$0x0], $0xffff  }
0x233: {  	v56 =	vbroadcast v4, $0xB;
	_ =	sdelay $0x1  }
0x234: {  	v1 =	vmul.f32 v1, v8;
	v8 =	vbroadcast v5, $0xB;
	_ =	sdelay $0x1  }
0x235: {  	v1 =	vmax.f32 v2, v1  }
0x236: {  	[tilespmem:v55+s0+$0x0] =	vst.idx.msk $0xffff, v1  }
0x237: {  	v1 =	vld.idx.msk [tilespmem:v56+s4+$0x0], $0xffff;
	_ =	sdelay $0x1  }
0x238: {  	v2 =	vld.idx.msk [tilespmem:v8+s29+$0x0], $0xffff  }
0x239: {  	v57 =	vbroadcast v3, $0xB;
	_ =	sdelay $0x1  }
0x23a: {  	v1 =	vmul.f32 v1, v57;
	_ =	sdelay $0x1  }
0x23b: {  	v1 =	vmax.f32 v2, v1  }
0x23c: {  	[tilespmem:v8+s29+$0x0] =	vst.idx.msk $0xffff, v1  }
0x23d: {  	v1 =	vld.idx.msk [tilespmem:v56+s22+$0x0], $0xffff;
	_ =	sdelay $0x1  }
0x23e: {  	v2 =	vld.idx.msk [tilespmem:v8+s30+$0x0], $0xffff;
	_ =	sdelay $0x2  }
0x23f: {  	v1 =	vmul.f32 v1, v57;
	_ =	sdelay $0x1  }
0x240: {  	v1 =	vmax.f32 v2, v1  }
0x241: {  	[tilespmem:v8+s30+$0x0] =	vst.idx.msk $0xffff, v1  }
0x242: {  	v1 =	vld.idx.msk [tilespmem:v56+s23+$0x0], $0xffff;
	_ =	sdelay $0x1  }
0x243: {  	v2 =	vld.idx.msk [tilespmem:v8+s31+$0x0], $0xffff;
	_ =	sdelay $0x2  }
0x244: {  	v1 =	vmul.f32 v1, v57;
	_ =	sdelay $0x1  }
0x245: {  	v1 =	vmax.f32 v2, v1  }
0x246: {  	[tilespmem:v8+s31+$0x0] =	vst.idx.msk $0xffff, v1  }
0x247: {  	v1 =	vld.idx.msk [tilespmem:v56+s24+$0x0], $0xffff;
	_ =	sdelay $0x1  }
0x248: {  	v2 =	vld.idx.msk [tilespmem:v8+s0+$0x0], $0xffff  }
0x249: {  	v58 =	vbroadcast v4, $0xC;
	_ =	sdelay $0x1  }
0x24a: {  	v59 =	vbroadcast v5, $0xC;
	v1 =	vmul.f32 v1, v57;
	_ =	sdelay $0x1  }
0x24b: {  	v1 =	vmax.f32 v2, v1  }
0x24c: {  	[tilespmem:v8+s0+$0x0] =	vst.idx.msk $0xffff, v1  }
0x24d: {  	v1 =	vld.idx.msk [tilespmem:v58+s4+$0x0], $0xffff;
	_ =	sdelay $0x1  }
0x24e: {  	v2 =	vld.idx.msk [tilespmem:v59+s29+$0x0], $0xffff  }
0x24f: {  	v8 =	vbroadcast v3, $0xC;
	_ =	sdelay $0x1  }
0x250: {  	v1 =	vmul.f32 v1, v8;
	_ =	sdelay $0x1  }
0x251: {  	v1 =	vmax.f32 v2, v1  }
0x252: {  	[tilespmem:v59+s29+$0x0] =	vst.idx.msk $0xffff, v1  }
0x253: {  	v1 =	vld.idx.msk [tilespmem:v58+s22+$0x0], $0xffff;
	_ =	sdelay $0x1  }
0x254: {  	v2 =	vld.idx.msk [tilespmem:v59+s30+$0x0], $0xffff;
	_ =	sdelay $0x2  }
0x255: {  	v1 =	vmul.f32 v1, v8;
	_ =	sdelay $0x1  }
0x256: {  	v1 =	vmax.f32 v2, v1  }
0x257: {  	[tilespmem:v59+s30+$0x0] =	vst.idx.msk $0xffff, v1  }
0x258: {  	v1 =	vld.idx.msk [tilespmem:v58+s23+$0x0], $0xffff;
	_ =	sdelay $0x1  }
0x259: {  	v2 =	vld.idx.msk [tilespmem:v59+s31+$0x0], $0xffff;
	_ =	sdelay $0x2  }
0x25a: {  	v1 =	vmul.f32 v1, v8;
	_ =	sdelay $0x1  }
0x25b: {  	v1 =	vmax.f32 v2, v1  }
0x25c: {  	[tilespmem:v59+s31+$0x0] =	vst.idx.msk $0xffff, v1  }
0x25d: {  	v1 =	vld.idx.msk [tilespmem:v58+s24+$0x0], $0xffff;
	_ =	sdelay $0x1  }
0x25e: {  	v2 =	vld.idx.msk [tilespmem:v59+s0+$0x0], $0xffff  }
0x25f: {  	v60 =	vbroadcast v4, $0xD;
	_ =	sdelay $0x1  }
0x260: {  	v1 =	vmul.f32 v1, v8;
	v8 =	vbroadcast v5, $0xD;
	_ =	sdelay $0x1  }
0x261: {  	v1 =	vmax.f32 v2, v1  }
0x262: {  	[tilespmem:v59+s0+$0x0] =	vst.idx.msk $0xffff, v1  }
0x263: {  	v1 =	vld.idx.msk [tilespmem:v60+s4+$0x0], $0xffff;
	_ =	sdelay $0x1  }
0x264: {  	v2 =	vld.idx.msk [tilespmem:v8+s29+$0x0], $0xffff  }
0x265: {  	v61 =	vbroadcast v3, $0xD;
	_ =	sdelay $0x1  }
0x266: {  	v1 =	vmul.f32 v1, v61;
	_ =	sdelay $0x1  }
0x267: {  	v1 =	vmax.f32 v2, v1  }
0x268: {  	[tilespmem:v8+s29+$0x0] =	vst.idx.msk $0xffff, v1  }
0x269: {  	v1 =	vld.idx.msk [tilespmem:v60+s22+$0x0], $0xffff;
	_ =	sdelay $0x1  }
0x26a: {  	v2 =	vld.idx.msk [tilespmem:v8+s30+$0x0], $0xffff;
	_ =	sdelay $0x2  }
0x26b: {  	v1 =	vmul.f32 v1, v61;
	_ =	sdelay $0x1  }
0x26c: {  	v1 =	vmax.f32 v2, v1  }
0x26d: {  	[tilespmem:v8+s30+$0x0] =	vst.idx.msk $0xffff, v1  }
0x26e: {  	v1 =	vld.idx.msk [tilespmem:v60+s23+$0x0], $0xffff;
	_ =	sdelay $0x1  }
0x26f: {  	v2 =	vld.idx.msk [tilespmem:v8+s31+$0x0], $0xffff;
	_ =	sdelay $0x2  }
0x270: {  	v1 =	vmul.f32 v1, v61;
	_ =	sdelay $0x1  }
0x271: {  	v1 =	vmax.f32 v2, v1  }
0x272: {  	[tilespmem:v8+s31+$0x0] =	vst.idx.msk $0xffff, v1  }
0x273: {  	v1 =	vld.idx.msk [tilespmem:v60+s24+$0x0], $0xffff;
	_ =	sdelay $0x1  }
0x274: {  	v2 =	vld.idx.msk [tilespmem:v8+s0+$0x0], $0xffff  }
0x275: {  	v62 =	vbroadcast v4, $0xE;
	_ =	sdelay $0x1  }
0x276: {  	v63 =	vbroadcast v5, $0xE;
	v1 =	vmul.f32 v1, v61;
	_ =	sdelay $0x1  }
0x277: {  	v1 =	vmax.f32 v2, v1  }
0x278: {  	[tilespmem:v8+s0+$0x0] =	vst.idx.msk $0xffff, v1  }
0x279: {  	v1 =	vld.idx.msk [tilespmem:v62+s4+$0x0], $0xffff;
	_ =	sdelay $0x1  }
0x27a: {  	v2 =	vld.idx.msk [tilespmem:v63+s29+$0x0], $0xffff  }
0x27b: {  	v8 =	vbroadcast v3, $0xE;
	_ =	sdelay $0x1  }
0x27c: {  	v1 =	vmul.f32 v1, v8;
	_ =	sdelay $0x1  }
0x27d: {  	v1 =	vmax.f32 v2, v1  }
0x27e: {  	[tilespmem:v63+s29+$0x0] =	vst.idx.msk $0xffff, v1  }
0x27f: {  	v1 =	vld.idx.msk [tilespmem:v62+s22+$0x0], $0xffff;
	_ =	sdelay $0x1  }
0x280: {  	v2 =	vld.idx.msk [tilespmem:v63+s30+$0x0], $0xffff;
	_ =	sdelay $0x2  }
0x281: {  	v1 =	vmul.f32 v1, v8;
	_ =	sdelay $0x1  }
0x282: {  	v1 =	vmax.f32 v2, v1  }
0x283: {  	[tilespmem:v63+s30+$0x0] =	vst.idx.msk $0xffff, v1  }
0x284: {  	v1 =	vld.idx.msk [tilespmem:v62+s23+$0x0], $0xffff;
	_ =	sdelay $0x1  }
0x285: {  	v2 =	vld.idx.msk [tilespmem:v63+s31+$0x0], $0xffff;
	_ =	sdelay $0x2  }
0x286: {  	v1 =	vmul.f32 v1, v8;
	_ =	sdelay $0x1  }
0x287: {  	v1 =	vmax.f32 v2, v1  }
0x288: {  	[tilespmem:v63+s31+$0x0] =	vst.idx.msk $0xffff, v1  }
0x289: {  	v1 =	vld.idx.msk [tilespmem:v62+s24+$0x0], $0xffff;
	_ =	sdelay $0x1  }
0x28a: {  	v2 =	vld.idx.msk [tilespmem:v63+s0+$0x0], $0xffff  }
0x28b: {  	v4 =	vbroadcast v4, $0xF;
	_ =	sdelay $0x1  }
0x28c: {  	v5 =	vbroadcast v5, $0xF;
	v1 =	vmul.f32 v1, v8;
	_ =	sdelay $0x1  }
0x28d: {  	v1 =	vmax.f32 v2, v1  }
0x28e: {  	[tilespmem:v63+s0+$0x0] =	vst.idx.msk $0xffff, v1  }
0x28f: {  	v1 =	vld.idx.msk [tilespmem:v4+s4+$0x0], $0xffff;
	_ =	sdelay $0x1  }
0x290: {  	v2 =	vld.idx.msk [tilespmem:v5+s29+$0x0], $0xffff  }
0x291: {  	v3 =	vbroadcast v3, $0xF;
	_ =	sdelay $0x1  }
0x292: {  	v1 =	vmul.f32 v1, v3;
	_ =	sdelay $0x1  }
0x293: {  	v1 =	vmax.f32 v2, v1  }
0x294: {  	[tilespmem:v5+s29+$0x0] =	vst.idx.msk $0xffff, v1  }
0x295: {  	v1 =	vld.idx.msk [tilespmem:v4+s22+$0x0], $0xffff;
	_ =	sdelay $0x1  }
0x296: {  	v2 =	vld.idx.msk [tilespmem:v5+s30+$0x0], $0xffff;
	_ =	sdelay $0x2  }
0x297: {  	v1 =	vmul.f32 v1, v3;
	_ =	sdelay $0x1  }
0x298: {  	v1 =	vmax.f32 v2, v1  }
0x299: {  	[tilespmem:v5+s30+$0x0] =	vst.idx.msk $0xffff, v1  }
0x29a: {  	v1 =	vld.idx.msk [tilespmem:v4+s23+$0x0], $0xffff;
	_ =	sdelay $0x1  }
0x29b: {  	v2 =	vld.idx.msk [tilespmem:v5+s31+$0x0], $0xffff;
	_ =	sdelay $0x2  }
0x29c: {  	v1 =	vmul.f32 v1, v3;
	_ =	sdelay $0x1  }
0x29d: {  	v1 =	vmax.f32 v2, v1  }
0x29e: {  	[tilespmem:v5+s31+$0x0] =	vst.idx.msk $0xffff, v1  }
0x29f: {  	v1 =	vld.idx.msk [tilespmem:v4+s24+$0x0], $0xffff;
	_ =	sdelay $0x1  }
0x2a0: {  	v2 =	vld.idx.msk [tilespmem:v5+s0+$0x0], $0xffff  }
0x2a1: {  	p1 =	sne.s32 s13, $0x1C0  }
.Ltmp7:
0x2a2: {  	_ = 	snop;
	(pc) =	sbr.rel @p1 .LBB2_8-.Ltmp7, $3  }
0x2a3: {  	v1 =	vmul.f32 v1, v3;
	_ =	sdelay $0x1  }
0x2a4: {  	v1 =	vmax.f32 v2, v1  }
0x2a5: {  	s13 =	sadd.s32 $0x40, s13;
	[tilespmem:v5+s0+$0x0] =	vst.idx.msk $0xffff, v1  }
.Ltmp8:
0x2a6: {  	_ = 	snop;
	(pc) =	sbr.rel .LBB2_9-.Ltmp8, $1  }
0x2a7: {  	_ =	sdelay $0x3  }
.LBB2_11:
0x2a8: {  	s5 =	simm.s32 $0x0  }
0x2a9: {  	v5 =	vld [tilespmem:s5+$0x9E00]  }
0x2aa: {  	v4 =	vld [tilespmem:s5+$0xC580]  }
0x2ab: {  	s7 =	simm.s32 $0x40;
	v3 =	vld [tilespmem:s5+$0xED00]  }
.LBB2_12:
0x2ac: {  	p1 =	sne.s32 s7, $0x9C00;
	v1 =	vld [tilespmem:s5+$0x11480];
	_ =	sdelay $0x1  }
0x2ad: {  	vm0 =	veq.f32 v5, $-Inf  }
.Ltmp9:
0x2ae: {  	v2 =	vsel vm0, $0x0, v5;
	vm0 =	veq.f32 v4, $-Inf;
	(pc) =	sbr.rel @p1 .LBB2_12-.Ltmp9, $4  }
0x2af: {  	s8 =	sshra.s32 s7, $0x2;
	[tilespmem:s5+$0x9E00] =	vst v2;
	v2 =	vsel vm0, $0x0, v4;
	vm0 =	veq.f32 v3, $-Inf  }
0x2b0: {  	v5 =	vld [tilespmem:s8+$0x9E00];
	[tilespmem:s5+$0xC580] =	vst v2;
	v2 =	vsel vm0, $0x0, v3;
	vm0 =	veq.f32 v1, $-Inf  }
0x2b1: {  	v4 =	vld [tilespmem:s8+$0xC580];
	[tilespmem:s5+$0xED00] =	vst v2;
	v1 =	vsel vm0, $0x0, v1  }
0x2b2: {  	s7 =	sadd.s32 $0x40, s7;
	v3 =	vld [tilespmem:s8+$0xED00];
	[tilespmem:s5+$0x11480] =	vst v1;
	s5 =	smov.u32 s8  }
0x2b3: {  	v1 =	vld [tilespmem:s5+$0x11480];
	_ =	sdelay $0x1  }
0x2b4: {  	vm0 =	veq.f32 v5, $-Inf  }
0x2b5: {  	v2 =	vsel vm0, $0x0, v5;
	vm13 =	veq.f32 v4, $-Inf  }
0x2b6: {  	[tilespmem:s5+$0x9E00] =	vst v2;
	v2 =	vsel vm13, $0x0, v4;
	vm14 =	veq.f32 v3, $-Inf  }
0x2b7: {  	[tilespmem:s5+$0xC580] =	vst v2;
	v2 =	vsel vm14, $0x0, v3;
	vm15 =	veq.f32 v1, $-Inf  }
0x2b8: {  	[tilespmem:s5+$0xED00] =	vst v2;
	v1 =	vsel vm15, $0x0, v1  }
0x2b9: {  	s12 =	rddreg [dreg:$0xa];
	[tilespmem:s5+$0x11480] =	vst v1  }
0x2ba: {  	[hbm4b:s12+s19] =	stream.strided.scatter [tilespmem:s29], [sflag:$0x1], $0x2780, s20, s19, $0x38;
	[tilespmem:$0x1F7C0] =	vst v63  }
0x2bb: {  	_ =	swait.ge [sflag:s21], $0x2780  }
0x2bc: {  	[sflag:s21] =	ssyncset.done $0x0  }
0x2bd: {  	s13 =	rddreg [dreg:$0xb];
	[sflag:s21] =	ssyncadd.s32 $0xFFFFD880  }
0x2be: {  	[hbm4b:s13+s19] =	stream.strided.scatter [tilespmem:s30], [sflag:$0x1], $0x2780, s20, s19, $0x38;
	[tilespmem:$0x1F7C0] =	vst v63  }
0x2bf: {  	_ =	swait.ge [sflag:s21], $0x2780  }
0x2c0: {  	[sflag:s21] =	ssyncset.done $0x0  }
0x2c1: {  	s14 =	rddreg [dreg:$0xc];
	[sflag:s21] =	ssyncadd.s32 $0xFFFFD880  }
0x2c2: {  	[hbm4b:s14+s19] =	stream.strided.scatter [tilespmem:s31], [sflag:$0x1], $0x2780, s20, s19, $0x38;
	[tilespmem:$0x1F7C0] =	vst v63  }
0x2c3: {  	s1 =	sadd.s32 $0x1, s1;
	_ =	swait.ge [sflag:s21], $0x2780  }
0x2c4: {  	p1 =	sne.s32 s1, s16;
	[sflag:s21] =	ssyncset.done $0x0  }
.Ltmp10:
0x2c5: {  	s15 =	rddreg [dreg:$0xd];
	[sflag:s21] =	ssyncadd.s32 $0xFFFFD880;
	(pc) =	sbr.rel @p1 .LBB2_1-.Ltmp10, $4  }
0x2c6: {  	[hbm4b:s15+s19] =	stream.strided.scatter [tilespmem:s0], [sflag:$0x1], $0x2780, s20, s19, $0x38;
	[tilespmem:$0x1F7C0] =	vst v63  }
0x2c7: {  	_ =	swait.ge [sflag:s21], $0x2780  }
0x2c8: {  	[sflag:s21] =	ssyncset.done $0x0  }
0x2c9: {  	[sflag:s21] =	ssyncadd.s32 $0xFFFFD880  }
0x2ca: {  	_ =	sfence.sel $0x180000  }
0x2cb: {  	[bflag:$0x0] =	sbarrier.arrive $0xFFFF  }
0x2cc: {  	_ =	strace $0x90000047  }
0x2cd: {  	[bflag:$0x2] =	sbarrier.arrive $0xFFFF  }
0x2ce: {  	s0 =	rddreg [dreg:$0x4]  }
0x2cf: {  	s0 =	sadd.s32 @!p0 $0x100000, s0  }
0x2d0: {  	[sflag:s0] =	ssyncadd.tile.s32 @!p0 $0x1;
	_ =	shalt  }
.Lfunc_end2:
_tile_overlayer_lowered:
.L_overlay_start_2:
0x2d1: {  	(tag) =	ssettag $0x2  }
0x2d2: {  	s0 =	rddreg [dreg:$0x0];
	s2 =	stileid.u32  }
0x2d3: {  	s1 =	rddreg [dreg:$0x1];
	p0 =	sne.s32 s2, $0x0  }
0x2d4: {  	s3 =	rddreg [dreg:$0x2];
	[bflag:$0x3] =	sbarrier.arrive $0xFFFF;
	s2 =	simm.s32 @!p0 $0x1C01  }
0x2d5: {  	[timem:s3], [sflag:s2] =	dma.local @!p0 [hbm:s0], s1  }
0x2d6: {  	s0 =	simm.s32 @!p0 $0x1  }
0x2d7: {  	_ =	swait.ge @!p0 [sflag:s0], s1  }
0x2d8: {  	s1 =	ssub.s32 @!p0 $0x0, s1;
	[sflag:s0] =	ssyncset.done @!p0 $0x0  }
0x2d9: {  	[sflag:s0] =	ssyncadd.s32 @!p0 s1  }
0x2da: {  	[bflag:$0x3] =	sbarrier.arrive $0xFFFF  }
0x2db: {  	_ =	shalt  }

</sc_bundles>
